<compile_context>
chip_gen: v7x
topology: tpu7x:2x2x1
jax: 0.10.2.dev20260603
libtpu: 0.0.44.dev20260713+nightly
codegen_flags: <defaults>
</compile_context>

<pallas_src>
import functools

import jax
import jax.numpy as jnp
from jax import lax
from jax.experimental import pallas as pl
from jax.experimental.pallas import tpu as pltpu
from jax.experimental.pallas import tpu_sc as plsc

_DIM = 32
_HEADS = 8
_ROW = _HEADS * _DIM * _DIM

_NC = 2
_NS = 16
_NW = _NC * _NS

_CHUNK = 4

_SBLK = 2048
_ECHB = 8


def _sc_body(n_chunks, maps_hbm, idx_hbm, out_hbm, idx_v, buf_a, buf_b,
             gsem_a, gsem_b, osem_a, osem_b):
    wid = lax.axis_index("s") * _NC + lax.axis_index("c")
    base = wid * (n_chunks * _CHUNK)

    pltpu.sync_copy(idx_hbm.at[wid], idx_v)

    def pair(p, carry):
        j0 = 2 * p
        j1 = j0 + 1
        g0 = pltpu.async_copy(maps_hbm.at[idx_v.at[j0]], buf_a, gsem_a)
        g1 = pltpu.async_copy(maps_hbm.at[idx_v.at[j1]], buf_b, gsem_b)
        g0.wait()
        o0 = pltpu.async_copy(
            buf_a, out_hbm.at[pl.ds(base + j0 * _CHUNK, _CHUNK)], osem_a)
        g1.wait()
        o1 = pltpu.async_copy(
            buf_b, out_hbm.at[pl.ds(base + j1 * _CHUNK, _CHUNK)], osem_b)
        o0.wait()
        o1.wait()
        return carry

    lax.fori_loop(0, n_chunks // 2, pair, 0)


def _sc_gather(table, idx, tokens):
    mesh = plsc.VectorSubcoreMesh(core_axis_name="c", subcore_axis_name="s")
    n_chunks = idx.shape[1]
    run = pl.kernel(
        functools.partial(_sc_body, n_chunks),
        mesh=mesh,
        out_type=jax.ShapeDtypeStruct((tokens, _ROW // 128, 128),
                                      jnp.float32),
        scratch_types=[
            pltpu.VMEM((n_chunks, _CHUNK), jnp.int32),
            pltpu.VMEM((_CHUNK, _ROW // 128, 128), jnp.float32),
            pltpu.VMEM((_CHUNK, _ROW // 128, 128), jnp.float32),
            pltpu.SemaphoreType.DMA,
            pltpu.SemaphoreType.DMA,
            pltpu.SemaphoreType.DMA,
            pltpu.SemaphoreType.DMA,
        ],
    )
    return run(table, idx)


def _transpose_in_body(in_ref, out_ref):
    for eb in range(_ECHB):
        out_ref[:, eb, :] = jnp.swapaxes(in_ref[eb], 0, 1)


def _tc_transpose_in(m4):
    ecs, lanes, npos = m4.shape
    grid = (npos // _SBLK, ecs // _ECHB)
    return pl.pallas_call(
        _transpose_in_body,
        grid=grid,
        in_specs=[pl.BlockSpec((_ECHB, lanes, _SBLK),
                               lambda i, j: (j, 0, i))],
        out_specs=pl.BlockSpec((_SBLK, _ECHB, lanes),
                               lambda i, j: (i, j, 0)),
        out_shape=jax.ShapeDtypeStruct((npos, ecs, lanes), jnp.float32),
    )(m4)


def _transpose_body(in_ref, out_ref):
    for ec in range(_ECHB):
        out_ref[0, ec] = jnp.swapaxes(in_ref[0, :, ec, :], 0, 1)


def _transpose_part_body(in_ref, *rest):
    out_ref = rest[-1]
    for ec in range(_ECHB):
        out_ref[0, ec] = jnp.swapaxes(in_ref[0, :, ec, :], 0, 1)


def _tc_transpose_part(part, b, buf, out_shape):
    one, seq, ecs, lanes = part.shape
    grid = (seq // _SBLK, ecs // _ECHB)
    in_specs = [
        pl.BlockSpec((1, _SBLK, _ECHB, lanes), lambda i, j: (0, i, j, 0)),
    ]
    kwargs = {}
    operands = (part,)
    if buf is not None:
        in_specs.append(pl.BlockSpec(memory_space=pl.ANY))
        operands = (part, buf)
        kwargs["input_output_aliases"] = {1: 0}
    return pl.pallas_call(
        _transpose_part_body,
        grid=grid,
        in_specs=in_specs,
        out_specs=pl.BlockSpec((1, _ECHB, lanes, _SBLK),
                               lambda i, j: (b, j, 0, i)),
        out_shape=out_shape,
        **kwargs,
    )(*operands)


def _tc_transpose(x):
    batch, seq, ecs, lanes = x.shape
    grid = (batch, seq // _SBLK, ecs // _ECHB)
    return pl.pallas_call(
        _transpose_body,
        grid=grid,
        in_specs=[pl.BlockSpec((1, _SBLK, _ECHB, lanes),
                               lambda b, i, j: (b, i, j, 0))],
        out_specs=pl.BlockSpec((1, _ECHB, lanes, _SBLK),
                               lambda b, i, j: (b, j, 0, i)),
        out_shape=jax.ShapeDtypeStruct((batch, ecs, lanes, seq),
                                       jnp.float32),
    )(x)


@jax.jit
def kernel(mapping, maps):
    batch, seq = mapping.shape
    tokens = batch * seq
    tokens_per_worker = tokens // _NW
    n_chunks = tokens_per_worker // _CHUNK

    m4 = jnp.transpose(maps, (1, 2, 3, 0)).reshape(_ROW // 128, 128,
                                                   maps.shape[0])
    table = _tc_transpose_in(m4)

    out_shape = jax.ShapeDtypeStruct((batch, _ROW // 128, 128, seq),
                                     jnp.float32)
    buf = None
    for b in range(batch):
        idx_b = mapping[b].reshape(_NW, seq // _NW // _CHUNK, _CHUNK)
        g = _sc_gather(table, idx_b, seq)
        g = g.reshape(1, seq, _ROW // 128, 128)
        buf = _tc_transpose_part(g, b, buf, out_shape)
    out = buf.reshape(batch, _HEADS, _DIM, _DIM, seq)
    return jnp.transpose(out, (0, 4, 1, 2, 3))

# --- scband reference (transcript-rebuilt; emitter-appended) ---
"""Pipeline reference for scband-unitary-branching-42279658062080 (READ-ONLY COPY).

The authoritative reference and input builder live on the scoring server;
editing this copy changes nothing except your own understanding.
"""

import jax, jax.numpy as jnp
import numpy as np

DIM = 32
NUM_HEADS = 8
NUM_POSITIONS = 2048
BATCH = 4
SEQ = 2048


def setup_inputs(seed: int = 0) -> dict:
    key = jax.random.key(seed)
    k1, k2 = jax.random.split(key)
    # mapping: position ids per token (forward arg)
    mapping = jax.random.randint(k1, (BATCH, SEQ), 0, NUM_POSITIONS, dtype=jnp.int32)
    # maps: the precomputed buffer self.maps of shape [num_positions, num_heads, dim, dim].
    # In the torch module it is produced by precompute() from orthogonalized primitives;
    # here we materialize it directly as a learned/precomputed table.
    maps = jax.random.normal(k2, (NUM_POSITIONS, NUM_HEADS, DIM, DIM), dtype=jnp.float32)
    return {"mapping": mapping, "maps": maps}


def reference(mapping, maps):
    # forward: indices = ravel(mapping); index_select(maps, 0, indices); view back
    indices = jnp.ravel(mapping)
    selected = jnp.take(maps, indices, axis=0)
    return selected.reshape(mapping.shape[0], mapping.shape[1], NUM_HEADS, DIM, DIM)

if __name__ == "__main__":
    import jax
    _d = setup_inputs()
    print(jax.jit(kernel)(*tuple(_d.values())))

</pallas_src>

<mosaic_0001>
#map = affine_map<(d0, d1) -> (0, 0, 0)>
module attributes {stable_mosaic.version = 14 : i64} {
  func.func @_sc_body(%arg0: i32, %arg1: i32, %arg2: memref<2048x64x128xf32, #tpu.memory_space<hbm>>, %arg3: memref<32x16x4xi32, #tpu.memory_space<hbm>>, %arg4: memref<2048x64x128xf32, #tpu.memory_space<hbm>>, %arg5: memref<16x4xi32, #tpu.memory_space<vmem>>, %arg6: memref<4x64x128xf32, #tpu.memory_space<vmem>>, %arg7: memref<4x64x128xf32, #tpu.memory_space<vmem>>, %arg8: memref<!tpu.dma_semaphore, #tpu.memory_space<semaphore_mem>>, %arg9: memref<!tpu.dma_semaphore, #tpu.memory_space<semaphore_mem>>, %arg10: memref<!tpu.dma_semaphore, #tpu.memory_space<semaphore_mem>>, %arg11: memref<!tpu.dma_semaphore, #tpu.memory_space<semaphore_mem>>) attributes {dimension_semantics = [#tpu.dimension_semantics<core_parallel>, #tpu.dimension_semantics<subcore_parallel>], iteration_bounds = array<i64: 2, 16>, scalar_prefetch = 0 : i64, scratch_operands = 7 : i64, tpu.core_type = #tpu.core_type<sc_vector_subcore>, window_params = [{transform_indices = #map}, {transform_indices = #map}, {transform_indices = #map}]} {
    %mul3A = arith.constant 2 : i32
    %mul3A_0 = arith.muli %arg1, %mul3A : i32
    %add3A = arith.addi %mul3A_0, %arg0 : i32
    %mul3A_1 = arith.constant 64 : i32
    %mul3A_2 = arith.muli %add3A, %mul3A_1 : i32
    "tpu.region"() ({
      %run_scoped3A = tpu.sem_alloc : memref<!tpu.dma_semaphore, #tpu.memory_space<semaphore_mem>>
      %dma_start3A = arith.constant 0 : i32
      %dma_start3A_8 = arith.constant 0 : i32
      %dma_start3A_9 = tpu.memref_slice %arg3[%add3A, %dma_start3A, %dma_start3A_8] : memref<32x16x4xi32, #tpu.memory_space<hbm>> -> memref<1x16x4xi32, #tpu.memory_space<hbm>>
      %dma_start3A_10 = tpu.memref_squeeze %dma_start3A_9 : memref<1x16x4xi32, #tpu.memory_space<hbm>> -> memref<16x4xi32, #tpu.memory_space<hbm>>
      %dma_start3A_11 = arith.constant 0 : i32
      %dma_start3A_12 = arith.constant 0 : i32
      %dma_start3A_13 = tpu.memref_slice %arg3[%add3A, %dma_start3A_11, %dma_start3A_12] : memref<32x16x4xi32, #tpu.memory_space<hbm>> -> memref<1x16x4xi32, #tpu.memory_space<hbm>>
      %dma_start3A_14 = tpu.memref_squeeze %dma_start3A_13 : memref<1x16x4xi32, #tpu.memory_space<hbm>> -> memref<16x4xi32, #tpu.memory_space<hbm>>
      tpu.enqueue_dma source(%dma_start3A_14 : memref<16x4xi32, #tpu.memory_space<hbm>>) target(%arg5 : memref<16x4xi32, #tpu.memory_space<vmem>>) target_semaphore(%run_scoped3A : memref<!tpu.dma_semaphore, #tpu.memory_space<semaphore_mem>>)
      %dma_wait3A = arith.constant 0 : i32
      %dma_wait3A_15 = arith.constant 0 : i32
      %dma_wait3A_16 = tpu.memref_slice %arg3[%add3A, %dma_wait3A, %dma_wait3A_15] : memref<32x16x4xi32, #tpu.memory_space<hbm>> -> memref<1x16x4xi32, #tpu.memory_space<hbm>>
      %dma_wait3A_17 = tpu.memref_squeeze %dma_wait3A_16 : memref<1x16x4xi32, #tpu.memory_space<hbm>> -> memref<16x4xi32, #tpu.memory_space<hbm>>
      %dma_wait3A_18 = arith.constant 0 : i32
      %dma_wait3A_19 = arith.constant 0 : i32
      %dma_wait3A_20 = tpu.memref_slice %arg3[%add3A, %dma_wait3A_18, %dma_wait3A_19] : memref<32x16x4xi32, #tpu.memory_space<hbm>> -> memref<1x16x4xi32, #tpu.memory_space<hbm>>
      %dma_wait3A_21 = tpu.memref_squeeze %dma_wait3A_20 : memref<1x16x4xi32, #tpu.memory_space<hbm>> -> memref<16x4xi32, #tpu.memory_space<hbm>>
      tpu.wait_dma2 semaphore(%run_scoped3A : memref<!tpu.dma_semaphore, #tpu.memory_space<semaphore_mem>>) src(%dma_wait3A_21 : memref<16x4xi32, #tpu.memory_space<hbm>>) dst(%arg5 : memref<16x4xi32, #tpu.memory_space<vmem>>)
      tpu.yield
    }) : () -> ()
    %scan3A = arith.constant 0 : i32
    %scan3A_3 = arith.constant 0 : i32
    %scan3A_4 = arith.constant 8 : i32
    %scan3A_5 = arith.addi %scan3A_3, %scan3A_4 : i32
    %scan3A_6 = arith.constant 1 : i32
    scf.for %scan3A_8 = %scan3A_3 to %scan3A_5 step %scan3A_6  : i32 {
      %mul3A_9 = arith.constant 2 : i32
      %mul3A_10 = arith.muli %mul3A_9, %scan3A_8 : i32
      %add3A_11 = arith.constant 1 : i32
      %add3A_12 = arith.addi %mul3A_10, %add3A_11 : i32
      %dma_start3A = arith.constant 0 : i32
      %dma_start3A_13 = tpu.memref_slice %arg5[%mul3A_10, %dma_start3A] : memref<16x4xi32, #tpu.memory_space<vmem>> -> memref<1x4xi32, #tpu.memory_space<vmem>>
      %dma_start3A_14 = tpu.memref_squeeze %dma_start3A_13 : memref<1x4xi32, #tpu.memory_space<vmem>> -> memref<4xi32, #tpu.memory_space<vmem>>
      %dma_start3A_15 = arith.constant 0 : i32
      %dma_start3A_16 = arith.constant 0 : i32
      %dma_start3A_17 = arith.constant 0 : i32
      %dma_start3A_18 = tpu.memref_slice %arg2[%dma_start3A_15, %dma_start3A_16, %dma_start3A_17] : memref<2048x64x128xf32, #tpu.memory_space<hbm>> -> memref<2048x64x128xf32, #tpu.memory_space<hbm>>
      tpu.enqueue_indirect_dma source(%dma_start3A_18 : memref<2048x64x128xf32, #tpu.memory_space<hbm>>) target(%arg6 : memref<4x64x128xf32, #tpu.memory_space<vmem>>) offsets(%dma_start3A_14 : memref<4xi32, #tpu.memory_space<vmem>>) semaphore(%arg8 : memref<!tpu.dma_semaphore, #tpu.memory_space<semaphore_mem>>)
      %dma_start3A_19 = arith.constant 0 : i32
      %dma_start3A_20 = tpu.memref_slice %arg5[%add3A_12, %dma_start3A_19] : memref<16x4xi32, #tpu.memory_space<vmem>> -> memref<1x4xi32, #tpu.memory_space<vmem>>
      %dma_start3A_21 = tpu.memref_squeeze %dma_start3A_20 : memref<1x4xi32, #tpu.memory_space<vmem>> -> memref<4xi32, #tpu.memory_space<vmem>>
      %dma_start3A_22 = arith.constant 0 : i32
      %dma_start3A_23 = arith.constant 0 : i32
      %dma_start3A_24 = arith.constant 0 : i32
      %dma_start3A_25 = tpu.memref_slice %arg2[%dma_start3A_22, %dma_start3A_23, %dma_start3A_24] : memref<2048x64x128xf32, #tpu.memory_space<hbm>> -> memref<2048x64x128xf32, #tpu.memory_space<hbm>>
      tpu.enqueue_indirect_dma source(%dma_start3A_25 : memref<2048x64x128xf32, #tpu.memory_space<hbm>>) target(%arg7 : memref<4x64x128xf32, #tpu.memory_space<vmem>>) offsets(%dma_start3A_21 : memref<4xi32, #tpu.memory_space<vmem>>) semaphore(%arg9 : memref<!tpu.dma_semaphore, #tpu.memory_space<semaphore_mem>>)
      %dma_wait3A = arith.constant 0 : i32
      %dma_wait3A_26 = tpu.memref_slice %arg5[%mul3A_10, %dma_wait3A] : memref<16x4xi32, #tpu.memory_space<vmem>> -> memref<1x4xi32, #tpu.memory_space<vmem>>
      %dma_wait3A_27 = tpu.memref_squeeze %dma_wait3A_26 : memref<1x4xi32, #tpu.memory_space<vmem>> -> memref<4xi32, #tpu.memory_space<vmem>>
      %dma_wait3A_28 = arith.constant 0 : i32
      %dma_wait3A_29 = arith.constant 0 : i32
      %dma_wait3A_30 = arith.constant 0 : i32
      %dma_wait3A_31 = tpu.memref_slice %arg2[%dma_wait3A_28, %dma_wait3A_29, %dma_wait3A_30] : memref<2048x64x128xf32, #tpu.memory_space<hbm>> -> memref<2048x64x128xf32, #tpu.memory_space<hbm>>
      tpu.wait_indirect_dma semaphore(%arg8 : memref<!tpu.dma_semaphore, #tpu.memory_space<semaphore_mem>>) src(%dma_wait3A_31 : memref<2048x64x128xf32, #tpu.memory_space<hbm>>) dst(%arg6 : memref<4x64x128xf32, #tpu.memory_space<vmem>>)
      %mul3A_32 = arith.constant 4 : i32
      %mul3A_33 = arith.muli %mul3A_10, %mul3A_32 : i32
      %add3A_34 = arith.addi %mul3A_2, %mul3A_33 : i32
      %dma_start3A_35 = arith.constant 0 : i32
      %dma_start3A_36 = arith.constant 0 : i32
      %dma_start3A_37 = tpu.memref_slice %arg4[%add3A_34, %dma_start3A_35, %dma_start3A_36] : memref<2048x64x128xf32, #tpu.memory_space<hbm>> -> memref<4x64x128xf32, #tpu.memory_space<hbm>>
      %dma_start3A_38 = arith.constant 0 : i32
      %dma_start3A_39 = arith.constant 0 : i32
      %dma_start3A_40 = tpu.memref_slice %arg4[%add3A_34, %dma_start3A_38, %dma_start3A_39] : memref<2048x64x128xf32, #tpu.memory_space<hbm>> -> memref<4x64x128xf32, #tpu.memory_space<hbm>>
      tpu.enqueue_dma source(%arg6 : memref<4x64x128xf32, #tpu.memory_space<vmem>>) target(%dma_start3A_40 : memref<4x64x128xf32, #tpu.memory_space<hbm>>) target_semaphore(%arg10 : memref<!tpu.dma_semaphore, #tpu.memory_space<semaphore_mem>>)
      %dma_wait3A_41 = arith.constant 0 : i32
      %dma_wait3A_42 = tpu.memref_slice %arg5[%add3A_12, %dma_wait3A_41] : memref<16x4xi32, #tpu.memory_space<vmem>> -> memref<1x4xi32, #tpu.memory_space<vmem>>
      %dma_wait3A_43 = tpu.memref_squeeze %dma_wait3A_42 : memref<1x4xi32, #tpu.memory_space<vmem>> -> memref<4xi32, #tpu.memory_space<vmem>>
      %dma_wait3A_44 = arith.constant 0 : i32
      %dma_wait3A_45 = arith.constant 0 : i32
      %dma_wait3A_46 = arith.constant 0 : i32
      %dma_wait3A_47 = tpu.memref_slice %arg2[%dma_wait3A_44, %dma_wait3A_45, %dma_wait3A_46] : memref<2048x64x128xf32, #tpu.memory_space<hbm>> -> memref<2048x64x128xf32, #tpu.memory_space<hbm>>
      tpu.wait_indirect_dma semaphore(%arg9 : memref<!tpu.dma_semaphore, #tpu.memory_space<semaphore_mem>>) src(%dma_wait3A_47 : memref<2048x64x128xf32, #tpu.memory_space<hbm>>) dst(%arg7 : memref<4x64x128xf32, #tpu.memory_space<vmem>>)
      %mul3A_48 = arith.constant 4 : i32
      %mul3A_49 = arith.muli %add3A_12, %mul3A_48 : i32
      %add3A_50 = arith.addi %mul3A_2, %mul3A_49 : i32
      %dma_start3A_51 = arith.constant 0 : i32
      %dma_start3A_52 = arith.constant 0 : i32
      %dma_start3A_53 = tpu.memref_slice %arg4[%add3A_50, %dma_start3A_51, %dma_start3A_52] : memref<2048x64x128xf32, #tpu.memory_space<hbm>> -> memref<4x64x128xf32, #tpu.memory_space<hbm>>
      %dma_start3A_54 = arith.constant 0 : i32
      %dma_start3A_55 = arith.constant 0 : i32
      %dma_start3A_56 = tpu.memref_slice %arg4[%add3A_50, %dma_start3A_54, %dma_start3A_55] : memref<2048x64x128xf32, #tpu.memory_space<hbm>> -> memref<4x64x128xf32, #tpu.memory_space<hbm>>
      tpu.enqueue_dma source(%arg7 : memref<4x64x128xf32, #tpu.memory_space<vmem>>) target(%dma_start3A_56 : memref<4x64x128xf32, #tpu.memory_space<hbm>>) target_semaphore(%arg11 : memref<!tpu.dma_semaphore, #tpu.memory_space<semaphore_mem>>)
      %dma_wait3A_57 = arith.constant 0 : i32
      %dma_wait3A_58 = arith.constant 0 : i32
      %dma_wait3A_59 = tpu.memref_slice %arg4[%add3A_34, %dma_wait3A_57, %dma_wait3A_58] : memref<2048x64x128xf32, #tpu.memory_space<hbm>> -> memref<4x64x128xf32, #tpu.memory_space<hbm>>
      %dma_wait3A_60 = arith.constant 0 : i32
      %dma_wait3A_61 = arith.constant 0 : i32
      %dma_wait3A_62 = tpu.memref_slice %arg4[%add3A_34, %dma_wait3A_60, %dma_wait3A_61] : memref<2048x64x128xf32, #tpu.memory_space<hbm>> -> memref<4x64x128xf32, #tpu.memory_space<hbm>>
      tpu.wait_dma2 semaphore(%arg10 : memref<!tpu.dma_semaphore, #tpu.memory_space<semaphore_mem>>) src(%arg6 : memref<4x64x128xf32, #tpu.memory_space<vmem>>) dst(%dma_wait3A_62 : memref<4x64x128xf32, #tpu.memory_space<hbm>>)
      %dma_wait3A_63 = arith.constant 0 : i32
      %dma_wait3A_64 = arith.constant 0 : i32
      %dma_wait3A_65 = tpu.memref_slice %arg4[%add3A_50, %dma_wait3A_63, %dma_wait3A_64] : memref<2048x64x128xf32, #tpu.memory_space<hbm>> -> memref<4x64x128xf32, #tpu.memory_space<hbm>>
      %dma_wait3A_66 = arith.constant 0 : i32
      %dma_wait3A_67 = arith.constant 0 : i32
      %dma_wait3A_68 = tpu.memref_slice %arg4[%add3A_50, %dma_wait3A_66, %dma_wait3A_67] : memref<2048x64x128xf32, #tpu.memory_space<hbm>> -> memref<4x64x128xf32, #tpu.memory_space<hbm>>
      tpu.wait_dma2 semaphore(%arg11 : memref<!tpu.dma_semaphore, #tpu.memory_space<semaphore_mem>>) src(%arg7 : memref<4x64x128xf32, #tpu.memory_space<vmem>>) dst(%dma_wait3A_68 : memref<4x64x128xf32, #tpu.memory_space<hbm>>)
    }
    %scan3A_7 = arith.constant 8 : i32
    return
  }
}

#map = affine_map<(d0, d1) -> (0, 0, 0)>
module attributes {stable_mosaic.version = 14 : i64} {
  func.func @_sc_body(%arg0: i32, %arg1: i32, %arg2: memref<2048x64x128xf32, #tpu.memory_space<hbm>>, %arg3: memref<32x16x4xi32, #tpu.memory_space<hbm>>, %arg4: memref<2048x64x128xf32, #tpu.memory_space<hbm>>, %arg5: memref<16x4xi32, #tpu.memory_space<vmem>>, %arg6: memref<4x64x128xf32, #tpu.memory_space<vmem>>, %arg7: memref<4x64x128xf32, #tpu.memory_space<vmem>>, %arg8: memref<!tpu.dma_semaphore, #tpu.memory_space<semaphore_mem>>, %arg9: memref<!tpu.dma_semaphore, #tpu.memory_space<semaphore_mem>>, %arg10: memref<!tpu.dma_semaphore, #tpu.memory_space<semaphore_mem>>, %arg11: memref<!tpu.dma_semaphore, #tpu.memory_space<semaphore_mem>>) attributes {dimension_semantics = [#tpu.dimension_semantics<core_parallel>, #tpu.dimension_semantics<subcore_parallel>], iteration_bounds = array<i64: 2, 16>, scalar_prefetch = 0 : i64, scratch_operands = 7 : i64, tpu.core_type = #tpu.core_type<sc_vector_subcore>, window_params = [{transform_indices = #map}, {transform_indices = #map}, {transform_indices = #map}]} {
    %mul3A = arith.constant 2 : i32
    %mul3A_0 = arith.muli %arg1, %mul3A : i32
    %add3A = arith.addi %mul3A_0, %arg0 : i32
    %mul3A_1 = arith.constant 64 : i32
    %mul3A_2 = arith.muli %add3A, %mul3A_1 : i32
    "tpu.region"() ({
      %run_scoped3A = tpu.sem_alloc : memref<!tpu.dma_semaphore, #tpu.memory_space<semaphore_mem>>
      %dma_start3A = arith.constant 0 : i32
      %dma_start3A_8 = arith.constant 0 : i32
      %dma_start3A_9 = tpu.memref_slice %arg3[%add3A, %dma_start3A, %dma_start3A_8] : memref<32x16x4xi32, #tpu.memory_space<hbm>> -> memref<1x16x4xi32, #tpu.memory_space<hbm>>
      %dma_start3A_10 = tpu.memref_squeeze %dma_start3A_9 : memref<1x16x4xi32, #tpu.memory_space<hbm>> -> memref<16x4xi32, #tpu.memory_space<hbm>>
      %dma_start3A_11 = arith.constant 0 : i32
      %dma_start3A_12 = arith.constant 0 : i32
      %dma_start3A_13 = tpu.memref_slice %arg3[%add3A, %dma_start3A_11, %dma_start3A_12] : memref<32x16x4xi32, #tpu.memory_space<hbm>> -> memref<1x16x4xi32, #tpu.memory_space<hbm>>
      %dma_start3A_14 = tpu.memref_squeeze %dma_start3A_13 : memref<1x16x4xi32, #tpu.memory_space<hbm>> -> memref<16x4xi32, #tpu.memory_space<hbm>>
      tpu.enqueue_dma source(%dma_start3A_14 : memref<16x4xi32, #tpu.memory_space<hbm>>) target(%arg5 : memref<16x4xi32, #tpu.memory_space<vmem>>) target_semaphore(%run_scoped3A : memref<!tpu.dma_semaphore, #tpu.memory_space<semaphore_mem>>)
      %dma_wait3A = arith.constant 0 : i32
      %dma_wait3A_15 = arith.constant 0 : i32
      %dma_wait3A_16 = tpu.memref_slice %arg3[%add3A, %dma_wait3A, %dma_wait3A_15] : memref<32x16x4xi32, #tpu.memory_space<hbm>> -> memref<1x16x4xi32, #tpu.memory_space<hbm>>
      %dma_wait3A_17 = tpu.memref_squeeze %dma_wait3A_16 : memref<1x16x4xi32, #tpu.memory_space<hbm>> -> memref<16x4xi32, #tpu.memory_space<hbm>>
      %dma_wait3A_18 = arith.constant 0 : i32
      %dma_wait3A_19 = arith.constant 0 : i32
      %dma_wait3A_20 = tpu.memref_slice %arg3[%add3A, %dma_wait3A_18, %dma_wait3A_19] : memref<32x16x4xi32, #tpu.memory_space<hbm>> -> memref<1x16x4xi32, #tpu.memory_space<hbm>>
      %dma_wait3A_21 = tpu.memref_squeeze %dma_wait3A_20 : memref<1x16x4xi32, #tpu.memory_space<hbm>> -> memref<16x4xi32, #tpu.memory_space<hbm>>
      tpu.wait_dma2 semaphore(%run_scoped3A : memref<!tpu.dma_semaphore, #tpu.memory_space<semaphore_mem>>) src(%dma_wait3A_21 : memref<16x4xi32, #tpu.memory_space<hbm>>) dst(%arg5 : memref<16x4xi32, #tpu.memory_space<vmem>>)
      tpu.yield
    }) : () -> ()
    %scan3A = arith.constant 0 : i32
    %scan3A_3 = arith.constant 0 : i32
    %scan3A_4 = arith.constant 8 : i32
    %scan3A_5 = arith.addi %scan3A_3, %scan3A_4 : i32
    %scan3A_6 = arith.constant 1 : i32
    scf.for %scan3A_8 = %scan3A_3 to %scan3A_5 step %scan3A_6  : i32 {
      %mul3A_9 = arith.constant 2 : i32
      %mul3A_10 = arith.muli %mul3A_9, %scan3A_8 : i32
      %add3A_11 = arith.constant 1 : i32
      %add3A_12 = arith.addi %mul3A_10, %add3A_11 : i32
      %dma_start3A = arith.constant 0 : i32
      %dma_start3A_13 = tpu.memref_slice %arg5[%mul3A_10, %dma_start3A] : memref<16x4xi32, #tpu.memory_space<vmem>> -> memref<1x4xi32, #tpu.memory_space<vmem>>
      %dma_start3A_14 = tpu.memref_squeeze %dma_start3A_13 : memref<1x4xi32, #tpu.memory_space<vmem>> -> memref<4xi32, #tpu.memory_space<vmem>>
      %dma_start3A_15 = arith.constant 0 : i32
      %dma_start3A_16 = arith.constant 0 : i32
      %dma_start3A_17 = arith.constant 0 : i32
      %dma_start3A_18 = tpu.memref_slice %arg2[%dma_start3A_15, %dma_start3A_16, %dma_start3A_17] : memref<2048x64x128xf32, #tpu.memory_space<hbm>> -> memref<2048x64x128xf32, #tpu.memory_space<hbm>>
      tpu.enqueue_indirect_dma source(%dma_start3A_18 : memref<2048x64x128xf32, #tpu.memory_space<hbm>>) target(%arg6 : memref<4x64x128xf32, #tpu.memory_space<vmem>>) offsets(%dma_start3A_14 : memref<4xi32, #tpu.memory_space<vmem>>) semaphore(%arg8 : memref<!tpu.dma_semaphore, #tpu.memory_space<semaphore_mem>>)
      %dma_start3A_19 = arith.constant 0 : i32
      %dma_start3A_20 = tpu.memref_slice %arg5[%add3A_12, %dma_start3A_19] : memref<16x4xi32, #tpu.memory_space<vmem>> -> memref<1x4xi32, #tpu.memory_space<vmem>>
      %dma_start3A_21 = tpu.memref_squeeze %dma_start3A_20 : memref<1x4xi32, #tpu.memory_space<vmem>> -> memref<4xi32, #tpu.memory_space<vmem>>
      %dma_start3A_22 = arith.constant 0 : i32
      %dma_start3A_23 = arith.constant 0 : i32
      %dma_start3A_24 = arith.constant 0 : i32
      %dma_start3A_25 = tpu.memref_slice %arg2[%dma_start3A_22, %dma_start3A_23, %dma_start3A_24] : memref<2048x64x128xf32, #tpu.memory_space<hbm>> -> memref<2048x64x128xf32, #tpu.memory_space<hbm>>
      tpu.enqueue_indirect_dma source(%dma_start3A_25 : memref<2048x64x128xf32, #tpu.memory_space<hbm>>) target(%arg7 : memref<4x64x128xf32, #tpu.memory_space<vmem>>) offsets(%dma_start3A_21 : memref<4xi32, #tpu.memory_space<vmem>>) semaphore(%arg9 : memref<!tpu.dma_semaphore, #tpu.memory_space<semaphore_mem>>)
      %dma_wait3A = arith.constant 0 : i32
      %dma_wait3A_26 = tpu.memref_slice %arg5[%mul3A_10, %dma_wait3A] : memref<16x4xi32, #tpu.memory_space<vmem>> -> memref<1x4xi32, #tpu.memory_space<vmem>>
      %dma_wait3A_27 = tpu.memref_squeeze %dma_wait3A_26 : memref<1x4xi32, #tpu.memory_space<vmem>> -> memref<4xi32, #tpu.memory_space<vmem>>
      %dma_wait3A_28 = arith.constant 0 : i32
      %dma_wait3A_29 = arith.constant 0 : i32
      %dma_wait3A_30 = arith.constant 0 : i32
      %dma_wait3A_31 = tpu.memref_slice %arg2[%dma_wait3A_28, %dma_wait3A_29, %dma_wait3A_30] : memref<2048x64x128xf32, #tpu.memory_space<hbm>> -> memref<2048x64x128xf32, #tpu.memory_space<hbm>>
      tpu.wait_indirect_dma semaphore(%arg8 : memref<!tpu.dma_semaphore, #tpu.memory_space<semaphore_mem>>) src(%dma_wait3A_31 : memref<2048x64x128xf32, #tpu.memory_space<hbm>>) dst(%arg6 : memref<4x64x128xf32, #tpu.memory_space<vmem>>)
      %mul3A_32 = arith.constant 4 : i32
      %mul3A_33 = arith.muli %mul3A_10, %mul3A_32 : i32
      %add3A_34 = arith.addi %mul3A_2, %mul3A_33 : i32
      %dma_start3A_35 = arith.constant 0 : i32
      %dma_start3A_36 = arith.constant 0 : i32
      %dma_start3A_37 = tpu.memref_slice %arg4[%add3A_34, %dma_start3A_35, %dma_start3A_36] : memref<2048x64x128xf32, #tpu.memory_space<hbm>> -> memref<4x64x128xf32, #tpu.memory_space<hbm>>
      %dma_start3A_38 = arith.constant 0 : i32
      %dma_start3A_39 = arith.constant 0 : i32
      %dma_start3A_40 = tpu.memref_slice %arg4[%add3A_34, %dma_start3A_38, %dma_start3A_39] : memref<2048x64x128xf32, #tpu.memory_space<hbm>> -> memref<4x64x128xf32, #tpu.memory_space<hbm>>
      tpu.enqueue_dma source(%arg6 : memref<4x64x128xf32, #tpu.memory_space<vmem>>) target(%dma_start3A_40 : memref<4x64x128xf32, #tpu.memory_space<hbm>>) target_semaphore(%arg10 : memref<!tpu.dma_semaphore, #tpu.memory_space<semaphore_mem>>)
      %dma_wait3A_41 = arith.constant 0 : i32
      %dma_wait3A_42 = tpu.memref_slice %arg5[%add3A_12, %dma_wait3A_41] : memref<16x4xi32, #tpu.memory_space<vmem>> -> memref<1x4xi32, #tpu.memory_space<vmem>>
      %dma_wait3A_43 = tpu.memref_squeeze %dma_wait3A_42 : memref<1x4xi32, #tpu.memory_space<vmem>> -> memref<4xi32, #tpu.memory_space<vmem>>
      %dma_wait3A_44 = arith.constant 0 : i32
      %dma_wait3A_45 = arith.constant 0 : i32
      %dma_wait3A_46 = arith.constant 0 : i32
      %dma_wait3A_47 = tpu.memref_slice %arg2[%dma_wait3A_44, %dma_wait3A_45, %dma_wait3A_46] : memref<2048x64x128xf32, #tpu.memory_space<hbm>> -> memref<2048x64x128xf32, #tpu.memory_space<hbm>>
      tpu.wait_indirect_dma semaphore(%arg9 : memref<!tpu.dma_semaphore, #tpu.memory_space<semaphore_mem>>) src(%dma_wait3A_47 : memref<2048x64x128xf32, #tpu.memory_space<hbm>>) dst(%arg7 : memref<4x64x128xf32, #tpu.memory_space<vmem>>)
      %mul3A_48 = arith.constant 4 : i32
      %mul3A_49 = arith.muli %add3A_12, %mul3A_48 : i32
      %add3A_50 = arith.addi %mul3A_2, %mul3A_49 : i32
      %dma_start3A_51 = arith.constant 0 : i32
      %dma_start3A_52 = arith.constant 0 : i32
      %dma_start3A_53 = tpu.memref_slice %arg4[%add3A_50, %dma_start3A_51, %dma_start3A_52] : memref<2048x64x128xf32, #tpu.memory_space<hbm>> -> memref<4x64x128xf32, #tpu.memory_space<hbm>>
      %dma_start3A_54 = arith.constant 0 : i32
      %dma_start3A_55 = arith.constant 0 : i32
      %dma_start3A_56 = tpu.memref_slice %arg4[%add3A_50, %dma_start3A_54, %dma_start3A_55] : memref<2048x64x128xf32, #tpu.memory_space<hbm>> -> memref<4x64x128xf32, #tpu.memory_space<hbm>>
      tpu.enqueue_dma source(%arg7 : memref<4x64x128xf32, #tpu.memory_space<vmem>>) target(%dma_start3A_56 : memref<4x64x128xf32, #tpu.memory_space<hbm>>) target_semaphore(%arg11 : memref<!tpu.dma_semaphore, #tpu.memory_space<semaphore_mem>>)
      %dma_wait3A_57 = arith.constant 0 : i32
      %dma_wait3A_58 = arith.constant 0 : i32
      %dma_wait3A_59 = tpu.memref_slice %arg4[%add3A_34, %dma_wait3A_57, %dma_wait3A_58] : memref<2048x64x128xf32, #tpu.memory_space<hbm>> -> memref<4x64x128xf32, #tpu.memory_space<hbm>>
      %dma_wait3A_60 = arith.constant 0 : i32
      %dma_wait3A_61 = arith.constant 0 : i32
      %dma_wait3A_62 = tpu.memref_slice %arg4[%add3A_34, %dma_wait3A_60, %dma_wait3A_61] : memref<2048x64x128xf32, #tpu.memory_space<hbm>> -> memref<4x64x128xf32, #tpu.memory_space<hbm>>
      tpu.wait_dma2 semaphore(%arg10 : memref<!tpu.dma_semaphore, #tpu.memory_space<semaphore_mem>>) src(%arg6 : memref<4x64x128xf32, #tpu.memory_space<vmem>>) dst(%dma_wait3A_62 : memref<4x64x128xf32, #tpu.memory_space<hbm>>)
      %dma_wait3A_63 = arith.constant 0 : i32
      %dma_wait3A_64 = arith.constant 0 : i32
      %dma_wait3A_65 = tpu.memref_slice %arg4[%add3A_50, %dma_wait3A_63, %dma_wait3A_64] : memref<2048x64x128xf32, #tpu.memory_space<hbm>> -> memref<4x64x128xf32, #tpu.memory_space<hbm>>
      %dma_wait3A_66 = arith.constant 0 : i32
      %dma_wait3A_67 = arith.constant 0 : i32
      %dma_wait3A_68 = tpu.memref_slice %arg4[%add3A_50, %dma_wait3A_66, %dma_wait3A_67] : memref<2048x64x128xf32, #tpu.memory_space<hbm>> -> memref<4x64x128xf32, #tpu.memory_space<hbm>>
      tpu.wait_dma2 semaphore(%arg11 : memref<!tpu.dma_semaphore, #tpu.memory_space<semaphore_mem>>) src(%arg7 : memref<4x64x128xf32, #tpu.memory_space<vmem>>) dst(%dma_wait3A_68 : memref<4x64x128xf32, #tpu.memory_space<hbm>>)
    }
    %scan3A_7 = arith.constant 8 : i32
    return
  }
}

#map = affine_map<(d0, d1) -> (0, 0, 0)>
module attributes {stable_mosaic.version = 14 : i64} {
  func.func @_sc_body(%arg0: i32, %arg1: i32, %arg2: memref<2048x64x128xf32, #tpu.memory_space<hbm>>, %arg3: memref<32x16x4xi32, #tpu.memory_space<hbm>>, %arg4: memref<2048x64x128xf32, #tpu.memory_space<hbm>>, %arg5: memref<16x4xi32, #tpu.memory_space<vmem>>, %arg6: memref<4x64x128xf32, #tpu.memory_space<vmem>>, %arg7: memref<4x64x128xf32, #tpu.memory_space<vmem>>, %arg8: memref<!tpu.dma_semaphore, #tpu.memory_space<semaphore_mem>>, %arg9: memref<!tpu.dma_semaphore, #tpu.memory_space<semaphore_mem>>, %arg10: memref<!tpu.dma_semaphore, #tpu.memory_space<semaphore_mem>>, %arg11: memref<!tpu.dma_semaphore, #tpu.memory_space<semaphore_mem>>) attributes {dimension_semantics = [#tpu.dimension_semantics<core_parallel>, #tpu.dimension_semantics<subcore_parallel>], iteration_bounds = array<i64: 2, 16>, scalar_prefetch = 0 : i64, scratch_operands = 7 : i64, tpu.core_type = #tpu.core_type<sc_vector_subcore>, window_params = [{transform_indices = #map}, {transform_indices = #map}, {transform_indices = #map}]} {
    %mul3A = arith.constant 2 : i32
    %mul3A_0 = arith.muli %arg1, %mul3A : i32
    %add3A = arith.addi %mul3A_0, %arg0 : i32
    %mul3A_1 = arith.constant 64 : i32
    %mul3A_2 = arith.muli %add3A, %mul3A_1 : i32
    "tpu.region"() ({
      %run_scoped3A = tpu.sem_alloc : memref<!tpu.dma_semaphore, #tpu.memory_space<semaphore_mem>>
      %dma_start3A = arith.constant 0 : i32
      %dma_start3A_8 = arith.constant 0 : i32
      %dma_start3A_9 = tpu.memref_slice %arg3[%add3A, %dma_start3A, %dma_start3A_8] : memref<32x16x4xi32, #tpu.memory_space<hbm>> -> memref<1x16x4xi32, #tpu.memory_space<hbm>>
      %dma_start3A_10 = tpu.memref_squeeze %dma_start3A_9 : memref<1x16x4xi32, #tpu.memory_space<hbm>> -> memref<16x4xi32, #tpu.memory_space<hbm>>
      %dma_start3A_11 = arith.constant 0 : i32
      %dma_start3A_12 = arith.constant 0 : i32
      %dma_start3A_13 = tpu.memref_slice %arg3[%add3A, %dma_start3A_11, %dma_start3A_12] : memref<32x16x4xi32, #tpu.memory_space<hbm>> -> memref<1x16x4xi32, #tpu.memory_space<hbm>>
      %dma_start3A_14 = tpu.memref_squeeze %dma_start3A_13 : memref<1x16x4xi32, #tpu.memory_space<hbm>> -> memref<16x4xi32, #tpu.memory_space<hbm>>
      tpu.enqueue_dma source(%dma_start3A_14 : memref<16x4xi32, #tpu.memory_space<hbm>>) target(%arg5 : memref<16x4xi32, #tpu.memory_space<vmem>>) target_semaphore(%run_scoped3A : memref<!tpu.dma_semaphore, #tpu.memory_space<semaphore_mem>>)
      %dma_wait3A = arith.constant 0 : i32
      %dma_wait3A_15 = arith.constant 0 : i32
      %dma_wait3A_16 = tpu.memref_slice %arg3[%add3A, %dma_wait3A, %dma_wait3A_15] : memref<32x16x4xi32, #tpu.memory_space<hbm>> -> memref<1x16x4xi32, #tpu.memory_space<hbm>>
      %dma_wait3A_17 = tpu.memref_squeeze %dma_wait3A_16 : memref<1x16x4xi32, #tpu.memory_space<hbm>> -> memref<16x4xi32, #tpu.memory_space<hbm>>
      %dma_wait3A_18 = arith.constant 0 : i32
      %dma_wait3A_19 = arith.constant 0 : i32
      %dma_wait3A_20 = tpu.memref_slice %arg3[%add3A, %dma_wait3A_18, %dma_wait3A_19] : memref<32x16x4xi32, #tpu.memory_space<hbm>> -> memref<1x16x4xi32, #tpu.memory_space<hbm>>
      %dma_wait3A_21 = tpu.memref_squeeze %dma_wait3A_20 : memref<1x16x4xi32, #tpu.memory_space<hbm>> -> memref<16x4xi32, #tpu.memory_space<hbm>>
      tpu.wait_dma2 semaphore(%run_scoped3A : memref<!tpu.dma_semaphore, #tpu.memory_space<semaphore_mem>>) src(%dma_wait3A_21 : memref<16x4xi32, #tpu.memory_space<hbm>>) dst(%arg5 : memref<16x4xi32, #tpu.memory_space<vmem>>)
      tpu.yield
    }) : () -> ()
    %scan3A = arith.constant 0 : i32
    %scan3A_3 = arith.constant 0 : i32
    %scan3A_4 = arith.constant 8 : i32
    %scan3A_5 = arith.addi %scan3A_3, %scan3A_4 : i32
    %scan3A_6 = arith.constant 1 : i32
    scf.for %scan3A_8 = %scan3A_3 to %scan3A_5 step %scan3A_6  : i32 {
      %mul3A_9 = arith.constant 2 : i32
      %mul3A_10 = arith.muli %mul3A_9, %scan3A_8 : i32
      %add3A_11 = arith.constant 1 : i32
      %add3A_12 = arith.addi %mul3A_10, %add3A_11 : i32
      %dma_start3A = arith.constant 0 : i32
      %dma_start3A_13 = tpu.memref_slice %arg5[%mul3A_10, %dma_start3A] : memref<16x4xi32, #tpu.memory_space<vmem>> -> memref<1x4xi32, #tpu.memory_space<vmem>>
      %dma_start3A_14 = tpu.memref_squeeze %dma_start3A_13 : memref<1x4xi32, #tpu.memory_space<vmem>> -> memref<4xi32, #tpu.memory_space<vmem>>
      %dma_start3A_15 = arith.constant 0 : i32
      %dma_start3A_16 = arith.constant 0 : i32
      %dma_start3A_17 = arith.constant 0 : i32
      %dma_start3A_18 = tpu.memref_slice %arg2[%dma_start3A_15, %dma_start3A_16, %dma_start3A_17] : memref<2048x64x128xf32, #tpu.memory_space<hbm>> -> memref<2048x64x128xf32, #tpu.memory_space<hbm>>
      tpu.enqueue_indirect_dma source(%dma_start3A_18 : memref<2048x64x128xf32, #tpu.memory_space<hbm>>) target(%arg6 : memref<4x64x128xf32, #tpu.memory_space<vmem>>) offsets(%dma_start3A_14 : memref<4xi32, #tpu.memory_space<vmem>>) semaphore(%arg8 : memref<!tpu.dma_semaphore, #tpu.memory_space<semaphore_mem>>)
      %dma_start3A_19 = arith.constant 0 : i32
      %dma_start3A_20 = tpu.memref_slice %arg5[%add3A_12, %dma_start3A_19] : memref<16x4xi32, #tpu.memory_space<vmem>> -> memref<1x4xi32, #tpu.memory_space<vmem>>
      %dma_start3A_21 = tpu.memref_squeeze %dma_start3A_20 : memref<1x4xi32, #tpu.memory_space<vmem>> -> memref<4xi32, #tpu.memory_space<vmem>>
      %dma_start3A_22 = arith.constant 0 : i32
      %dma_start3A_23 = arith.constant 0 : i32
      %dma_start3A_24 = arith.constant 0 : i32
      %dma_start3A_25 = tpu.memref_slice %arg2[%dma_start3A_22, %dma_start3A_23, %dma_start3A_24] : memref<2048x64x128xf32, #tpu.memory_space<hbm>> -> memref<2048x64x128xf32, #tpu.memory_space<hbm>>
      tpu.enqueue_indirect_dma source(%dma_start3A_25 : memref<2048x64x128xf32, #tpu.memory_space<hbm>>) target(%arg7 : memref<4x64x128xf32, #tpu.memory_space<vmem>>) offsets(%dma_start3A_21 : memref<4xi32, #tpu.memory_space<vmem>>) semaphore(%arg9 : memref<!tpu.dma_semaphore, #tpu.memory_space<semaphore_mem>>)
      %dma_wait3A = arith.constant 0 : i32
      %dma_wait3A_26 = tpu.memref_slice %arg5[%mul3A_10, %dma_wait3A] : memref<16x4xi32, #tpu.memory_space<vmem>> -> memref<1x4xi32, #tpu.memory_space<vmem>>
      %dma_wait3A_27 = tpu.memref_squeeze %dma_wait3A_26 : memref<1x4xi32, #tpu.memory_space<vmem>> -> memref<4xi32, #tpu.memory_space<vmem>>
      %dma_wait3A_28 = arith.constant 0 : i32
      %dma_wait3A_29 = arith.constant 0 : i32
      %dma_wait3A_30 = arith.constant 0 : i32
      %dma_wait3A_31 = tpu.memref_slice %arg2[%dma_wait3A_28, %dma_wait3A_29, %dma_wait3A_30] : memref<2048x64x128xf32, #tpu.memory_space<hbm>> -> memref<2048x64x128xf32, #tpu.memory_space<hbm>>
      tpu.wait_indirect_dma semaphore(%arg8 : memref<!tpu.dma_semaphore, #tpu.memory_space<semaphore_mem>>) src(%dma_wait3A_31 : memref<2048x64x128xf32, #tpu.memory_space<hbm>>) dst(%arg6 : memref<4x64x128xf32, #tpu.memory_space<vmem>>)
      %mul3A_32 = arith.constant 4 : i32
      %mul3A_33 = arith.muli %mul3A_10, %mul3A_32 : i32
      %add3A_34 = arith.addi %mul3A_2, %mul3A_33 : i32
      %dma_start3A_35 = arith.constant 0 : i32
      %dma_start3A_36 = arith.constant 0 : i32
      %dma_start3A_37 = tpu.memref_slice %arg4[%add3A_34, %dma_start3A_35, %dma_start3A_36] : memref<2048x64x128xf32, #tpu.memory_space<hbm>> -> memref<4x64x128xf32, #tpu.memory_space<hbm>>
      %dma_start3A_38 = arith.constant 0 : i32
      %dma_start3A_39 = arith.constant 0 : i32
      %dma_start3A_40 = tpu.memref_slice %arg4[%add3A_34, %dma_start3A_38, %dma_start3A_39] : memref<2048x64x128xf32, #tpu.memory_space<hbm>> -> memref<4x64x128xf32, #tpu.memory_space<hbm>>
      tpu.enqueue_dma source(%arg6 : memref<4x64x128xf32, #tpu.memory_space<vmem>>) target(%dma_start3A_40 : memref<4x64x128xf32, #tpu.memory_space<hbm>>) target_semaphore(%arg10 : memref<!tpu.dma_semaphore, #tpu.memory_space<semaphore_mem>>)
      %dma_wait3A_41 = arith.constant 0 : i32
      %dma_wait3A_42 = tpu.memref_slice %arg5[%add3A_12, %dma_wait3A_41] : memref<16x4xi32, #tpu.memory_space<vmem>> -> memref<1x4xi32, #tpu.memory_space<vmem>>
      %dma_wait3A_43 = tpu.memref_squeeze %dma_wait3A_42 : memref<1x4xi32, #tpu.memory_space<vmem>> -> memref<4xi32, #tpu.memory_space<vmem>>
      %dma_wait3A_44 = arith.constant 0 : i32
      %dma_wait3A_45 = arith.constant 0 : i32
      %dma_wait3A_46 = arith.constant 0 : i32
      %dma_wait3A_47 = tpu.memref_slice %arg2[%dma_wait3A_44, %dma_wait3A_45, %dma_wait3A_46] : memref<2048x64x128xf32, #tpu.memory_space<hbm>> -> memref<2048x64x128xf32, #tpu.memory_space<hbm>>
      tpu.wait_indirect_dma semaphore(%arg9 : memref<!tpu.dma_semaphore, #tpu.memory_space<semaphore_mem>>) src(%dma_wait3A_47 : memref<2048x64x128xf32, #tpu.memory_space<hbm>>) dst(%arg7 : memref<4x64x128xf32, #tpu.memory_space<vmem>>)
      %mul3A_48 = arith.constant 4 : i32
      %mul3A_49 = arith.muli %add3A_12, %mul3A_48 : i32
      %add3A_50 = arith.addi %mul3A_2, %mul3A_49 : i32
      %dma_start3A_51 = arith.constant 0 : i32
      %dma_start3A_52 = arith.constant 0 : i32
      %dma_start3A_53 = tpu.memref_slice %arg4[%add3A_50, %dma_start3A_51, %dma_start3A_52] : memref<2048x64x128xf32, #tpu.memory_space<hbm>> -> memref<4x64x128xf32, #tpu.memory_space<hbm>>
      %dma_start3A_54 = arith.constant 0 : i32
      %dma_start3A_55 = arith.constant 0 : i32
      %dma_start3A_56 = tpu.memref_slice %arg4[%add3A_50, %dma_start3A_54, %dma_start3A_55] : memref<2048x64x128xf32, #tpu.memory_space<hbm>> -> memref<4x64x128xf32, #tpu.memory_space<hbm>>
      tpu.enqueue_dma source(%arg7 : memref<4x64x128xf32, #tpu.memory_space<vmem>>) target(%dma_start3A_56 : memref<4x64x128xf32, #tpu.memory_space<hbm>>) target_semaphore(%arg11 : memref<!tpu.dma_semaphore, #tpu.memory_space<semaphore_mem>>)
      %dma_wait3A_57 = arith.constant 0 : i32
      %dma_wait3A_58 = arith.constant 0 : i32
      %dma_wait3A_59 = tpu.memref_slice %arg4[%add3A_34, %dma_wait3A_57, %dma_wait3A_58] : memref<2048x64x128xf32, #tpu.memory_space<hbm>> -> memref<4x64x128xf32, #tpu.memory_space<hbm>>
      %dma_wait3A_60 = arith.constant 0 : i32
      %dma_wait3A_61 = arith.constant 0 : i32
      %dma_wait3A_62 = tpu.memref_slice %arg4[%add3A_34, %dma_wait3A_60, %dma_wait3A_61] : memref<2048x64x128xf32, #tpu.memory_space<hbm>> -> memref<4x64x128xf32, #tpu.memory_space<hbm>>
      tpu.wait_dma2 semaphore(%arg10 : memref<!tpu.dma_semaphore, #tpu.memory_space<semaphore_mem>>) src(%arg6 : memref<4x64x128xf32, #tpu.memory_space<vmem>>) dst(%dma_wait3A_62 : memref<4x64x128xf32, #tpu.memory_space<hbm>>)
      %dma_wait3A_63 = arith.constant 0 : i32
      %dma_wait3A_64 = arith.constant 0 : i32
      %dma_wait3A_65 = tpu.memref_slice %arg4[%add3A_50, %dma_wait3A_63, %dma_wait3A_64] : memref<2048x64x128xf32, #tpu.memory_space<hbm>> -> memref<4x64x128xf32, #tpu.memory_space<hbm>>
      %dma_wait3A_66 = arith.constant 0 : i32
      %dma_wait3A_67 = arith.constant 0 : i32
      %dma_wait3A_68 = tpu.memref_slice %arg4[%add3A_50, %dma_wait3A_66, %dma_wait3A_67] : memref<2048x64x128xf32, #tpu.memory_space<hbm>> -> memref<4x64x128xf32, #tpu.memory_space<hbm>>
      tpu.wait_dma2 semaphore(%arg11 : memref<!tpu.dma_semaphore, #tpu.memory_space<semaphore_mem>>) src(%arg7 : memref<4x64x128xf32, #tpu.memory_space<vmem>>) dst(%dma_wait3A_68 : memref<4x64x128xf32, #tpu.memory_space<hbm>>)
    }
    %scan3A_7 = arith.constant 8 : i32
    return
  }
}

#map = affine_map<(d0, d1) -> (0, 0, 0)>
module attributes {stable_mosaic.version = 14 : i64} {
  func.func @_sc_body(%arg0: i32, %arg1: i32, %arg2: memref<2048x64x128xf32, #tpu.memory_space<hbm>>, %arg3: memref<32x16x4xi32, #tpu.memory_space<hbm>>, %arg4: memref<2048x64x128xf32, #tpu.memory_space<hbm>>, %arg5: memref<16x4xi32, #tpu.memory_space<vmem>>, %arg6: memref<4x64x128xf32, #tpu.memory_space<vmem>>, %arg7: memref<4x64x128xf32, #tpu.memory_space<vmem>>, %arg8: memref<!tpu.dma_semaphore, #tpu.memory_space<semaphore_mem>>, %arg9: memref<!tpu.dma_semaphore, #tpu.memory_space<semaphore_mem>>, %arg10: memref<!tpu.dma_semaphore, #tpu.memory_space<semaphore_mem>>, %arg11: memref<!tpu.dma_semaphore, #tpu.memory_space<semaphore_mem>>) attributes {dimension_semantics = [#tpu.dimension_semantics<core_parallel>, #tpu.dimension_semantics<subcore_parallel>], iteration_bounds = array<i64: 2, 16>, scalar_prefetch = 0 : i64, scratch_operands = 7 : i64, tpu.core_type = #tpu.core_type<sc_vector_subcore>, window_params = [{transform_indices = #map}, {transform_indices = #map}, {transform_indices = #map}]} {
    %mul3A = arith.constant 2 : i32
    %mul3A_0 = arith.muli %arg1, %mul3A : i32
    %add3A = arith.addi %mul3A_0, %arg0 : i32
    %mul3A_1 = arith.constant 64 : i32
    %mul3A_2 = arith.muli %add3A, %mul3A_1 : i32
    "tpu.region"() ({
      %run_scoped3A = tpu.sem_alloc : memref<!tpu.dma_semaphore, #tpu.memory_space<semaphore_mem>>
      %dma_start3A = arith.constant 0 : i32
      %dma_start3A_8 = arith.constant 0 : i32
      %dma_start3A_9 = tpu.memref_slice %arg3[%add3A, %dma_start3A, %dma_start3A_8] : memref<32x16x4xi32, #tpu.memory_space<hbm>> -> memref<1x16x4xi32, #tpu.memory_space<hbm>>
      %dma_start3A_10 = tpu.memref_squeeze %dma_start3A_9 : memref<1x16x4xi32, #tpu.memory_space<hbm>> -> memref<16x4xi32, #tpu.memory_space<hbm>>
      %dma_start3A_11 = arith.constant 0 : i32
      %dma_start3A_12 = arith.constant 0 : i32
      %dma_start3A_13 = tpu.memref_slice %arg3[%add3A, %dma_start3A_11, %dma_start3A_12] : memref<32x16x4xi32, #tpu.memory_space<hbm>> -> memref<1x16x4xi32, #tpu.memory_space<hbm>>
      %dma_start3A_14 = tpu.memref_squeeze %dma_start3A_13 : memref<1x16x4xi32, #tpu.memory_space<hbm>> -> memref<16x4xi32, #tpu.memory_space<hbm>>
      tpu.enqueue_dma source(%dma_start3A_14 : memref<16x4xi32, #tpu.memory_space<hbm>>) target(%arg5 : memref<16x4xi32, #tpu.memory_space<vmem>>) target_semaphore(%run_scoped3A : memref<!tpu.dma_semaphore, #tpu.memory_space<semaphore_mem>>)
      %dma_wait3A = arith.constant 0 : i32
      %dma_wait3A_15 = arith.constant 0 : i32
      %dma_wait3A_16 = tpu.memref_slice %arg3[%add3A, %dma_wait3A, %dma_wait3A_15] : memref<32x16x4xi32, #tpu.memory_space<hbm>> -> memref<1x16x4xi32, #tpu.memory_space<hbm>>
      %dma_wait3A_17 = tpu.memref_squeeze %dma_wait3A_16 : memref<1x16x4xi32, #tpu.memory_space<hbm>> -> memref<16x4xi32, #tpu.memory_space<hbm>>
      %dma_wait3A_18 = arith.constant 0 : i32
      %dma_wait3A_19 = arith.constant 0 : i32
      %dma_wait3A_20 = tpu.memref_slice %arg3[%add3A, %dma_wait3A_18, %dma_wait3A_19] : memref<32x16x4xi32, #tpu.memory_space<hbm>> -> memref<1x16x4xi32, #tpu.memory_space<hbm>>
      %dma_wait3A_21 = tpu.memref_squeeze %dma_wait3A_20 : memref<1x16x4xi32, #tpu.memory_space<hbm>> -> memref<16x4xi32, #tpu.memory_space<hbm>>
      tpu.wait_dma2 semaphore(%run_scoped3A : memref<!tpu.dma_semaphore, #tpu.memory_space<semaphore_mem>>) src(%dma_wait3A_21 : memref<16x4xi32, #tpu.memory_space<hbm>>) dst(%arg5 : memref<16x4xi32, #tpu.memory_space<vmem>>)
      tpu.yield
    }) : () -> ()
    %scan3A = arith.constant 0 : i32
    %scan3A_3 = arith.constant 0 : i32
    %scan3A_4 = arith.constant 8 : i32
    %scan3A_5 = arith.addi %scan3A_3, %scan3A_4 : i32
    %scan3A_6 = arith.constant 1 : i32
    scf.for %scan3A_8 = %scan3A_3 to %scan3A_5 step %scan3A_6  : i32 {
      %mul3A_9 = arith.constant 2 : i32
      %mul3A_10 = arith.muli %mul3A_9, %scan3A_8 : i32
      %add3A_11 = arith.constant 1 : i32
      %add3A_12 = arith.addi %mul3A_10, %add3A_11 : i32
      %dma_start3A = arith.constant 0 : i32
      %dma_start3A_13 = tpu.memref_slice %arg5[%mul3A_10, %dma_start3A] : memref<16x4xi32, #tpu.memory_space<vmem>> -> memref<1x4xi32, #tpu.memory_space<vmem>>
      %dma_start3A_14 = tpu.memref_squeeze %dma_start3A_13 : memref<1x4xi32, #tpu.memory_space<vmem>> -> memref<4xi32, #tpu.memory_space<vmem>>
      %dma_start3A_15 = arith.constant 0 : i32
      %dma_start3A_16 = arith.constant 0 : i32
      %dma_start3A_17 = arith.constant 0 : i32
      %dma_start3A_18 = tpu.memref_slice %arg2[%dma_start3A_15, %dma_start3A_16, %dma_start3A_17] : memref<2048x64x128xf32, #tpu.memory_space<hbm>> -> memref<2048x64x128xf32, #tpu.memory_space<hbm>>
      tpu.enqueue_indirect_dma source(%dma_start3A_18 : memref<2048x64x128xf32, #tpu.memory_space<hbm>>) target(%arg6 : memref<4x64x128xf32, #tpu.memory_space<vmem>>) offsets(%dma_start3A_14 : memref<4xi32, #tpu.memory_space<vmem>>) semaphore(%arg8 : memref<!tpu.dma_semaphore, #tpu.memory_space<semaphore_mem>>)
      %dma_start3A_19 = arith.constant 0 : i32
      %dma_start3A_20 = tpu.memref_slice %arg5[%add3A_12, %dma_start3A_19] : memref<16x4xi32, #tpu.memory_space<vmem>> -> memref<1x4xi32, #tpu.memory_space<vmem>>
      %dma_start3A_21 = tpu.memref_squeeze %dma_start3A_20 : memref<1x4xi32, #tpu.memory_space<vmem>> -> memref<4xi32, #tpu.memory_space<vmem>>
      %dma_start3A_22 = arith.constant 0 : i32
      %dma_start3A_23 = arith.constant 0 : i32
      %dma_start3A_24 = arith.constant 0 : i32
      %dma_start3A_25 = tpu.memref_slice %arg2[%dma_start3A_22, %dma_start3A_23, %dma_start3A_24] : memref<2048x64x128xf32, #tpu.memory_space<hbm>> -> memref<2048x64x128xf32, #tpu.memory_space<hbm>>
      tpu.enqueue_indirect_dma source(%dma_start3A_25 : memref<2048x64x128xf32, #tpu.memory_space<hbm>>) target(%arg7 : memref<4x64x128xf32, #tpu.memory_space<vmem>>) offsets(%dma_start3A_21 : memref<4xi32, #tpu.memory_space<vmem>>) semaphore(%arg9 : memref<!tpu.dma_semaphore, #tpu.memory_space<semaphore_mem>>)
      %dma_wait3A = arith.constant 0 : i32
      %dma_wait3A_26 = tpu.memref_slice %arg5[%mul3A_10, %dma_wait3A] : memref<16x4xi32, #tpu.memory_space<vmem>> -> memref<1x4xi32, #tpu.memory_space<vmem>>
      %dma_wait3A_27 = tpu.memref_squeeze %dma_wait3A_26 : memref<1x4xi32, #tpu.memory_space<vmem>> -> memref<4xi32, #tpu.memory_space<vmem>>
      %dma_wait3A_28 = arith.constant 0 : i32
      %dma_wait3A_29 = arith.constant 0 : i32
      %dma_wait3A_30 = arith.constant 0 : i32
      %dma_wait3A_31 = tpu.memref_slice %arg2[%dma_wait3A_28, %dma_wait3A_29, %dma_wait3A_30] : memref<2048x64x128xf32, #tpu.memory_space<hbm>> -> memref<2048x64x128xf32, #tpu.memory_space<hbm>>
      tpu.wait_indirect_dma semaphore(%arg8 : memref<!tpu.dma_semaphore, #tpu.memory_space<semaphore_mem>>) src(%dma_wait3A_31 : memref<2048x64x128xf32, #tpu.memory_space<hbm>>) dst(%arg6 : memref<4x64x128xf32, #tpu.memory_space<vmem>>)
      %mul3A_32 = arith.constant 4 : i32
      %mul3A_33 = arith.muli %mul3A_10, %mul3A_32 : i32
      %add3A_34 = arith.addi %mul3A_2, %mul3A_33 : i32
      %dma_start3A_35 = arith.constant 0 : i32
      %dma_start3A_36 = arith.constant 0 : i32
      %dma_start3A_37 = tpu.memref_slice %arg4[%add3A_34, %dma_start3A_35, %dma_start3A_36] : memref<2048x64x128xf32, #tpu.memory_space<hbm>> -> memref<4x64x128xf32, #tpu.memory_space<hbm>>
      %dma_start3A_38 = arith.constant 0 : i32
      %dma_start3A_39 = arith.constant 0 : i32
      %dma_start3A_40 = tpu.memref_slice %arg4[%add3A_34, %dma_start3A_38, %dma_start3A_39] : memref<2048x64x128xf32, #tpu.memory_space<hbm>> -> memref<4x64x128xf32, #tpu.memory_space<hbm>>
      tpu.enqueue_dma source(%arg6 : memref<4x64x128xf32, #tpu.memory_space<vmem>>) target(%dma_start3A_40 : memref<4x64x128xf32, #tpu.memory_space<hbm>>) target_semaphore(%arg10 : memref<!tpu.dma_semaphore, #tpu.memory_space<semaphore_mem>>)
      %dma_wait3A_41 = arith.constant 0 : i32
      %dma_wait3A_42 = tpu.memref_slice %arg5[%add3A_12, %dma_wait3A_41] : memref<16x4xi32, #tpu.memory_space<vmem>> -> memref<1x4xi32, #tpu.memory_space<vmem>>
      %dma_wait3A_43 = tpu.memref_squeeze %dma_wait3A_42 : memref<1x4xi32, #tpu.memory_space<vmem>> -> memref<4xi32, #tpu.memory_space<vmem>>
      %dma_wait3A_44 = arith.constant 0 : i32
      %dma_wait3A_45 = arith.constant 0 : i32
      %dma_wait3A_46 = arith.constant 0 : i32
      %dma_wait3A_47 = tpu.memref_slice %arg2[%dma_wait3A_44, %dma_wait3A_45, %dma_wait3A_46] : memref<2048x64x128xf32, #tpu.memory_space<hbm>> -> memref<2048x64x128xf32, #tpu.memory_space<hbm>>
      tpu.wait_indirect_dma semaphore(%arg9 : memref<!tpu.dma_semaphore, #tpu.memory_space<semaphore_mem>>) src(%dma_wait3A_47 : memref<2048x64x128xf32, #tpu.memory_space<hbm>>) dst(%arg7 : memref<4x64x128xf32, #tpu.memory_space<vmem>>)
      %mul3A_48 = arith.constant 4 : i32
      %mul3A_49 = arith.muli %add3A_12, %mul3A_48 : i32
      %add3A_50 = arith.addi %mul3A_2, %mul3A_49 : i32
      %dma_start3A_51 = arith.constant 0 : i32
      %dma_start3A_52 = arith.constant 0 : i32
      %dma_start3A_53 = tpu.memref_slice %arg4[%add3A_50, %dma_start3A_51, %dma_start3A_52] : memref<2048x64x128xf32, #tpu.memory_space<hbm>> -> memref<4x64x128xf32, #tpu.memory_space<hbm>>
      %dma_start3A_54 = arith.constant 0 : i32
      %dma_start3A_55 = arith.constant 0 : i32
      %dma_start3A_56 = tpu.memref_slice %arg4[%add3A_50, %dma_start3A_54, %dma_start3A_55] : memref<2048x64x128xf32, #tpu.memory_space<hbm>> -> memref<4x64x128xf32, #tpu.memory_space<hbm>>
      tpu.enqueue_dma source(%arg7 : memref<4x64x128xf32, #tpu.memory_space<vmem>>) target(%dma_start3A_56 : memref<4x64x128xf32, #tpu.memory_space<hbm>>) target_semaphore(%arg11 : memref<!tpu.dma_semaphore, #tpu.memory_space<semaphore_mem>>)
      %dma_wait3A_57 = arith.constant 0 : i32
      %dma_wait3A_58 = arith.constant 0 : i32
      %dma_wait3A_59 = tpu.memref_slice %arg4[%add3A_34, %dma_wait3A_57, %dma_wait3A_58] : memref<2048x64x128xf32, #tpu.memory_space<hbm>> -> memref<4x64x128xf32, #tpu.memory_space<hbm>>
      %dma_wait3A_60 = arith.constant 0 : i32
      %dma_wait3A_61 = arith.constant 0 : i32
      %dma_wait3A_62 = tpu.memref_slice %arg4[%add3A_34, %dma_wait3A_60, %dma_wait3A_61] : memref<2048x64x128xf32, #tpu.memory_space<hbm>> -> memref<4x64x128xf32, #tpu.memory_space<hbm>>
      tpu.wait_dma2 semaphore(%arg10 : memref<!tpu.dma_semaphore, #tpu.memory_space<semaphore_mem>>) src(%arg6 : memref<4x64x128xf32, #tpu.memory_space<vmem>>) dst(%dma_wait3A_62 : memref<4x64x128xf32, #tpu.memory_space<hbm>>)
      %dma_wait3A_63 = arith.constant 0 : i32
      %dma_wait3A_64 = arith.constant 0 : i32
      %dma_wait3A_65 = tpu.memref_slice %arg4[%add3A_50, %dma_wait3A_63, %dma_wait3A_64] : memref<2048x64x128xf32, #tpu.memory_space<hbm>> -> memref<4x64x128xf32, #tpu.memory_space<hbm>>
      %dma_wait3A_66 = arith.constant 0 : i32
      %dma_wait3A_67 = arith.constant 0 : i32
      %dma_wait3A_68 = tpu.memref_slice %arg4[%add3A_50, %dma_wait3A_66, %dma_wait3A_67] : memref<2048x64x128xf32, #tpu.memory_space<hbm>> -> memref<4x64x128xf32, #tpu.memory_space<hbm>>
      tpu.wait_dma2 semaphore(%arg11 : memref<!tpu.dma_semaphore, #tpu.memory_space<semaphore_mem>>) src(%arg7 : memref<4x64x128xf32, #tpu.memory_space<vmem>>) dst(%dma_wait3A_68 : memref<4x64x128xf32, #tpu.memory_space<hbm>>)
    }
    %scan3A_7 = arith.constant 8 : i32
    return
  }
}

module attributes {stable_mosaic.version = 14 : i64} {
  func.func @_transpose_part_body(%arg0: i32, %arg1: i32, %arg2: memref<1x2048x8x128xf32, #tpu.memory_space<vmem>>, %arg3: memref<1x8x128x2048xf32, #tpu.memory_space<vmem>>) attributes {dimension_semantics = [#tpu.dimension_semantics<arbitrary>, #tpu.dimension_semantics<arbitrary>], iteration_bounds = array<i64: 1, 8>, scalar_prefetch = 0 : i64, scratch_operands = 0 : i64, tpu.core_type = #tpu.core_type<tc>, window_params = [{transform_indices = @transform_0, window_bounds = array<i64: 1, 2048, 8, 128>}, {transform_indices = @transform_1, window_bounds = array<i64: 1, 8, 128, 2048>}]} {
    %get3A = arith.constant 0 : index
    %get3A_0 = arith.constant 0 : index
    %get3A_1 = arith.constant 0 : index
    %get3A_2 = arith.constant 0 : index
    %get3A_3 = vector.load %arg2[%get3A, %get3A_0, %get3A_1, %get3A_2] : memref<1x2048x8x128xf32, #tpu.memory_space<vmem>>, vector<1x2048x1x128xf32>
    %get3A_4 = vector.shape_cast %get3A_3 : vector<1x2048x1x128xf32> to vector<2048x128xf32>
    %transpose3A = tpu.transpose %get3A_4, [1, 0] : vector<2048x128xf32> -> vector<128x2048xf32>
    %swap3A = arith.constant 0 : index
    %swap3A_5 = arith.constant 0 : index
    %swap3A_6 = arith.constant 0 : index
    %swap3A_7 = arith.constant 0 : index
    %swap3A_8 = vector.load %arg3[%swap3A, %swap3A_5, %swap3A_6, %swap3A_7] : memref<1x8x128x2048xf32, #tpu.memory_space<vmem>>, vector<1x1x128x2048xf32>
    %swap3A_9 = vector.shape_cast %swap3A_8 : vector<1x1x128x2048xf32> to vector<128x2048xf32>
    %swap3A_10 = vector.shape_cast %transpose3A : vector<128x2048xf32> to vector<1x1x128x2048xf32>
    tpu.vector_store %arg3[%swap3A, %swap3A_5, %swap3A_6, %swap3A_7], %swap3A_10 {strides = array<i32>} : memref<1x8x128x2048xf32, #tpu.memory_space<vmem>>, vector<1x1x128x2048xf32>,
    %get3A_11 = arith.constant 0 : index
    %get3A_12 = arith.constant 0 : index
    %get3A_13 = arith.constant 1 : index
    %get3A_14 = arith.constant 0 : index
    %get3A_15 = vector.load %arg2[%get3A_11, %get3A_12, %get3A_13, %get3A_14] : memref<1x2048x8x128xf32, #tpu.memory_space<vmem>>, vector<1x2048x1x128xf32>
    %get3A_16 = vector.shape_cast %get3A_15 : vector<1x2048x1x128xf32> to vector<2048x128xf32>
    %transpose3A_17 = tpu.transpose %get3A_16, [1, 0] : vector<2048x128xf32> -> vector<128x2048xf32>
    %swap3A_18 = arith.constant 0 : index
    %swap3A_19 = arith.constant 1 : index
    %swap3A_20 = arith.constant 0 : index
    %swap3A_21 = arith.constant 0 : index
    %swap3A_22 = vector.load %arg3[%swap3A_18, %swap3A_19, %swap3A_20, %swap3A_21] : memref<1x8x128x2048xf32, #tpu.memory_space<vmem>>, vector<1x1x128x2048xf32>
    %swap3A_23 = vector.shape_cast %swap3A_22 : vector<1x1x128x2048xf32> to vector<128x2048xf32>
    %swap3A_24 = vector.shape_cast %transpose3A_17 : vector<128x2048xf32> to vector<1x1x128x2048xf32>
    tpu.vector_store %arg3[%swap3A_18, %swap3A_19, %swap3A_20, %swap3A_21], %swap3A_24 {strides = array<i32>} : memref<1x8x128x2048xf32, #tpu.memory_space<vmem>>, vector<1x1x128x2048xf32>,
    %get3A_25 = arith.constant 0 : index
    %get3A_26 = arith.constant 0 : index
    %get3A_27 = arith.constant 2 : index
    %get3A_28 = arith.constant 0 : index
    %get3A_29 = vector.load %arg2[%get3A_25, %get3A_26, %get3A_27, %get3A_28] : memref<1x2048x8x128xf32, #tpu.memory_space<vmem>>, vector<1x2048x1x128xf32>
    %get3A_30 = vector.shape_cast %get3A_29 : vector<1x2048x1x128xf32> to vector<2048x128xf32>
    %transpose3A_31 = tpu.transpose %get3A_30, [1, 0] : vector<2048x128xf32> -> vector<128x2048xf32>
    %swap3A_32 = arith.constant 0 : index
    %swap3A_33 = arith.constant 2 : index
    %swap3A_34 = arith.constant 0 : index
    %swap3A_35 = arith.constant 0 : index
    %swap3A_36 = vector.load %arg3[%swap3A_32, %swap3A_33, %swap3A_34, %swap3A_35] : memref<1x8x128x2048xf32, #tpu.memory_space<vmem>>, vector<1x1x128x2048xf32>
    %swap3A_37 = vector.shape_cast %swap3A_36 : vector<1x1x128x2048xf32> to vector<128x2048xf32>
    %swap3A_38 = vector.shape_cast %transpose3A_31 : vector<128x2048xf32> to vector<1x1x128x2048xf32>
    tpu.vector_store %arg3[%swap3A_32, %swap3A_33, %swap3A_34, %swap3A_35], %swap3A_38 {strides = array<i32>} : memref<1x8x128x2048xf32, #tpu.memory_space<vmem>>, vector<1x1x128x2048xf32>,
    %get3A_39 = arith.constant 0 : index
    %get3A_40 = arith.constant 0 : index
    %get3A_41 = arith.constant 3 : index
    %get3A_42 = arith.constant 0 : index
    %get3A_43 = vector.load %arg2[%get3A_39, %get3A_40, %get3A_41, %get3A_42] : memref<1x2048x8x128xf32, #tpu.memory_space<vmem>>, vector<1x2048x1x128xf32>
    %get3A_44 = vector.shape_cast %get3A_43 : vector<1x2048x1x128xf32> to vector<2048x128xf32>
    %transpose3A_45 = tpu.transpose %get3A_44, [1, 0] : vector<2048x128xf32> -> vector<128x2048xf32>
    %swap3A_46 = arith.constant 0 : index
    %swap3A_47 = arith.constant 3 : index
    %swap3A_48 = arith.constant 0 : index
    %swap3A_49 = arith.constant 0 : index
    %swap3A_50 = vector.load %arg3[%swap3A_46, %swap3A_47, %swap3A_48, %swap3A_49] : memref<1x8x128x2048xf32, #tpu.memory_space<vmem>>, vector<1x1x128x2048xf32>
    %swap3A_51 = vector.shape_cast %swap3A_50 : vector<1x1x128x2048xf32> to vector<128x2048xf32>
    %swap3A_52 = vector.shape_cast %transpose3A_45 : vector<128x2048xf32> to vector<1x1x128x2048xf32>
    tpu.vector_store %arg3[%swap3A_46, %swap3A_47, %swap3A_48, %swap3A_49], %swap3A_52 {strides = array<i32>} : memref<1x8x128x2048xf32, #tpu.memory_space<vmem>>, vector<1x1x128x2048xf32>,
    %get3A_53 = arith.constant 0 : index
    %get3A_54 = arith.constant 0 : index
    %get3A_55 = arith.constant 4 : index
    %get3A_56 = arith.constant 0 : index
    %get3A_57 = vector.load %arg2[%get3A_53, %get3A_54, %get3A_55, %get3A_56] : memref<1x2048x8x128xf32, #tpu.memory_space<vmem>>, vector<1x2048x1x128xf32>
    %get3A_58 = vector.shape_cast %get3A_57 : vector<1x2048x1x128xf32> to vector<2048x128xf32>
    %transpose3A_59 = tpu.transpose %get3A_58, [1, 0] : vector<2048x128xf32> -> vector<128x2048xf32>
    %swap3A_60 = arith.constant 0 : index
    %swap3A_61 = arith.constant 4 : index
    %swap3A_62 = arith.constant 0 : index
    %swap3A_63 = arith.constant 0 : index
    %swap3A_64 = vector.load %arg3[%swap3A_60, %swap3A_61, %swap3A_62, %swap3A_63] : memref<1x8x128x2048xf32, #tpu.memory_space<vmem>>, vector<1x1x128x2048xf32>
    %swap3A_65 = vector.shape_cast %swap3A_64 : vector<1x1x128x2048xf32> to vector<128x2048xf32>
    %swap3A_66 = vector.shape_cast %transpose3A_59 : vector<128x2048xf32> to vector<1x1x128x2048xf32>
    tpu.vector_store %arg3[%swap3A_60, %swap3A_61, %swap3A_62, %swap3A_63], %swap3A_66 {strides = array<i32>} : memref<1x8x128x2048xf32, #tpu.memory_space<vmem>>, vector<1x1x128x2048xf32>,
    %get3A_67 = arith.constant 0 : index
    %get3A_68 = arith.constant 0 : index
    %get3A_69 = arith.constant 5 : index
    %get3A_70 = arith.constant 0 : index
    %get3A_71 = vector.load %arg2[%get3A_67, %get3A_68, %get3A_69, %get3A_70] : memref<1x2048x8x128xf32, #tpu.memory_space<vmem>>, vector<1x2048x1x128xf32>
    %get3A_72 = vector.shape_cast %get3A_71 : vector<1x2048x1x128xf32> to vector<2048x128xf32>
    %transpose3A_73 = tpu.transpose %get3A_72, [1, 0] : vector<2048x128xf32> -> vector<128x2048xf32>
    %swap3A_74 = arith.constant 0 : index
    %swap3A_75 = arith.constant 5 : index
    %swap3A_76 = arith.constant 0 : index
    %swap3A_77 = arith.constant 0 : index
    %swap3A_78 = vector.load %arg3[%swap3A_74, %swap3A_75, %swap3A_76, %swap3A_77] : memref<1x8x128x2048xf32, #tpu.memory_space<vmem>>, vector<1x1x128x2048xf32>
    %swap3A_79 = vector.shape_cast %swap3A_78 : vector<1x1x128x2048xf32> to vector<128x2048xf32>
    %swap3A_80 = vector.shape_cast %transpose3A_73 : vector<128x2048xf32> to vector<1x1x128x2048xf32>
    tpu.vector_store %arg3[%swap3A_74, %swap3A_75, %swap3A_76, %swap3A_77], %swap3A_80 {strides = array<i32>} : memref<1x8x128x2048xf32, #tpu.memory_space<vmem>>, vector<1x1x128x2048xf32>,
    %get3A_81 = arith.constant 0 : index
    %get3A_82 = arith.constant 0 : index
    %get3A_83 = arith.constant 6 : index
    %get3A_84 = arith.constant 0 : index
    %get3A_85 = vector.load %arg2[%get3A_81, %get3A_82, %get3A_83, %get3A_84] : memref<1x2048x8x128xf32, #tpu.memory_space<vmem>>, vector<1x2048x1x128xf32>
    %get3A_86 = vector.shape_cast %get3A_85 : vector<1x2048x1x128xf32> to vector<2048x128xf32>
    %transpose3A_87 = tpu.transpose %get3A_86, [1, 0] : vector<2048x128xf32> -> vector<128x2048xf32>
    %swap3A_88 = arith.constant 0 : index
    %swap3A_89 = arith.constant 6 : index
    %swap3A_90 = arith.constant 0 : index
    %swap3A_91 = arith.constant 0 : index
    %swap3A_92 = vector.load %arg3[%swap3A_88, %swap3A_89, %swap3A_90, %swap3A_91] : memref<1x8x128x2048xf32, #tpu.memory_space<vmem>>, vector<1x1x128x2048xf32>
    %swap3A_93 = vector.shape_cast %swap3A_92 : vector<1x1x128x2048xf32> to vector<128x2048xf32>
    %swap3A_94 = vector.shape_cast %transpose3A_87 : vector<128x2048xf32> to vector<1x1x128x2048xf32>
    tpu.vector_store %arg3[%swap3A_88, %swap3A_89, %swap3A_90, %swap3A_91], %swap3A_94 {strides = array<i32>} : memref<1x8x128x2048xf32, #tpu.memory_space<vmem>>, vector<1x1x128x2048xf32>,
    %get3A_95 = arith.constant 0 : index
    %get3A_96 = arith.constant 0 : index
    %get3A_97 = arith.constant 7 : index
    %get3A_98 = arith.constant 0 : index
    %get3A_99 = vector.load %arg2[%get3A_95, %get3A_96, %get3A_97, %get3A_98] : memref<1x2048x8x128xf32, #tpu.memory_space<vmem>>, vector<1x2048x1x128xf32>
    %get3A_100 = vector.shape_cast %get3A_99 : vector<1x2048x1x128xf32> to vector<2048x128xf32>
    %transpose3A_101 = tpu.transpose %get3A_100, [1, 0] : vector<2048x128xf32> -> vector<128x2048xf32>
    %swap3A_102 = arith.constant 0 : index
    %swap3A_103 = arith.constant 7 : index
    %swap3A_104 = arith.constant 0 : index
    %swap3A_105 = arith.constant 0 : index
    %swap3A_106 = vector.load %arg3[%swap3A_102, %swap3A_103, %swap3A_104, %swap3A_105] : memref<1x8x128x2048xf32, #tpu.memory_space<vmem>>, vector<1x1x128x2048xf32>
    %swap3A_107 = vector.shape_cast %swap3A_106 : vector<1x1x128x2048xf32> to vector<128x2048xf32>
    %swap3A_108 = vector.shape_cast %transpose3A_101 : vector<128x2048xf32> to vector<1x1x128x2048xf32>
    tpu.vector_store %arg3[%swap3A_102, %swap3A_103, %swap3A_104, %swap3A_105], %swap3A_108 {strides = array<i32>} : memref<1x8x128x2048xf32, #tpu.memory_space<vmem>>, vector<1x1x128x2048xf32>,
    return
  }
  func.func @transform_0(%arg0: i32, %arg1: i32) -> (i32, i32, i32, i32) {
    %c0_i32 = arith.constant 0 : i32
    %c0_i32_0 = arith.constant 0 : i32
    %c0_i32_1 = arith.constant 0 : i32
    return %c0_i32, %arg0, %arg1, %c0_i32_0 : i32, i32, i32, i32
  }
  func.func @transform_1(%arg0: i32, %arg1: i32) -> (i32, i32, i32, i32) {
    %c0_i32 = arith.constant 0 : i32
    %c0_i32_0 = arith.constant 0 : i32
    %c0_i32_1 = arith.constant 0 : i32
    return %c0_i32, %arg1, %c0_i32_0, %arg0 : i32, i32, i32, i32
  }
}

module attributes {stable_mosaic.version = 14 : i64} {
  func.func @_transpose_in_body(%arg0: i32, %arg1: i32, %arg2: memref<8x128x2048xf32, #tpu.memory_space<vmem>>, %arg3: memref<2048x8x128xf32, #tpu.memory_space<vmem>>) attributes {dimension_semantics = [#tpu.dimension_semantics<arbitrary>, #tpu.dimension_semantics<arbitrary>], iteration_bounds = array<i64: 1, 8>, scalar_prefetch = 0 : i64, scratch_operands = 0 : i64, tpu.core_type = #tpu.core_type<tc>, window_params = [{transform_indices = @transform_0, window_bounds = array<i64: 8, 128, 2048>}, {transform_indices = @transform_1, window_bounds = array<i64: 2048, 8, 128>}]} {
    %get3A = arith.constant 0 : index
    %get3A_0 = arith.constant 0 : index
    %get3A_1 = arith.constant 0 : index
    %get3A_2 = vector.load %arg2[%get3A, %get3A_0, %get3A_1] : memref<8x128x2048xf32, #tpu.memory_space<vmem>>, vector<1x128x2048xf32>
    %get3A_3 = vector.shape_cast %get3A_2 : vector<1x128x2048xf32> to vector<128x2048xf32>
    %transpose3A = tpu.transpose %get3A_3, [1, 0] : vector<128x2048xf32> -> vector<2048x128xf32>
    %swap3A = arith.constant 0 : index
    %swap3A_4 = arith.constant 0 : index
    %swap3A_5 = arith.constant 0 : index
    %swap3A_6 = vector.load %arg3[%swap3A, %swap3A_4, %swap3A_5] : memref<2048x8x128xf32, #tpu.memory_space<vmem>>, vector<2048x1x128xf32>
    %swap3A_7 = vector.shape_cast %swap3A_6 : vector<2048x1x128xf32> to vector<2048x128xf32>
    %swap3A_8 = vector.shape_cast %transpose3A : vector<2048x128xf32> to vector<2048x1x128xf32>
    tpu.vector_store %arg3[%swap3A, %swap3A_4, %swap3A_5], %swap3A_8 {strides = array<i32>} : memref<2048x8x128xf32, #tpu.memory_space<vmem>>, vector<2048x1x128xf32>,
    %get3A_9 = arith.constant 1 : index
    %get3A_10 = arith.constant 0 : index
    %get3A_11 = arith.constant 0 : index
    %get3A_12 = vector.load %arg2[%get3A_9, %get3A_10, %get3A_11] : memref<8x128x2048xf32, #tpu.memory_space<vmem>>, vector<1x128x2048xf32>
    %get3A_13 = vector.shape_cast %get3A_12 : vector<1x128x2048xf32> to vector<128x2048xf32>
    %transpose3A_14 = tpu.transpose %get3A_13, [1, 0] : vector<128x2048xf32> -> vector<2048x128xf32>
    %swap3A_15 = arith.constant 0 : index
    %swap3A_16 = arith.constant 1 : index
    %swap3A_17 = arith.constant 0 : index
    %swap3A_18 = vector.load %arg3[%swap3A_15, %swap3A_16, %swap3A_17] : memref<2048x8x128xf32, #tpu.memory_space<vmem>>, vector<2048x1x128xf32>
    %swap3A_19 = vector.shape_cast %swap3A_18 : vector<2048x1x128xf32> to vector<2048x128xf32>
    %swap3A_20 = vector.shape_cast %transpose3A_14 : vector<2048x128xf32> to vector<2048x1x128xf32>
    tpu.vector_store %arg3[%swap3A_15, %swap3A_16, %swap3A_17], %swap3A_20 {strides = array<i32>} : memref<2048x8x128xf32, #tpu.memory_space<vmem>>, vector<2048x1x128xf32>,
    %get3A_21 = arith.constant 2 : index
    %get3A_22 = arith.constant 0 : index
    %get3A_23 = arith.constant 0 : index
    %get3A_24 = vector.load %arg2[%get3A_21, %get3A_22, %get3A_23] : memref<8x128x2048xf32, #tpu.memory_space<vmem>>, vector<1x128x2048xf32>
    %get3A_25 = vector.shape_cast %get3A_24 : vector<1x128x2048xf32> to vector<128x2048xf32>
    %transpose3A_26 = tpu.transpose %get3A_25, [1, 0] : vector<128x2048xf32> -> vector<2048x128xf32>
    %swap3A_27 = arith.constant 0 : index
    %swap3A_28 = arith.constant 2 : index
    %swap3A_29 = arith.constant 0 : index
    %swap3A_30 = vector.load %arg3[%swap3A_27, %swap3A_28, %swap3A_29] : memref<2048x8x128xf32, #tpu.memory_space<vmem>>, vector<2048x1x128xf32>
    %swap3A_31 = vector.shape_cast %swap3A_30 : vector<2048x1x128xf32> to vector<2048x128xf32>
    %swap3A_32 = vector.shape_cast %transpose3A_26 : vector<2048x128xf32> to vector<2048x1x128xf32>
    tpu.vector_store %arg3[%swap3A_27, %swap3A_28, %swap3A_29], %swap3A_32 {strides = array<i32>} : memref<2048x8x128xf32, #tpu.memory_space<vmem>>, vector<2048x1x128xf32>,
    %get3A_33 = arith.constant 3 : index
    %get3A_34 = arith.constant 0 : index
    %get3A_35 = arith.constant 0 : index
    %get3A_36 = vector.load %arg2[%get3A_33, %get3A_34, %get3A_35] : memref<8x128x2048xf32, #tpu.memory_space<vmem>>, vector<1x128x2048xf32>
    %get3A_37 = vector.shape_cast %get3A_36 : vector<1x128x2048xf32> to vector<128x2048xf32>
    %transpose3A_38 = tpu.transpose %get3A_37, [1, 0] : vector<128x2048xf32> -> vector<2048x128xf32>
    %swap3A_39 = arith.constant 0 : index
    %swap3A_40 = arith.constant 3 : index
    %swap3A_41 = arith.constant 0 : index
    %swap3A_42 = vector.load %arg3[%swap3A_39, %swap3A_40, %swap3A_41] : memref<2048x8x128xf32, #tpu.memory_space<vmem>>, vector<2048x1x128xf32>
    %swap3A_43 = vector.shape_cast %swap3A_42 : vector<2048x1x128xf32> to vector<2048x128xf32>
    %swap3A_44 = vector.shape_cast %transpose3A_38 : vector<2048x128xf32> to vector<2048x1x128xf32>
    tpu.vector_store %arg3[%swap3A_39, %swap3A_40, %swap3A_41], %swap3A_44 {strides = array<i32>} : memref<2048x8x128xf32, #tpu.memory_space<vmem>>, vector<2048x1x128xf32>,
    %get3A_45 = arith.constant 4 : index
    %get3A_46 = arith.constant 0 : index
    %get3A_47 = arith.constant 0 : index
    %get3A_48 = vector.load %arg2[%get3A_45, %get3A_46, %get3A_47] : memref<8x128x2048xf32, #tpu.memory_space<vmem>>, vector<1x128x2048xf32>
    %get3A_49 = vector.shape_cast %get3A_48 : vector<1x128x2048xf32> to vector<128x2048xf32>
    %transpose3A_50 = tpu.transpose %get3A_49, [1, 0] : vector<128x2048xf32> -> vector<2048x128xf32>
    %swap3A_51 = arith.constant 0 : index
    %swap3A_52 = arith.constant 4 : index
    %swap3A_53 = arith.constant 0 : index
    %swap3A_54 = vector.load %arg3[%swap3A_51, %swap3A_52, %swap3A_53] : memref<2048x8x128xf32, #tpu.memory_space<vmem>>, vector<2048x1x128xf32>
    %swap3A_55 = vector.shape_cast %swap3A_54 : vector<2048x1x128xf32> to vector<2048x128xf32>
    %swap3A_56 = vector.shape_cast %transpose3A_50 : vector<2048x128xf32> to vector<2048x1x128xf32>
    tpu.vector_store %arg3[%swap3A_51, %swap3A_52, %swap3A_53], %swap3A_56 {strides = array<i32>} : memref<2048x8x128xf32, #tpu.memory_space<vmem>>, vector<2048x1x128xf32>,
    %get3A_57 = arith.constant 5 : index
    %get3A_58 = arith.constant 0 : index
    %get3A_59 = arith.constant 0 : index
    %get3A_60 = vector.load %arg2[%get3A_57, %get3A_58, %get3A_59] : memref<8x128x2048xf32, #tpu.memory_space<vmem>>, vector<1x128x2048xf32>
    %get3A_61 = vector.shape_cast %get3A_60 : vector<1x128x2048xf32> to vector<128x2048xf32>
    %transpose3A_62 = tpu.transpose %get3A_61, [1, 0] : vector<128x2048xf32> -> vector<2048x128xf32>
    %swap3A_63 = arith.constant 0 : index
    %swap3A_64 = arith.constant 5 : index
    %swap3A_65 = arith.constant 0 : index
    %swap3A_66 = vector.load %arg3[%swap3A_63, %swap3A_64, %swap3A_65] : memref<2048x8x128xf32, #tpu.memory_space<vmem>>, vector<2048x1x128xf32>
    %swap3A_67 = vector.shape_cast %swap3A_66 : vector<2048x1x128xf32> to vector<2048x128xf32>
    %swap3A_68 = vector.shape_cast %transpose3A_62 : vector<2048x128xf32> to vector<2048x1x128xf32>
    tpu.vector_store %arg3[%swap3A_63, %swap3A_64, %swap3A_65], %swap3A_68 {strides = array<i32>} : memref<2048x8x128xf32, #tpu.memory_space<vmem>>, vector<2048x1x128xf32>,
    %get3A_69 = arith.constant 6 : index
    %get3A_70 = arith.constant 0 : index
    %get3A_71 = arith.constant 0 : index
    %get3A_72 = vector.load %arg2[%get3A_69, %get3A_70, %get3A_71] : memref<8x128x2048xf32, #tpu.memory_space<vmem>>, vector<1x128x2048xf32>
    %get3A_73 = vector.shape_cast %get3A_72 : vector<1x128x2048xf32> to vector<128x2048xf32>
    %transpose3A_74 = tpu.transpose %get3A_73, [1, 0] : vector<128x2048xf32> -> vector<2048x128xf32>
    %swap3A_75 = arith.constant 0 : index
    %swap3A_76 = arith.constant 6 : index
    %swap3A_77 = arith.constant 0 : index
    %swap3A_78 = vector.load %arg3[%swap3A_75, %swap3A_76, %swap3A_77] : memref<2048x8x128xf32, #tpu.memory_space<vmem>>, vector<2048x1x128xf32>
    %swap3A_79 = vector.shape_cast %swap3A_78 : vector<2048x1x128xf32> to vector<2048x128xf32>
    %swap3A_80 = vector.shape_cast %transpose3A_74 : vector<2048x128xf32> to vector<2048x1x128xf32>
    tpu.vector_store %arg3[%swap3A_75, %swap3A_76, %swap3A_77], %swap3A_80 {strides = array<i32>} : memref<2048x8x128xf32, #tpu.memory_space<vmem>>, vector<2048x1x128xf32>,
    %get3A_81 = arith.constant 7 : index
    %get3A_82 = arith.constant 0 : index
    %get3A_83 = arith.constant 0 : index
    %get3A_84 = vector.load %arg2[%get3A_81, %get3A_82, %get3A_83] : memref<8x128x2048xf32, #tpu.memory_space<vmem>>, vector<1x128x2048xf32>
    %get3A_85 = vector.shape_cast %get3A_84 : vector<1x128x2048xf32> to vector<128x2048xf32>
    %transpose3A_86 = tpu.transpose %get3A_85, [1, 0] : vector<128x2048xf32> -> vector<2048x128xf32>
    %swap3A_87 = arith.constant 0 : index
    %swap3A_88 = arith.constant 7 : index
    %swap3A_89 = arith.constant 0 : index
    %swap3A_90 = vector.load %arg3[%swap3A_87, %swap3A_88, %swap3A_89] : memref<2048x8x128xf32, #tpu.memory_space<vmem>>, vector<2048x1x128xf32>
    %swap3A_91 = vector.shape_cast %swap3A_90 : vector<2048x1x128xf32> to vector<2048x128xf32>
    %swap3A_92 = vector.shape_cast %transpose3A_86 : vector<2048x128xf32> to vector<2048x1x128xf32>
    tpu.vector_store %arg3[%swap3A_87, %swap3A_88, %swap3A_89], %swap3A_92 {strides = array<i32>} : memref<2048x8x128xf32, #tpu.memory_space<vmem>>, vector<2048x1x128xf32>,
    return
  }
  func.func @transform_0(%arg0: i32, %arg1: i32) -> (i32, i32, i32) {
    %c0_i32 = arith.constant 0 : i32
    %c0_i32_0 = arith.constant 0 : i32
    return %arg1, %c0_i32, %arg0 : i32, i32, i32
  }
  func.func @transform_1(%arg0: i32, %arg1: i32) -> (i32, i32, i32) {
    %c0_i32 = arith.constant 0 : i32
    %c0_i32_0 = arith.constant 0 : i32
    return %arg0, %arg1, %c0_i32 : i32, i32, i32
  }
}

module attributes {stable_mosaic.version = 14 : i64} {
  func.func @_transpose_part_body(%arg0: i32, %arg1: i32, %arg2: memref<1x2048x8x128xf32, #tpu.memory_space<vmem>>, %arg3: memref<4x64x128x2048xf32, #tpu.memory_space<any>>, %arg4: memref<1x8x128x2048xf32, #tpu.memory_space<vmem>>) attributes {dimension_semantics = [#tpu.dimension_semantics<arbitrary>, #tpu.dimension_semantics<arbitrary>], iteration_bounds = array<i64: 1, 8>, scalar_prefetch = 0 : i64, scratch_operands = 0 : i64, tpu.core_type = #tpu.core_type<tc>, window_params = [{transform_indices = @transform_0, window_bounds = array<i64: 1, 2048, 8, 128>}, {}, {transform_indices = @transform_2, window_bounds = array<i64: 1, 8, 128, 2048>}]} {
    %get3A = arith.constant 0 : index
    %get3A_0 = arith.constant 0 : index
    %get3A_1 = arith.constant 0 : index
    %get3A_2 = arith.constant 0 : index
    %get3A_3 = vector.load %arg2[%get3A, %get3A_0, %get3A_1, %get3A_2] : memref<1x2048x8x128xf32, #tpu.memory_space<vmem>>, vector<1x2048x1x128xf32>
    %get3A_4 = vector.shape_cast %get3A_3 : vector<1x2048x1x128xf32> to vector<2048x128xf32>
    %transpose3A = tpu.transpose %get3A_4, [1, 0] : vector<2048x128xf32> -> vector<128x2048xf32>
    %swap3A = arith.constant 0 : index
    %swap3A_5 = arith.constant 0 : index
    %swap3A_6 = arith.constant 0 : index
    %swap3A_7 = arith.constant 0 : index
    %swap3A_8 = vector.load %arg4[%swap3A, %swap3A_5, %swap3A_6, %swap3A_7] : memref<1x8x128x2048xf32, #tpu.memory_space<vmem>>, vector<1x1x128x2048xf32>
    %swap3A_9 = vector.shape_cast %swap3A_8 : vector<1x1x128x2048xf32> to vector<128x2048xf32>
    %swap3A_10 = vector.shape_cast %transpose3A : vector<128x2048xf32> to vector<1x1x128x2048xf32>
    tpu.vector_store %arg4[%swap3A, %swap3A_5, %swap3A_6, %swap3A_7], %swap3A_10 {strides = array<i32>} : memref<1x8x128x2048xf32, #tpu.memory_space<vmem>>, vector<1x1x128x2048xf32>,
    %get3A_11 = arith.constant 0 : index
    %get3A_12 = arith.constant 0 : index
    %get3A_13 = arith.constant 1 : index
    %get3A_14 = arith.constant 0 : index
    %get3A_15 = vector.load %arg2[%get3A_11, %get3A_12, %get3A_13, %get3A_14] : memref<1x2048x8x128xf32, #tpu.memory_space<vmem>>, vector<1x2048x1x128xf32>
    %get3A_16 = vector.shape_cast %get3A_15 : vector<1x2048x1x128xf32> to vector<2048x128xf32>
    %transpose3A_17 = tpu.transpose %get3A_16, [1, 0] : vector<2048x128xf32> -> vector<128x2048xf32>
    %swap3A_18 = arith.constant 0 : index
    %swap3A_19 = arith.constant 1 : index
    %swap3A_20 = arith.constant 0 : index
    %swap3A_21 = arith.constant 0 : index
    %swap3A_22 = vector.load %arg4[%swap3A_18, %swap3A_19, %swap3A_20, %swap3A_21] : memref<1x8x128x2048xf32, #tpu.memory_space<vmem>>, vector<1x1x128x2048xf32>
    %swap3A_23 = vector.shape_cast %swap3A_22 : vector<1x1x128x2048xf32> to vector<128x2048xf32>
    %swap3A_24 = vector.shape_cast %transpose3A_17 : vector<128x2048xf32> to vector<1x1x128x2048xf32>
    tpu.vector_store %arg4[%swap3A_18, %swap3A_19, %swap3A_20, %swap3A_21], %swap3A_24 {strides = array<i32>} : memref<1x8x128x2048xf32, #tpu.memory_space<vmem>>, vector<1x1x128x2048xf32>,
    %get3A_25 = arith.constant 0 : index
    %get3A_26 = arith.constant 0 : index
    %get3A_27 = arith.constant 2 : index
    %get3A_28 = arith.constant 0 : index
    %get3A_29 = vector.load %arg2[%get3A_25, %get3A_26, %get3A_27, %get3A_28] : memref<1x2048x8x128xf32, #tpu.memory_space<vmem>>, vector<1x2048x1x128xf32>
    %get3A_30 = vector.shape_cast %get3A_29 : vector<1x2048x1x128xf32> to vector<2048x128xf32>
    %transpose3A_31 = tpu.transpose %get3A_30, [1, 0] : vector<2048x128xf32> -> vector<128x2048xf32>
    %swap3A_32 = arith.constant 0 : index
    %swap3A_33 = arith.constant 2 : index
    %swap3A_34 = arith.constant 0 : index
    %swap3A_35 = arith.constant 0 : index
    %swap3A_36 = vector.load %arg4[%swap3A_32, %swap3A_33, %swap3A_34, %swap3A_35] : memref<1x8x128x2048xf32, #tpu.memory_space<vmem>>, vector<1x1x128x2048xf32>
    %swap3A_37 = vector.shape_cast %swap3A_36 : vector<1x1x128x2048xf32> to vector<128x2048xf32>
    %swap3A_38 = vector.shape_cast %transpose3A_31 : vector<128x2048xf32> to vector<1x1x128x2048xf32>
    tpu.vector_store %arg4[%swap3A_32, %swap3A_33, %swap3A_34, %swap3A_35], %swap3A_38 {strides = array<i32>} : memref<1x8x128x2048xf32, #tpu.memory_space<vmem>>, vector<1x1x128x2048xf32>,
    %get3A_39 = arith.constant 0 : index
    %get3A_40 = arith.constant 0 : index
    %get3A_41 = arith.constant 3 : index
    %get3A_42 = arith.constant 0 : index
    %get3A_43 = vector.load %arg2[%get3A_39, %get3A_40, %get3A_41, %get3A_42] : memref<1x2048x8x128xf32, #tpu.memory_space<vmem>>, vector<1x2048x1x128xf32>
    %get3A_44 = vector.shape_cast %get3A_43 : vector<1x2048x1x128xf32> to vector<2048x128xf32>
    %transpose3A_45 = tpu.transpose %get3A_44, [1, 0] : vector<2048x128xf32> -> vector<128x2048xf32>
    %swap3A_46 = arith.constant 0 : index
    %swap3A_47 = arith.constant 3 : index
    %swap3A_48 = arith.constant 0 : index
    %swap3A_49 = arith.constant 0 : index
    %swap3A_50 = vector.load %arg4[%swap3A_46, %swap3A_47, %swap3A_48, %swap3A_49] : memref<1x8x128x2048xf32, #tpu.memory_space<vmem>>, vector<1x1x128x2048xf32>
    %swap3A_51 = vector.shape_cast %swap3A_50 : vector<1x1x128x2048xf32> to vector<128x2048xf32>
    %swap3A_52 = vector.shape_cast %transpose3A_45 : vector<128x2048xf32> to vector<1x1x128x2048xf32>
    tpu.vector_store %arg4[%swap3A_46, %swap3A_47, %swap3A_48, %swap3A_49], %swap3A_52 {strides = array<i32>} : memref<1x8x128x2048xf32, #tpu.memory_space<vmem>>, vector<1x1x128x2048xf32>,
    %get3A_53 = arith.constant 0 : index
    %get3A_54 = arith.constant 0 : index
    %get3A_55 = arith.constant 4 : index
    %get3A_56 = arith.constant 0 : index
    %get3A_57 = vector.load %arg2[%get3A_53, %get3A_54, %get3A_55, %get3A_56] : memref<1x2048x8x128xf32, #tpu.memory_space<vmem>>, vector<1x2048x1x128xf32>
    %get3A_58 = vector.shape_cast %get3A_57 : vector<1x2048x1x128xf32> to vector<2048x128xf32>
    %transpose3A_59 = tpu.transpose %get3A_58, [1, 0] : vector<2048x128xf32> -> vector<128x2048xf32>
    %swap3A_60 = arith.constant 0 : index
    %swap3A_61 = arith.constant 4 : index
    %swap3A_62 = arith.constant 0 : index
    %swap3A_63 = arith.constant 0 : index
    %swap3A_64 = vector.load %arg4[%swap3A_60, %swap3A_61, %swap3A_62, %swap3A_63] : memref<1x8x128x2048xf32, #tpu.memory_space<vmem>>, vector<1x1x128x2048xf32>
    %swap3A_65 = vector.shape_cast %swap3A_64 : vector<1x1x128x2048xf32> to vector<128x2048xf32>
    %swap3A_66 = vector.shape_cast %transpose3A_59 : vector<128x2048xf32> to vector<1x1x128x2048xf32>
    tpu.vector_store %arg4[%swap3A_60, %swap3A_61, %swap3A_62, %swap3A_63], %swap3A_66 {strides = array<i32>} : memref<1x8x128x2048xf32, #tpu.memory_space<vmem>>, vector<1x1x128x2048xf32>,
    %get3A_67 = arith.constant 0 : index
    %get3A_68 = arith.constant 0 : index
    %get3A_69 = arith.constant 5 : index
    %get3A_70 = arith.constant 0 : index
    %get3A_71 = vector.load %arg2[%get3A_67, %get3A_68, %get3A_69, %get3A_70] : memref<1x2048x8x128xf32, #tpu.memory_space<vmem>>, vector<1x2048x1x128xf32>
    %get3A_72 = vector.shape_cast %get3A_71 : vector<1x2048x1x128xf32> to vector<2048x128xf32>
    %transpose3A_73 = tpu.transpose %get3A_72, [1, 0] : vector<2048x128xf32> -> vector<128x2048xf32>
    %swap3A_74 = arith.constant 0 : index
    %swap3A_75 = arith.constant 5 : index
    %swap3A_76 = arith.constant 0 : index
    %swap3A_77 = arith.constant 0 : index
    %swap3A_78 = vector.load %arg4[%swap3A_74, %swap3A_75, %swap3A_76, %swap3A_77] : memref<1x8x128x2048xf32, #tpu.memory_space<vmem>>, vector<1x1x128x2048xf32>
    %swap3A_79 = vector.shape_cast %swap3A_78 : vector<1x1x128x2048xf32> to vector<128x2048xf32>
    %swap3A_80 = vector.shape_cast %transpose3A_73 : vector<128x2048xf32> to vector<1x1x128x2048xf32>
    tpu.vector_store %arg4[%swap3A_74, %swap3A_75, %swap3A_76, %swap3A_77], %swap3A_80 {strides = array<i32>} : memref<1x8x128x2048xf32, #tpu.memory_space<vmem>>, vector<1x1x128x2048xf32>,
    %get3A_81 = arith.constant 0 : index
    %get3A_82 = arith.constant 0 : index
    %get3A_83 = arith.constant 6 : index
    %get3A_84 = arith.constant 0 : index
    %get3A_85 = vector.load %arg2[%get3A_81, %get3A_82, %get3A_83, %get3A_84] : memref<1x2048x8x128xf32, #tpu.memory_space<vmem>>, vector<1x2048x1x128xf32>
    %get3A_86 = vector.shape_cast %get3A_85 : vector<1x2048x1x128xf32> to vector<2048x128xf32>
    %transpose3A_87 = tpu.transpose %get3A_86, [1, 0] : vector<2048x128xf32> -> vector<128x2048xf32>
    %swap3A_88 = arith.constant 0 : index
    %swap3A_89 = arith.constant 6 : index
    %swap3A_90 = arith.constant 0 : index
    %swap3A_91 = arith.constant 0 : index
    %swap3A_92 = vector.load %arg4[%swap3A_88, %swap3A_89, %swap3A_90, %swap3A_91] : memref<1x8x128x2048xf32, #tpu.memory_space<vmem>>, vector<1x1x128x2048xf32>
    %swap3A_93 = vector.shape_cast %swap3A_92 : vector<1x1x128x2048xf32> to vector<128x2048xf32>
    %swap3A_94 = vector.shape_cast %transpose3A_87 : vector<128x2048xf32> to vector<1x1x128x2048xf32>
    tpu.vector_store %arg4[%swap3A_88, %swap3A_89, %swap3A_90, %swap3A_91], %swap3A_94 {strides = array<i32>} : memref<1x8x128x2048xf32, #tpu.memory_space<vmem>>, vector<1x1x128x2048xf32>,
    %get3A_95 = arith.constant 0 : index
    %get3A_96 = arith.constant 0 : index
    %get3A_97 = arith.constant 7 : index
    %get3A_98 = arith.constant 0 : index
    %get3A_99 = vector.load %arg2[%get3A_95, %get3A_96, %get3A_97, %get3A_98] : memref<1x2048x8x128xf32, #tpu.memory_space<vmem>>, vector<1x2048x1x128xf32>
    %get3A_100 = vector.shape_cast %get3A_99 : vector<1x2048x1x128xf32> to vector<2048x128xf32>
    %transpose3A_101 = tpu.transpose %get3A_100, [1, 0] : vector<2048x128xf32> -> vector<128x2048xf32>
    %swap3A_102 = arith.constant 0 : index
    %swap3A_103 = arith.constant 7 : index
    %swap3A_104 = arith.constant 0 : index
    %swap3A_105 = arith.constant 0 : index
    %swap3A_106 = vector.load %arg4[%swap3A_102, %swap3A_103, %swap3A_104, %swap3A_105] : memref<1x8x128x2048xf32, #tpu.memory_space<vmem>>, vector<1x1x128x2048xf32>
    %swap3A_107 = vector.shape_cast %swap3A_106 : vector<1x1x128x2048xf32> to vector<128x2048xf32>
    %swap3A_108 = vector.shape_cast %transpose3A_101 : vector<128x2048xf32> to vector<1x1x128x2048xf32>
    tpu.vector_store %arg4[%swap3A_102, %swap3A_103, %swap3A_104, %swap3A_105], %swap3A_108 {strides = array<i32>} : memref<1x8x128x2048xf32, #tpu.memory_space<vmem>>, vector<1x1x128x2048xf32>,
    return
  }
  func.func @transform_0(%arg0: i32, %arg1: i32) -> (i32, i32, i32, i32) {
    %c0_i32 = arith.constant 0 : i32
    %c0_i32_0 = arith.constant 0 : i32
    %c0_i32_1 = arith.constant 0 : i32
    return %c0_i32, %arg0, %arg1, %c0_i32_0 : i32, i32, i32, i32
  }
  func.func @transform_2(%arg0: i32, %arg1: i32) -> (i32, i32, i32, i32) {
    %c2_i32 = arith.constant 2 : i32
    %c0_i32 = arith.constant 0 : i32
    %c0_i32_0 = arith.constant 0 : i32
    return %c2_i32, %arg1, %c0_i32, %arg0 : i32, i32, i32, i32
  }
}

module attributes {stable_mosaic.version = 14 : i64} {
  func.func @_transpose_part_body(%arg0: i32, %arg1: i32, %arg2: memref<1x2048x8x128xf32, #tpu.memory_space<vmem>>, %arg3: memref<4x64x128x2048xf32, #tpu.memory_space<any>>, %arg4: memref<1x8x128x2048xf32, #tpu.memory_space<vmem>>) attributes {dimension_semantics = [#tpu.dimension_semantics<arbitrary>, #tpu.dimension_semantics<arbitrary>], iteration_bounds = array<i64: 1, 8>, scalar_prefetch = 0 : i64, scratch_operands = 0 : i64, tpu.core_type = #tpu.core_type<tc>, window_params = [{transform_indices = @transform_0, window_bounds = array<i64: 1, 2048, 8, 128>}, {}, {transform_indices = @transform_2, window_bounds = array<i64: 1, 8, 128, 2048>}]} {
    %get3A = arith.constant 0 : index
    %get3A_0 = arith.constant 0 : index
    %get3A_1 = arith.constant 0 : index
    %get3A_2 = arith.constant 0 : index
    %get3A_3 = vector.load %arg2[%get3A, %get3A_0, %get3A_1, %get3A_2] : memref<1x2048x8x128xf32, #tpu.memory_space<vmem>>, vector<1x2048x1x128xf32>
    %get3A_4 = vector.shape_cast %get3A_3 : vector<1x2048x1x128xf32> to vector<2048x128xf32>
    %transpose3A = tpu.transpose %get3A_4, [1, 0] : vector<2048x128xf32> -> vector<128x2048xf32>
    %swap3A = arith.constant 0 : index
    %swap3A_5 = arith.constant 0 : index
    %swap3A_6 = arith.constant 0 : index
    %swap3A_7 = arith.constant 0 : index
    %swap3A_8 = vector.load %arg4[%swap3A, %swap3A_5, %swap3A_6, %swap3A_7] : memref<1x8x128x2048xf32, #tpu.memory_space<vmem>>, vector<1x1x128x2048xf32>
    %swap3A_9 = vector.shape_cast %swap3A_8 : vector<1x1x128x2048xf32> to vector<128x2048xf32>
    %swap3A_10 = vector.shape_cast %transpose3A : vector<128x2048xf32> to vector<1x1x128x2048xf32>
    tpu.vector_store %arg4[%swap3A, %swap3A_5, %swap3A_6, %swap3A_7], %swap3A_10 {strides = array<i32>} : memref<1x8x128x2048xf32, #tpu.memory_space<vmem>>, vector<1x1x128x2048xf32>,
    %get3A_11 = arith.constant 0 : index
    %get3A_12 = arith.constant 0 : index
    %get3A_13 = arith.constant 1 : index
    %get3A_14 = arith.constant 0 : index
    %get3A_15 = vector.load %arg2[%get3A_11, %get3A_12, %get3A_13, %get3A_14] : memref<1x2048x8x128xf32, #tpu.memory_space<vmem>>, vector<1x2048x1x128xf32>
    %get3A_16 = vector.shape_cast %get3A_15 : vector<1x2048x1x128xf32> to vector<2048x128xf32>
    %transpose3A_17 = tpu.transpose %get3A_16, [1, 0] : vector<2048x128xf32> -> vector<128x2048xf32>
    %swap3A_18 = arith.constant 0 : index
    %swap3A_19 = arith.constant 1 : index
    %swap3A_20 = arith.constant 0 : index
    %swap3A_21 = arith.constant 0 : index
    %swap3A_22 = vector.load %arg4[%swap3A_18, %swap3A_19, %swap3A_20, %swap3A_21] : memref<1x8x128x2048xf32, #tpu.memory_space<vmem>>, vector<1x1x128x2048xf32>
    %swap3A_23 = vector.shape_cast %swap3A_22 : vector<1x1x128x2048xf32> to vector<128x2048xf32>
    %swap3A_24 = vector.shape_cast %transpose3A_17 : vector<128x2048xf32> to vector<1x1x128x2048xf32>
    tpu.vector_store %arg4[%swap3A_18, %swap3A_19, %swap3A_20, %swap3A_21], %swap3A_24 {strides = array<i32>} : memref<1x8x128x2048xf32, #tpu.memory_space<vmem>>, vector<1x1x128x2048xf32>,
    %get3A_25 = arith.constant 0 : index
    %get3A_26 = arith.constant 0 : index
    %get3A_27 = arith.constant 2 : index
    %get3A_28 = arith.constant 0 : index
    %get3A_29 = vector.load %arg2[%get3A_25, %get3A_26, %get3A_27, %get3A_28] : memref<1x2048x8x128xf32, #tpu.memory_space<vmem>>, vector<1x2048x1x128xf32>
    %get3A_30 = vector.shape_cast %get3A_29 : vector<1x2048x1x128xf32> to vector<2048x128xf32>
    %transpose3A_31 = tpu.transpose %get3A_30, [1, 0] : vector<2048x128xf32> -> vector<128x2048xf32>
    %swap3A_32 = arith.constant 0 : index
    %swap3A_33 = arith.constant 2 : index
    %swap3A_34 = arith.constant 0 : index
    %swap3A_35 = arith.constant 0 : index
    %swap3A_36 = vector.load %arg4[%swap3A_32, %swap3A_33, %swap3A_34, %swap3A_35] : memref<1x8x128x2048xf32, #tpu.memory_space<vmem>>, vector<1x1x128x2048xf32>
    %swap3A_37 = vector.shape_cast %swap3A_36 : vector<1x1x128x2048xf32> to vector<128x2048xf32>
    %swap3A_38 = vector.shape_cast %transpose3A_31 : vector<128x2048xf32> to vector<1x1x128x2048xf32>
    tpu.vector_store %arg4[%swap3A_32, %swap3A_33, %swap3A_34, %swap3A_35], %swap3A_38 {strides = array<i32>} : memref<1x8x128x2048xf32, #tpu.memory_space<vmem>>, vector<1x1x128x2048xf32>,
    %get3A_39 = arith.constant 0 : index
    %get3A_40 = arith.constant 0 : index
    %get3A_41 = arith.constant 3 : index
    %get3A_42 = arith.constant 0 : index
    %get3A_43 = vector.load %arg2[%get3A_39, %get3A_40, %get3A_41, %get3A_42] : memref<1x2048x8x128xf32, #tpu.memory_space<vmem>>, vector<1x2048x1x128xf32>
    %get3A_44 = vector.shape_cast %get3A_43 : vector<1x2048x1x128xf32> to vector<2048x128xf32>
    %transpose3A_45 = tpu.transpose %get3A_44, [1, 0] : vector<2048x128xf32> -> vector<128x2048xf32>
    %swap3A_46 = arith.constant 0 : index
    %swap3A_47 = arith.constant 3 : index
    %swap3A_48 = arith.constant 0 : index
    %swap3A_49 = arith.constant 0 : index
    %swap3A_50 = vector.load %arg4[%swap3A_46, %swap3A_47, %swap3A_48, %swap3A_49] : memref<1x8x128x2048xf32, #tpu.memory_space<vmem>>, vector<1x1x128x2048xf32>
    %swap3A_51 = vector.shape_cast %swap3A_50 : vector<1x1x128x2048xf32> to vector<128x2048xf32>
    %swap3A_52 = vector.shape_cast %transpose3A_45 : vector<128x2048xf32> to vector<1x1x128x2048xf32>
    tpu.vector_store %arg4[%swap3A_46, %swap3A_47, %swap3A_48, %swap3A_49], %swap3A_52 {strides = array<i32>} : memref<1x8x128x2048xf32, #tpu.memory_space<vmem>>, vector<1x1x128x2048xf32>,
    %get3A_53 = arith.constant 0 : index
    %get3A_54 = arith.constant 0 : index
    %get3A_55 = arith.constant 4 : index
    %get3A_56 = arith.constant 0 : index
    %get3A_57 = vector.load %arg2[%get3A_53, %get3A_54, %get3A_55, %get3A_56] : memref<1x2048x8x128xf32, #tpu.memory_space<vmem>>, vector<1x2048x1x128xf32>
    %get3A_58 = vector.shape_cast %get3A_57 : vector<1x2048x1x128xf32> to vector<2048x128xf32>
    %transpose3A_59 = tpu.transpose %get3A_58, [1, 0] : vector<2048x128xf32> -> vector<128x2048xf32>
    %swap3A_60 = arith.constant 0 : index
    %swap3A_61 = arith.constant 4 : index
    %swap3A_62 = arith.constant 0 : index
    %swap3A_63 = arith.constant 0 : index
    %swap3A_64 = vector.load %arg4[%swap3A_60, %swap3A_61, %swap3A_62, %swap3A_63] : memref<1x8x128x2048xf32, #tpu.memory_space<vmem>>, vector<1x1x128x2048xf32>
    %swap3A_65 = vector.shape_cast %swap3A_64 : vector<1x1x128x2048xf32> to vector<128x2048xf32>
    %swap3A_66 = vector.shape_cast %transpose3A_59 : vector<128x2048xf32> to vector<1x1x128x2048xf32>
    tpu.vector_store %arg4[%swap3A_60, %swap3A_61, %swap3A_62, %swap3A_63], %swap3A_66 {strides = array<i32>} : memref<1x8x128x2048xf32, #tpu.memory_space<vmem>>, vector<1x1x128x2048xf32>,
    %get3A_67 = arith.constant 0 : index
    %get3A_68 = arith.constant 0 : index
    %get3A_69 = arith.constant 5 : index
    %get3A_70 = arith.constant 0 : index
    %get3A_71 = vector.load %arg2[%get3A_67, %get3A_68, %get3A_69, %get3A_70] : memref<1x2048x8x128xf32, #tpu.memory_space<vmem>>, vector<1x2048x1x128xf32>
    %get3A_72 = vector.shape_cast %get3A_71 : vector<1x2048x1x128xf32> to vector<2048x128xf32>
    %transpose3A_73 = tpu.transpose %get3A_72, [1, 0] : vector<2048x128xf32> -> vector<128x2048xf32>
    %swap3A_74 = arith.constant 0 : index
    %swap3A_75 = arith.constant 5 : index
    %swap3A_76 = arith.constant 0 : index
    %swap3A_77 = arith.constant 0 : index
    %swap3A_78 = vector.load %arg4[%swap3A_74, %swap3A_75, %swap3A_76, %swap3A_77] : memref<1x8x128x2048xf32, #tpu.memory_space<vmem>>, vector<1x1x128x2048xf32>
    %swap3A_79 = vector.shape_cast %swap3A_78 : vector<1x1x128x2048xf32> to vector<128x2048xf32>
    %swap3A_80 = vector.shape_cast %transpose3A_73 : vector<128x2048xf32> to vector<1x1x128x2048xf32>
    tpu.vector_store %arg4[%swap3A_74, %swap3A_75, %swap3A_76, %swap3A_77], %swap3A_80 {strides = array<i32>} : memref<1x8x128x2048xf32, #tpu.memory_space<vmem>>, vector<1x1x128x2048xf32>,
    %get3A_81 = arith.constant 0 : index
    %get3A_82 = arith.constant 0 : index
    %get3A_83 = arith.constant 6 : index
    %get3A_84 = arith.constant 0 : index
    %get3A_85 = vector.load %arg2[%get3A_81, %get3A_82, %get3A_83, %get3A_84] : memref<1x2048x8x128xf32, #tpu.memory_space<vmem>>, vector<1x2048x1x128xf32>
    %get3A_86 = vector.shape_cast %get3A_85 : vector<1x2048x1x128xf32> to vector<2048x128xf32>
    %transpose3A_87 = tpu.transpose %get3A_86, [1, 0] : vector<2048x128xf32> -> vector<128x2048xf32>
    %swap3A_88 = arith.constant 0 : index
    %swap3A_89 = arith.constant 6 : index
    %swap3A_90 = arith.constant 0 : index
    %swap3A_91 = arith.constant 0 : index
    %swap3A_92 = vector.load %arg4[%swap3A_88, %swap3A_89, %swap3A_90, %swap3A_91] : memref<1x8x128x2048xf32, #tpu.memory_space<vmem>>, vector<1x1x128x2048xf32>
    %swap3A_93 = vector.shape_cast %swap3A_92 : vector<1x1x128x2048xf32> to vector<128x2048xf32>
    %swap3A_94 = vector.shape_cast %transpose3A_87 : vector<128x2048xf32> to vector<1x1x128x2048xf32>
    tpu.vector_store %arg4[%swap3A_88, %swap3A_89, %swap3A_90, %swap3A_91], %swap3A_94 {strides = array<i32>} : memref<1x8x128x2048xf32, #tpu.memory_space<vmem>>, vector<1x1x128x2048xf32>,
    %get3A_95 = arith.constant 0 : index
    %get3A_96 = arith.constant 0 : index
    %get3A_97 = arith.constant 7 : index
    %get3A_98 = arith.constant 0 : index
    %get3A_99 = vector.load %arg2[%get3A_95, %get3A_96, %get3A_97, %get3A_98] : memref<1x2048x8x128xf32, #tpu.memory_space<vmem>>, vector<1x2048x1x128xf32>
    %get3A_100 = vector.shape_cast %get3A_99 : vector<1x2048x1x128xf32> to vector<2048x128xf32>
    %transpose3A_101 = tpu.transpose %get3A_100, [1, 0] : vector<2048x128xf32> -> vector<128x2048xf32>
    %swap3A_102 = arith.constant 0 : index
    %swap3A_103 = arith.constant 7 : index
    %swap3A_104 = arith.constant 0 : index
    %swap3A_105 = arith.constant 0 : index
    %swap3A_106 = vector.load %arg4[%swap3A_102, %swap3A_103, %swap3A_104, %swap3A_105] : memref<1x8x128x2048xf32, #tpu.memory_space<vmem>>, vector<1x1x128x2048xf32>
    %swap3A_107 = vector.shape_cast %swap3A_106 : vector<1x1x128x2048xf32> to vector<128x2048xf32>
    %swap3A_108 = vector.shape_cast %transpose3A_101 : vector<128x2048xf32> to vector<1x1x128x2048xf32>
    tpu.vector_store %arg4[%swap3A_102, %swap3A_103, %swap3A_104, %swap3A_105], %swap3A_108 {strides = array<i32>} : memref<1x8x128x2048xf32, #tpu.memory_space<vmem>>, vector<1x1x128x2048xf32>,
    return
  }
  func.func @transform_0(%arg0: i32, %arg1: i32) -> (i32, i32, i32, i32) {
    %c0_i32 = arith.constant 0 : i32
    %c0_i32_0 = arith.constant 0 : i32
    %c0_i32_1 = arith.constant 0 : i32
    return %c0_i32, %arg0, %arg1, %c0_i32_0 : i32, i32, i32, i32
  }
  func.func @transform_2(%arg0: i32, %arg1: i32) -> (i32, i32, i32, i32) {
    %c1_i32 = arith.constant 1 : i32
    %c0_i32 = arith.constant 0 : i32
    %c0_i32_0 = arith.constant 0 : i32
    return %c1_i32, %arg1, %c0_i32, %arg0 : i32, i32, i32, i32
  }
}

module attributes {stable_mosaic.version = 14 : i64} {
  func.func @_transpose_part_body(%arg0: i32, %arg1: i32, %arg2: memref<1x2048x8x128xf32, #tpu.memory_space<vmem>>, %arg3: memref<4x64x128x2048xf32, #tpu.memory_space<any>>, %arg4: memref<1x8x128x2048xf32, #tpu.memory_space<vmem>>) attributes {dimension_semantics = [#tpu.dimension_semantics<arbitrary>, #tpu.dimension_semantics<arbitrary>], iteration_bounds = array<i64: 1, 8>, scalar_prefetch = 0 : i64, scratch_operands = 0 : i64, tpu.core_type = #tpu.core_type<tc>, window_params = [{transform_indices = @transform_0, window_bounds = array<i64: 1, 2048, 8, 128>}, {}, {transform_indices = @transform_2, window_bounds = array<i64: 1, 8, 128, 2048>}]} {
    %get3A = arith.constant 0 : index
    %get3A_0 = arith.constant 0 : index
    %get3A_1 = arith.constant 0 : index
    %get3A_2 = arith.constant 0 : index
    %get3A_3 = vector.load %arg2[%get3A, %get3A_0, %get3A_1, %get3A_2] : memref<1x2048x8x128xf32, #tpu.memory_space<vmem>>, vector<1x2048x1x128xf32>
    %get3A_4 = vector.shape_cast %get3A_3 : vector<1x2048x1x128xf32> to vector<2048x128xf32>
    %transpose3A = tpu.transpose %get3A_4, [1, 0] : vector<2048x128xf32> -> vector<128x2048xf32>
    %swap3A = arith.constant 0 : index
    %swap3A_5 = arith.constant 0 : index
    %swap3A_6 = arith.constant 0 : index
    %swap3A_7 = arith.constant 0 : index
    %swap3A_8 = vector.load %arg4[%swap3A, %swap3A_5, %swap3A_6, %swap3A_7] : memref<1x8x128x2048xf32, #tpu.memory_space<vmem>>, vector<1x1x128x2048xf32>
    %swap3A_9 = vector.shape_cast %swap3A_8 : vector<1x1x128x2048xf32> to vector<128x2048xf32>
    %swap3A_10 = vector.shape_cast %transpose3A : vector<128x2048xf32> to vector<1x1x128x2048xf32>
    tpu.vector_store %arg4[%swap3A, %swap3A_5, %swap3A_6, %swap3A_7], %swap3A_10 {strides = array<i32>} : memref<1x8x128x2048xf32, #tpu.memory_space<vmem>>, vector<1x1x128x2048xf32>,
    %get3A_11 = arith.constant 0 : index
    %get3A_12 = arith.constant 0 : index
    %get3A_13 = arith.constant 1 : index
    %get3A_14 = arith.constant 0 : index
    %get3A_15 = vector.load %arg2[%get3A_11, %get3A_12, %get3A_13, %get3A_14] : memref<1x2048x8x128xf32, #tpu.memory_space<vmem>>, vector<1x2048x1x128xf32>
    %get3A_16 = vector.shape_cast %get3A_15 : vector<1x2048x1x128xf32> to vector<2048x128xf32>
    %transpose3A_17 = tpu.transpose %get3A_16, [1, 0] : vector<2048x128xf32> -> vector<128x2048xf32>
    %swap3A_18 = arith.constant 0 : index
    %swap3A_19 = arith.constant 1 : index
    %swap3A_20 = arith.constant 0 : index
    %swap3A_21 = arith.constant 0 : index
    %swap3A_22 = vector.load %arg4[%swap3A_18, %swap3A_19, %swap3A_20, %swap3A_21] : memref<1x8x128x2048xf32, #tpu.memory_space<vmem>>, vector<1x1x128x2048xf32>
    %swap3A_23 = vector.shape_cast %swap3A_22 : vector<1x1x128x2048xf32> to vector<128x2048xf32>
    %swap3A_24 = vector.shape_cast %transpose3A_17 : vector<128x2048xf32> to vector<1x1x128x2048xf32>
    tpu.vector_store %arg4[%swap3A_18, %swap3A_19, %swap3A_20, %swap3A_21], %swap3A_24 {strides = array<i32>} : memref<1x8x128x2048xf32, #tpu.memory_space<vmem>>, vector<1x1x128x2048xf32>,
    %get3A_25 = arith.constant 0 : index
    %get3A_26 = arith.constant 0 : index
    %get3A_27 = arith.constant 2 : index
    %get3A_28 = arith.constant 0 : index
    %get3A_29 = vector.load %arg2[%get3A_25, %get3A_26, %get3A_27, %get3A_28] : memref<1x2048x8x128xf32, #tpu.memory_space<vmem>>, vector<1x2048x1x128xf32>
    %get3A_30 = vector.shape_cast %get3A_29 : vector<1x2048x1x128xf32> to vector<2048x128xf32>
    %transpose3A_31 = tpu.transpose %get3A_30, [1, 0] : vector<2048x128xf32> -> vector<128x2048xf32>
    %swap3A_32 = arith.constant 0 : index
    %swap3A_33 = arith.constant 2 : index
    %swap3A_34 = arith.constant 0 : index
    %swap3A_35 = arith.constant 0 : index
    %swap3A_36 = vector.load %arg4[%swap3A_32, %swap3A_33, %swap3A_34, %swap3A_35] : memref<1x8x128x2048xf32, #tpu.memory_space<vmem>>, vector<1x1x128x2048xf32>
    %swap3A_37 = vector.shape_cast %swap3A_36 : vector<1x1x128x2048xf32> to vector<128x2048xf32>
    %swap3A_38 = vector.shape_cast %transpose3A_31 : vector<128x2048xf32> to vector<1x1x128x2048xf32>
    tpu.vector_store %arg4[%swap3A_32, %swap3A_33, %swap3A_34, %swap3A_35], %swap3A_38 {strides = array<i32>} : memref<1x8x128x2048xf32, #tpu.memory_space<vmem>>, vector<1x1x128x2048xf32>,
    %get3A_39 = arith.constant 0 : index
    %get3A_40 = arith.constant 0 : index
    %get3A_41 = arith.constant 3 : index
    %get3A_42 = arith.constant 0 : index
    %get3A_43 = vector.load %arg2[%get3A_39, %get3A_40, %get3A_41, %get3A_42] : memref<1x2048x8x128xf32, #tpu.memory_space<vmem>>, vector<1x2048x1x128xf32>
    %get3A_44 = vector.shape_cast %get3A_43 : vector<1x2048x1x128xf32> to vector<2048x128xf32>
    %transpose3A_45 = tpu.transpose %get3A_44, [1, 0] : vector<2048x128xf32> -> vector<128x2048xf32>
    %swap3A_46 = arith.constant 0 : index
    %swap3A_47 = arith.constant 3 : index
    %swap3A_48 = arith.constant 0 : index
    %swap3A_49 = arith.constant 0 : index
    %swap3A_50 = vector.load %arg4[%swap3A_46, %swap3A_47, %swap3A_48, %swap3A_49] : memref<1x8x128x2048xf32, #tpu.memory_space<vmem>>, vector<1x1x128x2048xf32>
    %swap3A_51 = vector.shape_cast %swap3A_50 : vector<1x1x128x2048xf32> to vector<128x2048xf32>
    %swap3A_52 = vector.shape_cast %transpose3A_45 : vector<128x2048xf32> to vector<1x1x128x2048xf32>
    tpu.vector_store %arg4[%swap3A_46, %swap3A_47, %swap3A_48, %swap3A_49], %swap3A_52 {strides = array<i32>} : memref<1x8x128x2048xf32, #tpu.memory_space<vmem>>, vector<1x1x128x2048xf32>,
    %get3A_53 = arith.constant 0 : index
    %get3A_54 = arith.constant 0 : index
    %get3A_55 = arith.constant 4 : index
    %get3A_56 = arith.constant 0 : index
    %get3A_57 = vector.load %arg2[%get3A_53, %get3A_54, %get3A_55, %get3A_56] : memref<1x2048x8x128xf32, #tpu.memory_space<vmem>>, vector<1x2048x1x128xf32>
    %get3A_58 = vector.shape_cast %get3A_57 : vector<1x2048x1x128xf32> to vector<2048x128xf32>
    %transpose3A_59 = tpu.transpose %get3A_58, [1, 0] : vector<2048x128xf32> -> vector<128x2048xf32>
    %swap3A_60 = arith.constant 0 : index
    %swap3A_61 = arith.constant 4 : index
    %swap3A_62 = arith.constant 0 : index
    %swap3A_63 = arith.constant 0 : index
    %swap3A_64 = vector.load %arg4[%swap3A_60, %swap3A_61, %swap3A_62, %swap3A_63] : memref<1x8x128x2048xf32, #tpu.memory_space<vmem>>, vector<1x1x128x2048xf32>
    %swap3A_65 = vector.shape_cast %swap3A_64 : vector<1x1x128x2048xf32> to vector<128x2048xf32>
    %swap3A_66 = vector.shape_cast %transpose3A_59 : vector<128x2048xf32> to vector<1x1x128x2048xf32>
    tpu.vector_store %arg4[%swap3A_60, %swap3A_61, %swap3A_62, %swap3A_63], %swap3A_66 {strides = array<i32>} : memref<1x8x128x2048xf32, #tpu.memory_space<vmem>>, vector<1x1x128x2048xf32>,
    %get3A_67 = arith.constant 0 : index
    %get3A_68 = arith.constant 0 : index
    %get3A_69 = arith.constant 5 : index
    %get3A_70 = arith.constant 0 : index
    %get3A_71 = vector.load %arg2[%get3A_67, %get3A_68, %get3A_69, %get3A_70] : memref<1x2048x8x128xf32, #tpu.memory_space<vmem>>, vector<1x2048x1x128xf32>
    %get3A_72 = vector.shape_cast %get3A_71 : vector<1x2048x1x128xf32> to vector<2048x128xf32>
    %transpose3A_73 = tpu.transpose %get3A_72, [1, 0] : vector<2048x128xf32> -> vector<128x2048xf32>
    %swap3A_74 = arith.constant 0 : index
    %swap3A_75 = arith.constant 5 : index
    %swap3A_76 = arith.constant 0 : index
    %swap3A_77 = arith.constant 0 : index
    %swap3A_78 = vector.load %arg4[%swap3A_74, %swap3A_75, %swap3A_76, %swap3A_77] : memref<1x8x128x2048xf32, #tpu.memory_space<vmem>>, vector<1x1x128x2048xf32>
    %swap3A_79 = vector.shape_cast %swap3A_78 : vector<1x1x128x2048xf32> to vector<128x2048xf32>
    %swap3A_80 = vector.shape_cast %transpose3A_73 : vector<128x2048xf32> to vector<1x1x128x2048xf32>
    tpu.vector_store %arg4[%swap3A_74, %swap3A_75, %swap3A_76, %swap3A_77], %swap3A_80 {strides = array<i32>} : memref<1x8x128x2048xf32, #tpu.memory_space<vmem>>, vector<1x1x128x2048xf32>,
    %get3A_81 = arith.constant 0 : index
    %get3A_82 = arith.constant 0 : index
    %get3A_83 = arith.constant 6 : index
    %get3A_84 = arith.constant 0 : index
    %get3A_85 = vector.load %arg2[%get3A_81, %get3A_82, %get3A_83, %get3A_84] : memref<1x2048x8x128xf32, #tpu.memory_space<vmem>>, vector<1x2048x1x128xf32>
    %get3A_86 = vector.shape_cast %get3A_85 : vector<1x2048x1x128xf32> to vector<2048x128xf32>
    %transpose3A_87 = tpu.transpose %get3A_86, [1, 0] : vector<2048x128xf32> -> vector<128x2048xf32>
    %swap3A_88 = arith.constant 0 : index
    %swap3A_89 = arith.constant 6 : index
    %swap3A_90 = arith.constant 0 : index
    %swap3A_91 = arith.constant 0 : index
    %swap3A_92 = vector.load %arg4[%swap3A_88, %swap3A_89, %swap3A_90, %swap3A_91] : memref<1x8x128x2048xf32, #tpu.memory_space<vmem>>, vector<1x1x128x2048xf32>
    %swap3A_93 = vector.shape_cast %swap3A_92 : vector<1x1x128x2048xf32> to vector<128x2048xf32>
    %swap3A_94 = vector.shape_cast %transpose3A_87 : vector<128x2048xf32> to vector<1x1x128x2048xf32>
    tpu.vector_store %arg4[%swap3A_88, %swap3A_89, %swap3A_90, %swap3A_91], %swap3A_94 {strides = array<i32>} : memref<1x8x128x2048xf32, #tpu.memory_space<vmem>>, vector<1x1x128x2048xf32>,
    %get3A_95 = arith.constant 0 : index
    %get3A_96 = arith.constant 0 : index
    %get3A_97 = arith.constant 7 : index
    %get3A_98 = arith.constant 0 : index
    %get3A_99 = vector.load %arg2[%get3A_95, %get3A_96, %get3A_97, %get3A_98] : memref<1x2048x8x128xf32, #tpu.memory_space<vmem>>, vector<1x2048x1x128xf32>
    %get3A_100 = vector.shape_cast %get3A_99 : vector<1x2048x1x128xf32> to vector<2048x128xf32>
    %transpose3A_101 = tpu.transpose %get3A_100, [1, 0] : vector<2048x128xf32> -> vector<128x2048xf32>
    %swap3A_102 = arith.constant 0 : index
    %swap3A_103 = arith.constant 7 : index
    %swap3A_104 = arith.constant 0 : index
    %swap3A_105 = arith.constant 0 : index
    %swap3A_106 = vector.load %arg4[%swap3A_102, %swap3A_103, %swap3A_104, %swap3A_105] : memref<1x8x128x2048xf32, #tpu.memory_space<vmem>>, vector<1x1x128x2048xf32>
    %swap3A_107 = vector.shape_cast %swap3A_106 : vector<1x1x128x2048xf32> to vector<128x2048xf32>
    %swap3A_108 = vector.shape_cast %transpose3A_101 : vector<128x2048xf32> to vector<1x1x128x2048xf32>
    tpu.vector_store %arg4[%swap3A_102, %swap3A_103, %swap3A_104, %swap3A_105], %swap3A_108 {strides = array<i32>} : memref<1x8x128x2048xf32, #tpu.memory_space<vmem>>, vector<1x1x128x2048xf32>,
    return
  }
  func.func @transform_0(%arg0: i32, %arg1: i32) -> (i32, i32, i32, i32) {
    %c0_i32 = arith.constant 0 : i32
    %c0_i32_0 = arith.constant 0 : i32
    %c0_i32_1 = arith.constant 0 : i32
    return %c0_i32, %arg0, %arg1, %c0_i32_0 : i32, i32, i32, i32
  }
  func.func @transform_2(%arg0: i32, %arg1: i32) -> (i32, i32, i32, i32) {
    %c3_i32 = arith.constant 3 : i32
    %c0_i32 = arith.constant 0 : i32
    %c0_i32_0 = arith.constant 0 : i32
    return %c3_i32, %arg1, %c0_i32, %arg0 : i32, i32, i32, i32
  }
}

</mosaic_0001>

<sc_bundles>
// kernel: kernel.11.cloned.1.call-start
scs
__scs_entry_jumppad:
0x0: {  	(pc) =	sbr.rel $0x88, $3  }
0x1: {  	(tag) =	ssettag $0x0;
	lr =	simm.s32 $0x1  }
0x2: {  	[smem:$0x3F9F] =	sst lr;
	_ =	strace $0xD0000000  }
0x3: {  	_ = 	snop  }
0x4: {  	_ = 	snop  }
0x5: {  	_ = 	snop  }
0x6: {  	_ = 	snop  }
0x7: {  	_ = 	snop  }
__scs_overlays_trampoline_lowered:
0x8: {  	[smem:$0x3FAE] =	sst s0  }
0x9: {  	[smem:$0x3FAF] =	sst s1  }
0xa: {  	[smem:$0x3FB0] =	sst s2  }
0xb: {  	[smem:$0x3FB1] =	sst s3  }
0xc: {  	[smem:$0x3FB2] =	sst s4  }
0xd: {  	[smem:$0x3FB3] =	sst s5  }
0xe: {  	[smem:$0x3FB4] =	sst s6  }
0xf: {  	[smem:$0x3FB5] =	sst s7  }
0x10: {  	[smem:$0x3FB6] =	sst s8  }
0x11: {  	[smem:$0x3FB7] =	sst s9;
	s0 =	simm.s32 @!p0 $0x0  }
0x12: {  	s1 =	sld [smem:$0x3F9D];
	s0 =	simm.s32 @p0 $0x1  }
0x13: {  	[smem:$0x3FB8] =	sst s0;
	s0 =	simm.s32 @!p1 $0x0  }
0x14: {  	s2 =	sld [smem:$0x3F9C];
	s0 =	simm.s32 @p1 $0x1  }
0x15: {  	[smem:$0x3FB9] =	sst s0;
	s0 =	simm.s32 @!p2 $0x0  }
0x16: {  	s3 =	sld [smem:$0x3FDB];
	s0 =	simm.s32 @p2 $0x1  }
0x17: {  	s4 =	simm.s32 $0x1BF5;
	[smem:$0x3FBB] =	sst s0  }
0x18: {  	s0 =	sld [smem:$0x3F9E];
	_ =	swait.ge [sflag:s4], $0x0  }
0x19: {  	s7 =	sld [smem:$0x3F9F]  }
0x1a: {  	s8 =	sadd.s32 $0xFFFFE003, lr  }
0x1b: {  	s9 =	sadd.s32 $0xFFFFFEF7, lr;
	s5 =	simm.s32 $0xFFFFFFFF;
	p2 =	slt.u32 s8, $0xFFFFF086  }
0x1c: {  	p1 =	slt.u32 s9, $0xF7A;
	s5 =	simm.s32 @!p2 $0x0  }
0x1d: {  	s5 =	simm.s32 @p1 $0x1;
	p0 =	seq.s32 s7, s2  }
0x1e: {  	s7 =	smul.u32 @!p0 $0xF7A, s2;
	p2 =	seq.s32 @!p0 s5, $0x0  }
0x1f: {  	s9 =	smul.u32 $0xF7A, s1;
	s8 =	simm.s32 @!p0 $0x1BF5;
	p2 =	por !p2, p0  }
0x20: {  	[sflag:s8] =	ssyncset.s32 @!p0 $0xFFFFF086;
	s6 =	sadd.s32 @!p0 s3, s7;
	s7 =	simm.s32 @!p0 $0x108  }
0x21: {  	s3 =	sadd.s32 s3, s9;
	s6 =	sadd.s32 @!p0 $0x88, s6;
	s7 =	simm.s32 @p2 $0x1082  }
0x22: {  	[simem:s7], [sflag:s8] =	dma.local @!p0 [hbm:s6], $0xF7A  }
0x23: {  	s9 =	sor.u32 $0xD0000000, s2;
	s6 =	simm.s32 $0x108;
	_ =	swait.ge @!p0 [sflag:s8], $0x0  }
0x24: {  	s3 =	sadd.s32 $0x88, s3;
	s6 =	simm.s32 @!p1 $0x1082;
	[sflag:s4] =	ssyncset.s32 $0xFFFFF086  }
0x25: {  	[simem:s6], [sflag:s4] =	dma.local [hbm:s3], $0xF7A  }
0x26: {  	[smem:$0x3F9F] =	sst s1;
	(tag) =	ssettag s2;
	_ =	strace s9  }
0x27: {  	s1 =	sld [smem:$0x3FAF]  }
0x28: {  	s2 =	sld [smem:$0x3FB0]  }
0x29: {  	s4 =	sld [smem:$0x3FB2]  }
0x2a: {  	p0 =	seq.s32 s5, $0x0;
	s5 =	sld [smem:$0x3FB3]  }
0x2b: {  	s6 =	sld [smem:$0x3FB4]  }
0x2c: {  	s7 =	sld [smem:$0x3FB5]  }
0x2d: {  	s3 =	simm.s32 $0x108;
	s8 =	sld [smem:$0x3FB6]  }
0x2e: {  	s3 =	simm.s32 @!p0 $0x1082;
	s9 =	sld [smem:$0x3FB7]  }
0x2f: {  	lr =	sadd.s32 s0, s3;
	s0 =	sld [smem:$0x3FAE]  }
0x30: {  	s3 =	sld [smem:$0x3FB1]  }
0x31: {  	[smem:$0x3FBA] =	sst s10  }
0x32: {  	s10 =	sld [smem:$0x3FB8];
	_ =	sdelay $0x3  }
0x33: {  	p0 =	seq.s32 s10, $0x1;
	s10 =	sld [smem:$0x3FBA];
	_ =	sdelay $0x3  }
0x34: {  	[smem:$0x3FBA] =	sst s10  }
0x35: {  	s10 =	sld [smem:$0x3FB9];
	_ =	sdelay $0x3  }
0x36: {  	p1 =	seq.s32 s10, $0x1;
	s10 =	sld [smem:$0x3FBA];
	_ =	sdelay $0x3  }
0x37: {  	[smem:$0x3FBA] =	sst s10  }
0x38: {  	s10 =	sld [smem:$0x3FBB]  }
0x39: {  	_ = 	snop;
	(pc) =	sbr.ind lr, $3  }
0x3a: {  	_ = 	snop  }
0x3b: {  	_ = 	snop  }
0x3c: {  	p2 =	seq.s32 s10, $0x1;
	s10 =	sld [smem:$0x3FBA]  }
0x3d: {  	_ =	shalt  }
0x3e: {  	_ =	shalt  }
0x3f: {  	_ =	shalt  }
0x40: {  	_ =	shalt  }
0x41: {  	_ =	shalt  }
0x42: {  	_ =	shalt  }
0x43: {  	_ =	shalt  }
0x44: {  	_ =	shalt  }
0x45: {  	_ =	shalt  }
0x46: {  	_ =	shalt  }
0x47: {  	_ =	shalt  }
0x48: {  	_ =	shalt  }
0x49: {  	_ =	shalt  }
0x4a: {  	_ =	shalt  }
0x4b: {  	_ =	shalt  }
0x4c: {  	_ =	shalt  }
0x4d: {  	_ =	shalt  }
0x4e: {  	_ =	shalt  }
0x4f: {  	_ =	shalt  }
0x50: {  	_ =	shalt  }
0x51: {  	_ =	shalt  }
0x52: {  	_ =	shalt  }
0x53: {  	_ =	shalt  }
0x54: {  	_ =	shalt  }
0x55: {  	_ =	shalt  }
0x56: {  	_ =	shalt  }
0x57: {  	_ =	shalt  }
0x58: {  	_ =	shalt  }
0x59: {  	_ =	shalt  }
0x5a: {  	_ =	shalt  }
0x5b: {  	_ =	shalt  }
0x5c: {  	_ =	shalt  }
0x5d: {  	_ =	shalt  }
0x5e: {  	_ =	shalt  }
0x5f: {  	_ =	shalt  }
0x60: {  	_ =	shalt  }
0x61: {  	_ =	shalt  }
0x62: {  	_ =	shalt  }
0x63: {  	_ =	shalt  }
0x64: {  	_ =	shalt  }
0x65: {  	_ =	shalt  }
0x66: {  	_ =	shalt  }
0x67: {  	_ =	shalt  }
0x68: {  	_ =	shalt  }
0x69: {  	_ =	shalt  }
0x6a: {  	_ =	shalt  }
0x6b: {  	_ =	shalt  }
0x6c: {  	_ =	shalt  }
0x6d: {  	_ =	shalt  }
0x6e: {  	_ =	shalt  }
0x6f: {  	_ =	shalt  }
0x70: {  	_ =	shalt  }
0x71: {  	_ =	shalt  }
0x72: {  	_ =	shalt  }
0x73: {  	_ =	shalt  }
0x74: {  	_ =	shalt  }
0x75: {  	_ =	shalt  }
0x76: {  	_ =	shalt  }
0x77: {  	_ =	shalt  }
0x78: {  	_ =	shalt  }
0x79: {  	_ =	shalt  }
0x7a: {  	_ =	shalt  }
0x7b: {  	_ =	shalt  }
0x7c: {  	_ =	shalt  }
0x7d: {  	_ =	shalt  }
0x7e: {  	_ =	shalt  }
0x7f: {  	_ =	shalt  }
0x80: {  	_ =	shalt  }
0x81: {  	_ =	shalt  }
0x82: {  	_ =	shalt  }
0x83: {  	_ =	shalt  }
0x84: {  	_ =	shalt  }
0x85: {  	_ =	shalt  }
0x86: {  	_ =	shalt  }
0x87: {  	_ =	shalt  }
.Lfunc_end0:
.L_simem_size_0:
called_computation_lowered:
.L_overlay_start_0:
0x88: {  	s2 =	sld [smem:$0x3FD9]  }
0x89: {  	s3 =	sld [smem:$0x3FFE];
	_ =	sdelay $0x1  }
0x8a: {  	s1 =	srdreg.scid  }
0x8b: {  	s0 =	sand.u32 $0x1, s1  }
0x8c: {  	s17 =	sshll.u32 s0, $0xA;
	s2 =	sadd.s32 s3, s2  }
0x8d: {  	s2 =	sadd.s32 s2, s17  }
0x8e: {  	[smem:$0x3FC6] =	sst s2  }
0x8f: {  	_ = 	snop  }
0x90: {  	s2 =	sld [smem:$0x3FD0];
	(tm) =	ssettm $0x1  }
0x91: {  	s18 =	sld [smem:$0x3FFB];
	_ =	sdelay $0x3  }
0x92: {  	_ =	strace s18  }
0x93: {  	s3 =	sld [smem:$0x3FFC];
	_ =	sdelay $0x3  }
0x94: {  	_ =	strace s3  }
0x95: {  	s3 =	sld [smem:$0x3FFD];
	_ =	sdelay $0x3  }
0x96: {  	_ =	strace s3  }
0x97: {  	_ =	strace $0x8FFFFFFF  }
0x98: {  	s19 =	sld [smem:$0x3FDB];
	_ =	sdelay $0x1  }
0x99: {  	s4 =	simm.s32 $_scs_section_size  }
0x9a: {  	s5 =	simm.s32 $_size__tile_overlayer_lowered;
	s6 =	simm.s32 $_tile_overlayer_lowered  }
0x9b: {  	s22 =	simm.s32 $0x1BFF;
	s21 =	sshll.u32 s6, $0x1;
	s3 =	sadd.s32 s4, s19  }
0x9c: {  	s7 =	simm.s32 $0x0;
	s20 =	sshll.u32 s5, $0x1;
	s5 =	sadd.s32 s21, s3  }
0x9d: {  	[timem:s7], [sflag:s22] =	dma.local [hbm:s5], s20  }
0x9e: {  	_ =	swait.ge [sflag:s22], s20  }
0x9f: {  	s4 =	ssub.s32 $0x0, s20;
	[sflag:s22] =	ssyncset.done $0x0  }
0xa0: {  	[sflag:s22] =	ssyncadd.s32 s4;
	_ =	sdelay $0x1  }
0xa1: {  	s23 =	simm.s32 $0x1B8B  }
0xa2: {  	_ =	swait.ge [sflag:s23], $0x1  }
0xa3: {  	[sflag:s23] =	ssyncset.done $0x0  }
0xa4: {  	s25 =	simm.s32 $0x1B8E;
	s24 =	sld [smem:$0x3FFE];
	[sflag:s23] =	ssyncadd.s32 $0xFFFFFFFF  }
0xa5: {  	s26 =	simm.s32 $execute0_lowered;
	[smem:$0x3FD2] =	sst s25  }
0xa6: {  	s5 =	sshll.u32 s26, $0x1;
	_ =	strace $0x80000046;
	[dreg:$0x1] =	wrdreg $0xFFFFFFFF  }
0xa7: {  	s28 =	simm.s32 $_size_execute0_lowered;
	s3 =	sadd.s32 s3, s5;
	[dreg:$0x0] =	wrdreg $0x0  }
0xa8: {  	s5 =	sshll.u32 s28, $0x1;
	[dreg:$0x2] =	wrdreg s3  }
0xa9: {  	[dreg:$0x3] =	wrdreg s5  }
0xaa: {  	[dreg:$0x4] =	wrdreg $0xC0  }
0xab: {  	_ =	task [dreg:s7], $0x5FFFF  }
0xac: {  	[dreg:$0x1] =	wrdreg $0xFFFFFFFF  }
0xad: {  	[dreg:$0x0] =	wrdreg $0x60  }
0xae: {  	[dreg:$0x2] =	wrdreg s24  }
0xaf: {  	[dreg:$0x3] =	wrdreg s2  }
0xb0: {  	[dreg:$0x4] =	wrdreg $0x9  }
0xb1: {  	_ =	task.clear_ibuf [dreg:s7], $0x5FFFF;
	_ =	strace $0x90000046  }
0xb2: {  	s29 =	simm.s32 $0x9;
	_ =	strace $0x80000048  }
0xb3: {  	_ =	swait.ge [sflag:s29], $0x1  }
0xb4: {  	[sflag:s29] =	ssyncadd.s32 $0xFFFFFFFF  }
0xb5: {  	_ =	strace $0x90000048  }
0xb6: {  	_ =	sfence  }
0xb7: {  	s30 =	sld [smem:$0x0];
	_ =	sdelay $0x2  }
0xb8: {  	s31 =	sshll.u32 s1, $0xD;
	s1 =	sshrl.u32 s1, $0x2  }
0xb9: {  	s3 =	sand.u32 $0x4000, s31;
	s1 =	sadd.s32 s1, s30  }
0xba: {  	s0 =	sor.u32 s3, s0;
	s1 =	sshll.u32 s1, $0x11  }
0xbb: {  	s0 =	sor.u32 s1, s0  }
0xbc: {  	s0 =	sadd.s32 $0x8F2B, s0  }
0xbd: {  	[sflag:s0] =	ssyncadd.remote.s32 $0x1  }
0xbe: {  	_ =	sfence.sel $0xFFFF  }
0xbf: {  	[dreg:$0x0] =	wrdreg $0xFFFFFFFF;
	(pc) =	sbr.abs _section_cstart, $3  }
0xc0: {  	[dreg:$0x1] =	wrdreg $0xFFFFFFFF  }
0xc1: {  	_ =	task.clear_ibuf [dreg:s7], $0x2FFFF;
	_ =	strace $0x9FFFFFFF  }
0xc2: {  	(tm) =	ssettm $0x7FFFFFFF  }
0xc3: {  	_ =	shalt  }
tec
execute0_lowered:
.L_overlay_start_1:
0x0: {  	(tag) =	ssettag $0x1  }
0x1: {  	s0 =	rddreg [dreg:$0x0];
	s1 =	srdreg.scid  }
0x2: {  	s2 =	stileid.u32;
	s3 =	rddreg [dreg:$0x1];
	s30 =	simm.s32 $0x5  }
0x3: {  	s9 =	simm.s32 $0x800;
	s31 =	simm.s32 $0x80;
	s7 =	simm.s32 $0x8800  }
0x4: {  	s11 =	simm.s32 $0x1;
	s10 =	simm.s32 $0x2;
	s8 =	simm.s32 $0x3  }
0x5: {  	s28 =	simm.s32 $0x100;
	s29 =	simm.s32 $0x180;
	p0 =	por $0x0, $0x0  }
0x6: {  	s1 =	sand.u32 $0x1, s1;
	s4 =	sshll.u32 s2, $0x1;
	s2 =	simm.s32 $0x0  }
0x7: {  	s4 =	sor.u32 s1, s4;
	[smem:$0x7FF] =	sst s2;
	s1 =	ssub.s32 $0x2, s1  }
0x8: {  	s5 =	sshll.u32 s4, $0x10;
	s4 =	sshll.u32 s4, $0x8;
	_ =	strace $0x80000047  }
0x9: {  	s21 =	sshrl.u32 s1, $0x1;
	s5 =	sadd.s32 s5, s0;
	s3 =	sadd.s32 s3, s4  }
0xa: {  	s1 =	ssub.s32 s1, s21;
	[dreg:$0x3] =	wrdreg s3;
	s15 =	sadd.s32 $0x200600, s5  }
0xb: {  	s4 =	simm.s32 $0x4;
	s16 =	sadd.s32 $0x201600, s5;
	[dreg:$0x4] =	wrdreg s15  }
0xc: {  	s21 =	simm.s32 $0x400;
	s17 =	sadd.s32 $0x202600, s5;
	[dreg:$0x5] =	wrdreg s16  }
0xd: {  	s18 =	sadd.s32 $0x203600, s5;
	s3 =	sadd.s32 $0x200, s0;
	[dreg:$0x6] =	wrdreg s17  }
0xe: {  	s19 =	sadd.s32 $0x204600, s5;
	s20 =	sadd.s32 $0x205600, s5;
	[dreg:$0x7] =	wrdreg s18  }
0xf: {  	s22 =	sadd.s32 $0x206600, s5;
	s23 =	sadd.s32 $0x207600, s5;
	[dreg:$0x8] =	wrdreg s19  }
0x10: {  	s1 =	smax.u32 s1, $0x1;
	s24 =	sadd.s32 $0x208600, s5;
	[dreg:$0x9] =	wrdreg s20  }
0x11: {  	s25 =	sadd.s32 $0x209600, s5;
	s26 =	sadd.s32 $0x20A600, s5;
	[dreg:$0xa] =	wrdreg s22  }
0x12: {  	s14 =	sadd.s32 $0x20B600, s5;
	s13 =	sadd.s32 $0x20C600, s5;
	[dreg:$0xb] =	wrdreg s23  }
0x13: {  	s12 =	sadd.s32 $0x20D600, s5;
	s6 =	sadd.s32 $0x20E600, s5;
	[dreg:$0xc] =	wrdreg s24  }
0x14: {  	s5 =	sadd.s32 $0x20F600, s5;
	[dreg:$0xd] =	wrdreg s25;
	p1 =	sne.s32 s1, $0x1  }
.Ltmp0:
0x15: {  	[dreg:$0xe] =	wrdreg s26;
	s25 =	simm.s32 $0x200;
	(pc) =	sbr.rel @!p1 .LBB2_3-.Ltmp0, $4  }
0x16: {  	s26 =	simm.s32 $0x280;
	s23 =	simm.s32 $0x300;
	s24 =	simm.s32 $0x380  }
0x17: {  	s22 =	simm.s32 $0x480;
	s1 =	sadd.s32 $0xFFFFFFFF, s1;
	s19 =	simm.s32 $0x500  }
0x18: {  	s20 =	simm.s32 $0x580;
	s17 =	simm.s32 $0x600;
	s18 =	simm.s32 $0x680  }
0x19: {  	s15 =	simm.s32 $0x700;
	s16 =	simm.s32 $0x780;
	s0 =	rddreg [dreg:$0x3]  }
0x1a: {  	[tilespmem:s2], [sflag:$0x5] =	stream.linear.gather [hbm4b:s0+s2], $0x800, $0x38;
	[tilespmem:$0x10800] =	vst v63  }
0x1b: {  	_ =	swait.ge [sflag:s30], $0x800  }
0x1c: {  	[sflag:s30] =	ssyncset.done $0x0  }
0x1d: {  	[sflag:s30] =	ssyncadd.s32 $0xFFFFF800  }
0x1e: {  	[tilespmem:s9], [sflag:$0x1] =	stream.indirect.gather [hbm4b:s3+s4], $0x2000, s2, s4, $0xb8;
	[tilespmem:$0x10800] =	vst v63  }
0x1f: {  	_ = 	snop  }
0x20: {  	[tilespmem:s7], [sflag:$0x2] =	stream.indirect.gather [hbm4b:s3+s4], $0x2000, s31, s4, $0xb8;
	[tilespmem:$0x10800] =	vst v63  }
0x21: {  	_ =	swait.ge [sflag:s11], $0x8000  }
0x22: {  	[sflag:s11] =	ssyncset.done $0x0  }
0x23: {  	s0 =	rddreg [dreg:$0x4];
	[sflag:s11] =	ssyncadd.s32 $0xFFFF8000  }
0x24: {  	[hbm4b:s0+s2] =	stream.linear.scatter [tilespmem:s9], [sflag:$0x3], $0x8000, $0x38;
	[tilespmem:$0x10800] =	vst v63  }
0x25: {  	_ =	swait.ge [sflag:s10], $0x8000  }
0x26: {  	[sflag:s10] =	ssyncset.done $0x0  }
0x27: {  	s0 =	rddreg [dreg:$0x5];
	[sflag:s10] =	ssyncadd.s32 $0xFFFF8000  }
0x28: {  	[hbm4b:s0+s2] =	stream.linear.scatter [tilespmem:s7], [sflag:$0x4], $0x8000, $0x38;
	[tilespmem:$0x10800] =	vst v63  }
0x29: {  	_ =	swait.ge [sflag:s8], $0x8000  }
0x2a: {  	[sflag:s8] =	ssyncset.done $0x0  }
0x2b: {  	[sflag:s8] =	ssyncadd.s32 $0xFFFF8000  }
0x2c: {  	_ =	swait.ge [sflag:s4], $0x8000  }
0x2d: {  	[sflag:s4] =	ssyncset.done $0x0  }
0x2e: {  	[sflag:s4] =	ssyncadd.s32 $0xFFFF8000  }
0x2f: {  	[tilespmem:s9], [sflag:$0x1] =	stream.indirect.gather [hbm4b:s3+s4], $0x2000, s28, s4, $0xb8;
	[tilespmem:$0x10800] =	vst v63  }
0x30: {  	_ = 	snop  }
0x31: {  	[tilespmem:s7], [sflag:$0x2] =	stream.indirect.gather [hbm4b:s3+s4], $0x2000, s29, s4, $0xb8;
	[tilespmem:$0x10800] =	vst v63  }
0x32: {  	_ =	swait.ge [sflag:s11], $0x8000  }
0x33: {  	[sflag:s11] =	ssyncset.done $0x0  }
0x34: {  	s0 =	rddreg [dreg:$0x6];
	[sflag:s11] =	ssyncadd.s32 $0xFFFF8000  }
0x35: {  	[hbm4b:s0+s2] =	stream.linear.scatter [tilespmem:s9], [sflag:$0x3], $0x8000, $0x38;
	[tilespmem:$0x10800] =	vst v63  }
0x36: {  	_ =	swait.ge [sflag:s10], $0x8000  }
0x37: {  	[sflag:s10] =	ssyncset.done $0x0  }
0x38: {  	s0 =	rddreg [dreg:$0x7];
	[sflag:s10] =	ssyncadd.s32 $0xFFFF8000  }
0x39: {  	[hbm4b:s0+s2] =	stream.linear.scatter [tilespmem:s7], [sflag:$0x4], $0x8000, $0x38;
	[tilespmem:$0x10800] =	vst v63  }
0x3a: {  	_ =	swait.ge [sflag:s8], $0x8000  }
0x3b: {  	[sflag:s8] =	ssyncset.done $0x0  }
0x3c: {  	[sflag:s8] =	ssyncadd.s32 $0xFFFF8000  }
0x3d: {  	_ =	swait.ge [sflag:s4], $0x8000  }
0x3e: {  	[sflag:s4] =	ssyncset.done $0x0  }
0x3f: {  	[sflag:s4] =	ssyncadd.s32 $0xFFFF8000  }
0x40: {  	[tilespmem:s9], [sflag:$0x1] =	stream.indirect.gather [hbm4b:s3+s4], $0x2000, s25, s4, $0xb8;
	[tilespmem:$0x10800] =	vst v63  }
0x41: {  	_ = 	snop  }
0x42: {  	[tilespmem:s7], [sflag:$0x2] =	stream.indirect.gather [hbm4b:s3+s4], $0x2000, s26, s4, $0xb8;
	[tilespmem:$0x10800] =	vst v63  }
0x43: {  	_ =	swait.ge [sflag:s11], $0x8000  }
0x44: {  	[sflag:s11] =	ssyncset.done $0x0  }
0x45: {  	s0 =	rddreg [dreg:$0x8];
	[sflag:s11] =	ssyncadd.s32 $0xFFFF8000  }
0x46: {  	[hbm4b:s0+s2] =	stream.linear.scatter [tilespmem:s9], [sflag:$0x3], $0x8000, $0x38;
	[tilespmem:$0x10800] =	vst v63  }
0x47: {  	_ =	swait.ge [sflag:s10], $0x8000  }
0x48: {  	[sflag:s10] =	ssyncset.done $0x0  }
0x49: {  	s0 =	rddreg [dreg:$0x9];
	[sflag:s10] =	ssyncadd.s32 $0xFFFF8000  }
0x4a: {  	[hbm4b:s0+s2] =	stream.linear.scatter [tilespmem:s7], [sflag:$0x4], $0x8000, $0x38;
	[tilespmem:$0x10800] =	vst v63  }
0x4b: {  	_ =	swait.ge [sflag:s8], $0x8000  }
0x4c: {  	[sflag:s8] =	ssyncset.done $0x0  }
0x4d: {  	[sflag:s8] =	ssyncadd.s32 $0xFFFF8000  }
0x4e: {  	_ =	swait.ge [sflag:s4], $0x8000  }
0x4f: {  	[sflag:s4] =	ssyncset.done $0x0  }
0x50: {  	[sflag:s4] =	ssyncadd.s32 $0xFFFF8000  }
0x51: {  	[tilespmem:s9], [sflag:$0x1] =	stream.indirect.gather [hbm4b:s3+s4], $0x2000, s23, s4, $0xb8;
	[tilespmem:$0x10800] =	vst v63  }
0x52: {  	_ = 	snop  }
0x53: {  	[tilespmem:s7], [sflag:$0x2] =	stream.indirect.gather [hbm4b:s3+s4], $0x2000, s24, s4, $0xb8;
	[tilespmem:$0x10800] =	vst v63  }
0x54: {  	_ =	swait.ge [sflag:s11], $0x8000  }
0x55: {  	[sflag:s11] =	ssyncset.done $0x0  }
0x56: {  	s0 =	rddreg [dreg:$0xa];
	[sflag:s11] =	ssyncadd.s32 $0xFFFF8000  }
0x57: {  	[hbm4b:s0+s2] =	stream.linear.scatter [tilespmem:s9], [sflag:$0x3], $0x8000, $0x38;
	[tilespmem:$0x10800] =	vst v63  }
0x58: {  	_ =	swait.ge [sflag:s10], $0x8000  }
0x59: {  	[sflag:s10] =	ssyncset.done $0x0  }
0x5a: {  	s0 =	rddreg [dreg:$0xb];
	[sflag:s10] =	ssyncadd.s32 $0xFFFF8000  }
0x5b: {  	[hbm4b:s0+s2] =	stream.linear.scatter [tilespmem:s7], [sflag:$0x4], $0x8000, $0x38;
	[tilespmem:$0x10800] =	vst v63  }
0x5c: {  	_ =	swait.ge [sflag:s8], $0x8000  }
0x5d: {  	[sflag:s8] =	ssyncset.done $0x0  }
0x5e: {  	[sflag:s8] =	ssyncadd.s32 $0xFFFF8000  }
0x5f: {  	_ =	swait.ge [sflag:s4], $0x8000  }
0x60: {  	[sflag:s4] =	ssyncset.done $0x0  }
0x61: {  	[sflag:s4] =	ssyncadd.s32 $0xFFFF8000  }
0x62: {  	[tilespmem:s9], [sflag:$0x1] =	stream.indirect.gather [hbm4b:s3+s4], $0x2000, s21, s4, $0xb8;
	[tilespmem:$0x10800] =	vst v63  }
0x63: {  	_ = 	snop  }
0x64: {  	[tilespmem:s7], [sflag:$0x2] =	stream.indirect.gather [hbm4b:s3+s4], $0x2000, s22, s4, $0xb8;
	[tilespmem:$0x10800] =	vst v63  }
0x65: {  	_ =	swait.ge [sflag:s11], $0x8000  }
0x66: {  	[sflag:s11] =	ssyncset.done $0x0  }
0x67: {  	s0 =	rddreg [dreg:$0xc];
	[sflag:s11] =	ssyncadd.s32 $0xFFFF8000  }
0x68: {  	[hbm4b:s0+s2] =	stream.linear.scatter [tilespmem:s9], [sflag:$0x3], $0x8000, $0x38;
	[tilespmem:$0x10800] =	vst v63  }
0x69: {  	_ =	swait.ge [sflag:s10], $0x8000  }
0x6a: {  	[sflag:s10] =	ssyncset.done $0x0  }
0x6b: {  	s0 =	rddreg [dreg:$0xd];
	[sflag:s10] =	ssyncadd.s32 $0xFFFF8000  }
0x6c: {  	[hbm4b:s0+s2] =	stream.linear.scatter [tilespmem:s7], [sflag:$0x4], $0x8000, $0x38;
	[tilespmem:$0x10800] =	vst v63  }
0x6d: {  	_ =	swait.ge [sflag:s8], $0x8000  }
0x6e: {  	[sflag:s8] =	ssyncset.done $0x0  }
0x6f: {  	[sflag:s8] =	ssyncadd.s32 $0xFFFF8000  }
0x70: {  	_ =	swait.ge [sflag:s4], $0x8000  }
0x71: {  	[sflag:s4] =	ssyncset.done $0x0  }
0x72: {  	[sflag:s4] =	ssyncadd.s32 $0xFFFF8000  }
0x73: {  	[tilespmem:s9], [sflag:$0x1] =	stream.indirect.gather [hbm4b:s3+s4], $0x2000, s19, s4, $0xb8;
	[tilespmem:$0x10800] =	vst v63  }
0x74: {  	_ = 	snop  }
0x75: {  	[tilespmem:s7], [sflag:$0x2] =	stream.indirect.gather [hbm4b:s3+s4], $0x2000, s20, s4, $0xb8;
	[tilespmem:$0x10800] =	vst v63  }
0x76: {  	_ =	swait.ge [sflag:s11], $0x8000  }
0x77: {  	[sflag:s11] =	ssyncset.done $0x0  }
0x78: {  	s0 =	rddreg [dreg:$0xe];
	[sflag:s11] =	ssyncadd.s32 $0xFFFF8000  }
0x79: {  	[hbm4b:s0+s2] =	stream.linear.scatter [tilespmem:s9], [sflag:$0x3], $0x8000, $0x38;
	[tilespmem:$0x10800] =	vst v63  }
0x7a: {  	_ =	swait.ge [sflag:s10], $0x8000  }
0x7b: {  	[sflag:s10] =	ssyncset.done $0x0  }
0x7c: {  	[sflag:s10] =	ssyncadd.s32 $0xFFFF8000  }
0x7d: {  	[hbm4b:s14+s2] =	stream.linear.scatter [tilespmem:s7], [sflag:$0x4], $0x8000, $0x38;
	[tilespmem:$0x10800] =	vst v63  }
0x7e: {  	_ =	swait.ge [sflag:s8], $0x8000  }
0x7f: {  	[sflag:s8] =	ssyncset.done $0x0  }
0x80: {  	[sflag:s8] =	ssyncadd.s32 $0xFFFF8000  }
0x81: {  	_ =	swait.ge [sflag:s4], $0x8000  }
0x82: {  	[sflag:s4] =	ssyncset.done $0x0  }
0x83: {  	[sflag:s4] =	ssyncadd.s32 $0xFFFF8000  }
0x84: {  	[tilespmem:s9], [sflag:$0x1] =	stream.indirect.gather [hbm4b:s3+s4], $0x2000, s17, s4, $0xb8;
	[tilespmem:$0x10800] =	vst v63  }
0x85: {  	_ = 	snop  }
0x86: {  	[tilespmem:s7], [sflag:$0x2] =	stream.indirect.gather [hbm4b:s3+s4], $0x2000, s18, s4, $0xb8;
	[tilespmem:$0x10800] =	vst v63  }
0x87: {  	_ =	swait.ge [sflag:s11], $0x8000  }
0x88: {  	[sflag:s11] =	ssyncset.done $0x0  }
0x89: {  	[sflag:s11] =	ssyncadd.s32 $0xFFFF8000  }
0x8a: {  	[hbm4b:s13+s2] =	stream.linear.scatter [tilespmem:s9], [sflag:$0x3], $0x8000, $0x38;
	[tilespmem:$0x10800] =	vst v63  }
0x8b: {  	_ =	swait.ge [sflag:s10], $0x8000  }
0x8c: {  	[sflag:s10] =	ssyncset.done $0x0  }
0x8d: {  	[sflag:s10] =	ssyncadd.s32 $0xFFFF8000  }
0x8e: {  	[hbm4b:s12+s2] =	stream.linear.scatter [tilespmem:s7], [sflag:$0x4], $0x8000, $0x38;
	[tilespmem:$0x10800] =	vst v63  }
0x8f: {  	_ =	swait.ge [sflag:s8], $0x8000  }
0x90: {  	[sflag:s8] =	ssyncset.done $0x0  }
0x91: {  	[sflag:s8] =	ssyncadd.s32 $0xFFFF8000  }
0x92: {  	_ =	swait.ge [sflag:s4], $0x8000  }
0x93: {  	[sflag:s4] =	ssyncset.done $0x0  }
0x94: {  	[sflag:s4] =	ssyncadd.s32 $0xFFFF8000  }
0x95: {  	[tilespmem:s9], [sflag:$0x1] =	stream.indirect.gather [hbm4b:s3+s4], $0x2000, s15, s4, $0xb8;
	[tilespmem:$0x10800] =	vst v63  }
0x96: {  	_ = 	snop  }
0x97: {  	[tilespmem:s7], [sflag:$0x2] =	stream.indirect.gather [hbm4b:s3+s4], $0x2000, s16, s4, $0xb8;
	[tilespmem:$0x10800] =	vst v63  }
0x98: {  	_ =	swait.ge [sflag:s11], $0x8000  }
0x99: {  	[sflag:s11] =	ssyncset.done $0x0  }
0x9a: {  	[sflag:s11] =	ssyncadd.s32 $0xFFFF8000  }
0x9b: {  	[hbm4b:s6+s2] =	stream.linear.scatter [tilespmem:s9], [sflag:$0x3], $0x8000, $0x38;
	[tilespmem:$0x10800] =	vst v63  }
0x9c: {  	_ =	swait.ge [sflag:s10], $0x8000  }
0x9d: {  	[sflag:s10] =	ssyncset.done $0x0  }
0x9e: {  	p1 =	sne.s32 s1, $0x1;
	[sflag:s10] =	ssyncadd.s32 $0xFFFF8000  }
0x9f: {  	[hbm4b:s5+s2] =	stream.linear.scatter [tilespmem:s7], [sflag:$0x4], $0x8000, $0x38;
	[tilespmem:$0x10800] =	vst v63  }
.Ltmp1:
0xa0: {  	_ =	swait.ge [sflag:s8], $0x8000;
	(pc) =	sbr.rel @!p1 .LBB2_3-.Ltmp1, $4  }
0xa1: {  	[sflag:s8] =	ssyncset.done $0x0  }
0xa2: {  	[sflag:s8] =	ssyncadd.s32 $0xFFFF8000  }
0xa3: {  	s1 =	sadd.s32 $0xFFFFFFFF, s1;
	_ =	swait.ge [sflag:s4], $0x8000  }
0xa4: {  	p0 =	por $0x1, $0x1;
	s0 =	rddreg [dreg:$0x3];
	[sflag:s4] =	ssyncset.done $0x0  }
.LBB2_2:
0xa5: {  	[sflag:s4] =	ssyncadd.s32 $0xFFFF8000  }
0xa6: {  	[tilespmem:s2], [sflag:$0x5] =	stream.linear.gather [hbm4b:s0+s2], $0x800, $0x38;
	[tilespmem:$0x10800] =	vst v63  }
0xa7: {  	_ =	swait.ge [sflag:s30], $0x800  }
0xa8: {  	[sflag:s30] =	ssyncset.done $0x0  }
0xa9: {  	[sflag:s30] =	ssyncadd.s32 $0xFFFFF800  }
0xaa: {  	[tilespmem:s9], [sflag:$0x1] =	stream.indirect.gather [hbm4b:s3+s4], $0x2000, s2, s4, $0xb8;
	[tilespmem:$0x10800] =	vst v63  }
0xab: {  	_ = 	snop  }
0xac: {  	[tilespmem:s7], [sflag:$0x2] =	stream.indirect.gather [hbm4b:s3+s4], $0x2000, s31, s4, $0xb8;
	[tilespmem:$0x10800] =	vst v63  }
0xad: {  	_ =	swait.ge [sflag:s11], $0x8000  }
0xae: {  	[sflag:s11] =	ssyncset.done $0x0  }
0xaf: {  	s0 =	rddreg [dreg:$0x4];
	[sflag:s11] =	ssyncadd.s32 $0xFFFF8000  }
0xb0: {  	[hbm4b:s0+s2] =	stream.linear.scatter [tilespmem:s9], [sflag:$0x3], $0x8000, $0x38;
	[tilespmem:$0x10800] =	vst v63  }
0xb1: {  	_ =	swait.ge [sflag:s10], $0x8000  }
0xb2: {  	[sflag:s10] =	ssyncset.done $0x0  }
0xb3: {  	s0 =	rddreg [dreg:$0x5];
	[sflag:s10] =	ssyncadd.s32 $0xFFFF8000  }
0xb4: {  	[hbm4b:s0+s2] =	stream.linear.scatter [tilespmem:s7], [sflag:$0x4], $0x8000, $0x38;
	[tilespmem:$0x10800] =	vst v63  }
0xb5: {  	_ =	swait.ge [sflag:s8], $0x8000  }
0xb6: {  	[sflag:s8] =	ssyncset.done $0x0  }
0xb7: {  	[sflag:s8] =	ssyncadd.s32 $0xFFFF8000  }
0xb8: {  	_ =	swait.ge [sflag:s4], $0x8000  }
0xb9: {  	[sflag:s4] =	ssyncset.done $0x0  }
0xba: {  	[sflag:s4] =	ssyncadd.s32 $0xFFFF8000  }
0xbb: {  	[tilespmem:s9], [sflag:$0x1] =	stream.indirect.gather [hbm4b:s3+s4], $0x2000, s28, s4, $0xb8;
	[tilespmem:$0x10800] =	vst v63  }
0xbc: {  	_ = 	snop  }
0xbd: {  	[tilespmem:s7], [sflag:$0x2] =	stream.indirect.gather [hbm4b:s3+s4], $0x2000, s29, s4, $0xb8;
	[tilespmem:$0x10800] =	vst v63  }
0xbe: {  	_ =	swait.ge [sflag:s11], $0x8000  }
0xbf: {  	[sflag:s11] =	ssyncset.done $0x0  }
0xc0: {  	s0 =	rddreg [dreg:$0x6];
	[sflag:s11] =	ssyncadd.s32 $0xFFFF8000  }
0xc1: {  	[hbm4b:s0+s2] =	stream.linear.scatter [tilespmem:s9], [sflag:$0x3], $0x8000, $0x38;
	[tilespmem:$0x10800] =	vst v63  }
0xc2: {  	_ =	swait.ge [sflag:s10], $0x8000  }
0xc3: {  	[sflag:s10] =	ssyncset.done $0x0  }
0xc4: {  	s0 =	rddreg [dreg:$0x7];
	[sflag:s10] =	ssyncadd.s32 $0xFFFF8000  }
0xc5: {  	[hbm4b:s0+s2] =	stream.linear.scatter [tilespmem:s7], [sflag:$0x4], $0x8000, $0x38;
	[tilespmem:$0x10800] =	vst v63  }
0xc6: {  	_ =	swait.ge [sflag:s8], $0x8000  }
0xc7: {  	[sflag:s8] =	ssyncset.done $0x0  }
0xc8: {  	[sflag:s8] =	ssyncadd.s32 $0xFFFF8000  }
0xc9: {  	_ =	swait.ge [sflag:s4], $0x8000  }
0xca: {  	[sflag:s4] =	ssyncset.done $0x0  }
0xcb: {  	[sflag:s4] =	ssyncadd.s32 $0xFFFF8000  }
0xcc: {  	[tilespmem:s9], [sflag:$0x1] =	stream.indirect.gather [hbm4b:s3+s4], $0x2000, s25, s4, $0xb8;
	[tilespmem:$0x10800] =	vst v63  }
0xcd: {  	_ = 	snop  }
0xce: {  	[tilespmem:s7], [sflag:$0x2] =	stream.indirect.gather [hbm4b:s3+s4], $0x2000, s26, s4, $0xb8;
	[tilespmem:$0x10800] =	vst v63  }
0xcf: {  	_ =	swait.ge [sflag:s11], $0x8000  }
0xd0: {  	[sflag:s11] =	ssyncset.done $0x0  }
0xd1: {  	s0 =	rddreg [dreg:$0x8];
	[sflag:s11] =	ssyncadd.s32 $0xFFFF8000  }
0xd2: {  	[hbm4b:s0+s2] =	stream.linear.scatter [tilespmem:s9], [sflag:$0x3], $0x8000, $0x38;
	[tilespmem:$0x10800] =	vst v63  }
0xd3: {  	_ =	swait.ge [sflag:s10], $0x8000  }
0xd4: {  	[sflag:s10] =	ssyncset.done $0x0  }
0xd5: {  	s0 =	rddreg [dreg:$0x9];
	[sflag:s10] =	ssyncadd.s32 $0xFFFF8000  }
0xd6: {  	[hbm4b:s0+s2] =	stream.linear.scatter [tilespmem:s7], [sflag:$0x4], $0x8000, $0x38;
	[tilespmem:$0x10800] =	vst v63  }
0xd7: {  	_ =	swait.ge [sflag:s8], $0x8000  }
0xd8: {  	[sflag:s8] =	ssyncset.done $0x0  }
0xd9: {  	[sflag:s8] =	ssyncadd.s32 $0xFFFF8000  }
0xda: {  	_ =	swait.ge [sflag:s4], $0x8000  }
0xdb: {  	[sflag:s4] =	ssyncset.done $0x0  }
0xdc: {  	[sflag:s4] =	ssyncadd.s32 $0xFFFF8000  }
0xdd: {  	[tilespmem:s9], [sflag:$0x1] =	stream.indirect.gather [hbm4b:s3+s4], $0x2000, s23, s4, $0xb8;
	[tilespmem:$0x10800] =	vst v63  }
0xde: {  	_ = 	snop  }
0xdf: {  	[tilespmem:s7], [sflag:$0x2] =	stream.indirect.gather [hbm4b:s3+s4], $0x2000, s24, s4, $0xb8;
	[tilespmem:$0x10800] =	vst v63  }
0xe0: {  	_ =	swait.ge [sflag:s11], $0x8000  }
0xe1: {  	[sflag:s11] =	ssyncset.done $0x0  }
0xe2: {  	s0 =	rddreg [dreg:$0xa];
	[sflag:s11] =	ssyncadd.s32 $0xFFFF8000  }
0xe3: {  	[hbm4b:s0+s2] =	stream.linear.scatter [tilespmem:s9], [sflag:$0x3], $0x8000, $0x38;
	[tilespmem:$0x10800] =	vst v63  }
0xe4: {  	_ =	swait.ge [sflag:s10], $0x8000  }
0xe5: {  	[sflag:s10] =	ssyncset.done $0x0  }
0xe6: {  	s0 =	rddreg [dreg:$0xb];
	[sflag:s10] =	ssyncadd.s32 $0xFFFF8000  }
0xe7: {  	[hbm4b:s0+s2] =	stream.linear.scatter [tilespmem:s7], [sflag:$0x4], $0x8000, $0x38;
	[tilespmem:$0x10800] =	vst v63  }
0xe8: {  	_ =	swait.ge [sflag:s8], $0x8000  }
0xe9: {  	[sflag:s8] =	ssyncset.done $0x0  }
0xea: {  	[sflag:s8] =	ssyncadd.s32 $0xFFFF8000  }
0xeb: {  	_ =	swait.ge [sflag:s4], $0x8000  }
0xec: {  	[sflag:s4] =	ssyncset.done $0x0  }
0xed: {  	[sflag:s4] =	ssyncadd.s32 $0xFFFF8000  }
0xee: {  	[tilespmem:s9], [sflag:$0x1] =	stream.indirect.gather [hbm4b:s3+s4], $0x2000, s21, s4, $0xb8;
	[tilespmem:$0x10800] =	vst v63  }
0xef: {  	_ = 	snop  }
0xf0: {  	[tilespmem:s7], [sflag:$0x2] =	stream.indirect.gather [hbm4b:s3+s4], $0x2000, s22, s4, $0xb8;
	[tilespmem:$0x10800] =	vst v63  }
0xf1: {  	_ =	swait.ge [sflag:s11], $0x8000  }
0xf2: {  	[sflag:s11] =	ssyncset.done $0x0  }
0xf3: {  	s0 =	rddreg [dreg:$0xc];
	[sflag:s11] =	ssyncadd.s32 $0xFFFF8000  }
0xf4: {  	[hbm4b:s0+s2] =	stream.linear.scatter [tilespmem:s9], [sflag:$0x3], $0x8000, $0x38;
	[tilespmem:$0x10800] =	vst v63  }
0xf5: {  	_ =	swait.ge [sflag:s10], $0x8000  }
0xf6: {  	[sflag:s10] =	ssyncset.done $0x0  }
0xf7: {  	s0 =	rddreg [dreg:$0xd];
	[sflag:s10] =	ssyncadd.s32 $0xFFFF8000  }
0xf8: {  	[hbm4b:s0+s2] =	stream.linear.scatter [tilespmem:s7], [sflag:$0x4], $0x8000, $0x38;
	[tilespmem:$0x10800] =	vst v63  }
0xf9: {  	_ =	swait.ge [sflag:s8], $0x8000  }
0xfa: {  	[sflag:s8] =	ssyncset.done $0x0  }
0xfb: {  	[sflag:s8] =	ssyncadd.s32 $0xFFFF8000  }
0xfc: {  	_ =	swait.ge [sflag:s4], $0x8000  }
0xfd: {  	[sflag:s4] =	ssyncset.done $0x0  }
0xfe: {  	[sflag:s4] =	ssyncadd.s32 $0xFFFF8000  }
0xff: {  	[tilespmem:s9], [sflag:$0x1] =	stream.indirect.gather [hbm4b:s3+s4], $0x2000, s19, s4, $0xb8;
	[tilespmem:$0x10800] =	vst v63  }
0x100: {  	_ = 	snop  }
0x101: {  	[tilespmem:s7], [sflag:$0x2] =	stream.indirect.gather [hbm4b:s3+s4], $0x2000, s20, s4, $0xb8;
	[tilespmem:$0x10800] =	vst v63  }
0x102: {  	_ =	swait.ge [sflag:s11], $0x8000  }
0x103: {  	[sflag:s11] =	ssyncset.done $0x0  }
0x104: {  	s0 =	rddreg [dreg:$0xe];
	[sflag:s11] =	ssyncadd.s32 $0xFFFF8000  }
0x105: {  	[hbm4b:s0+s2] =	stream.linear.scatter [tilespmem:s9], [sflag:$0x3], $0x8000, $0x38;
	[tilespmem:$0x10800] =	vst v63  }
0x106: {  	_ =	swait.ge [sflag:s10], $0x8000  }
0x107: {  	[sflag:s10] =	ssyncset.done $0x0  }
0x108: {  	[sflag:s10] =	ssyncadd.s32 $0xFFFF8000  }
0x109: {  	[hbm4b:s14+s2] =	stream.linear.scatter [tilespmem:s7], [sflag:$0x4], $0x8000, $0x38;
	[tilespmem:$0x10800] =	vst v63  }
0x10a: {  	_ =	swait.ge [sflag:s8], $0x8000  }
0x10b: {  	[sflag:s8] =	ssyncset.done $0x0  }
0x10c: {  	[sflag:s8] =	ssyncadd.s32 $0xFFFF8000  }
0x10d: {  	_ =	swait.ge [sflag:s4], $0x8000  }
0x10e: {  	[sflag:s4] =	ssyncset.done $0x0  }
0x10f: {  	[sflag:s4] =	ssyncadd.s32 $0xFFFF8000  }
0x110: {  	[tilespmem:s9], [sflag:$0x1] =	stream.indirect.gather [hbm4b:s3+s4], $0x2000, s17, s4, $0xb8;
	[tilespmem:$0x10800] =	vst v63  }
0x111: {  	_ = 	snop  }
0x112: {  	[tilespmem:s7], [sflag:$0x2] =	stream.indirect.gather [hbm4b:s3+s4], $0x2000, s18, s4, $0xb8;
	[tilespmem:$0x10800] =	vst v63  }
0x113: {  	_ =	swait.ge [sflag:s11], $0x8000  }
0x114: {  	[sflag:s11] =	ssyncset.done $0x0  }
0x115: {  	[sflag:s11] =	ssyncadd.s32 $0xFFFF8000  }
0x116: {  	[hbm4b:s13+s2] =	stream.linear.scatter [tilespmem:s9], [sflag:$0x3], $0x8000, $0x38;
	[tilespmem:$0x10800] =	vst v63  }
0x117: {  	_ =	swait.ge [sflag:s10], $0x8000  }
0x118: {  	[sflag:s10] =	ssyncset.done $0x0  }
0x119: {  	[sflag:s10] =	ssyncadd.s32 $0xFFFF8000  }
0x11a: {  	[hbm4b:s12+s2] =	stream.linear.scatter [tilespmem:s7], [sflag:$0x4], $0x8000, $0x38;
	[tilespmem:$0x10800] =	vst v63  }
0x11b: {  	_ =	swait.ge [sflag:s8], $0x8000  }
0x11c: {  	[sflag:s8] =	ssyncset.done $0x0  }
0x11d: {  	[sflag:s8] =	ssyncadd.s32 $0xFFFF8000  }
0x11e: {  	_ =	swait.ge [sflag:s4], $0x8000  }
0x11f: {  	[sflag:s4] =	ssyncset.done $0x0  }
0x120: {  	[sflag:s4] =	ssyncadd.s32 $0xFFFF8000  }
0x121: {  	[tilespmem:s9], [sflag:$0x1] =	stream.indirect.gather [hbm4b:s3+s4], $0x2000, s15, s4, $0xb8;
	[tilespmem:$0x10800] =	vst v63  }
0x122: {  	_ = 	snop  }
0x123: {  	[tilespmem:s7], [sflag:$0x2] =	stream.indirect.gather [hbm4b:s3+s4], $0x2000, s16, s4, $0xb8;
	[tilespmem:$0x10800] =	vst v63  }
0x124: {  	_ =	swait.ge [sflag:s11], $0x8000  }
0x125: {  	[sflag:s11] =	ssyncset.done $0x0  }
0x126: {  	[sflag:s11] =	ssyncadd.s32 $0xFFFF8000  }
0x127: {  	[hbm4b:s6+s2] =	stream.linear.scatter [tilespmem:s9], [sflag:$0x3], $0x8000, $0x38;
	[tilespmem:$0x10800] =	vst v63  }
0x128: {  	_ =	swait.ge [sflag:s10], $0x8000  }
0x129: {  	[sflag:s10] =	ssyncset.done $0x0  }
0x12a: {  	p1 =	sne.s32 s1, $0x1;
	[sflag:s10] =	ssyncadd.s32 $0xFFFF8000  }
0x12b: {  	[hbm4b:s5+s2] =	stream.linear.scatter [tilespmem:s7], [sflag:$0x4], $0x8000, $0x38;
	[tilespmem:$0x10800] =	vst v63  }
.Ltmp2:
0x12c: {  	_ =	swait.ge [sflag:s8], $0x8000;
	(pc) =	sbr.rel @p1 .LBB2_2-.Ltmp2, $4  }
0x12d: {  	[sflag:s8] =	ssyncset.done $0x0  }
0x12e: {  	[sflag:s8] =	ssyncadd.s32 $0xFFFF8000  }
0x12f: {  	_ =	swait.ge [sflag:s4], $0x8000  }
0x130: {  	s1 =	sadd.s32 $0xFFFFFFFF, s1;
	s0 =	rddreg [dreg:$0x3];
	[sflag:s4] =	ssyncset.done $0x0  }
.LBB2_3:
0x131: {  	[sflag:s4] =	ssyncadd.s32 @p0 $0xFFFF8000  }
0x132: {  	[tilespmem:s2], [sflag:$0x5] =	stream.linear.gather [hbm4b:s0+s2], $0x800, $0x38;
	[tilespmem:$0x10800] =	vst v63  }
0x133: {  	_ =	swait.ge [sflag:s30], $0x800  }
0x134: {  	[sflag:s30] =	ssyncset.done $0x0  }
0x135: {  	[sflag:s30] =	ssyncadd.s32 $0xFFFFF800  }
0x136: {  	[tilespmem:s9], [sflag:$0x1] =	stream.indirect.gather [hbm4b:s3+s4], $0x2000, s2, s4, $0xb8;
	[tilespmem:$0x10800] =	vst v63  }
0x137: {  	_ = 	snop  }
0x138: {  	[tilespmem:s7], [sflag:$0x2] =	stream.indirect.gather [hbm4b:s3+s4], $0x2000, s31, s4, $0xb8;
	[tilespmem:$0x10800] =	vst v63  }
0x139: {  	_ =	swait.ge [sflag:s11], $0x8000  }
0x13a: {  	[sflag:s11] =	ssyncset.done $0x0  }
0x13b: {  	s31 =	rddreg [dreg:$0x4];
	[sflag:s11] =	ssyncadd.s32 $0xFFFF8000  }
0x13c: {  	[hbm4b:s31+s2] =	stream.linear.scatter [tilespmem:s9], [sflag:$0x3], $0x8000, $0x38;
	[tilespmem:$0x10800] =	vst v63  }
0x13d: {  	_ =	swait.ge [sflag:s10], $0x8000  }
0x13e: {  	[sflag:s10] =	ssyncset.done $0x0  }
0x13f: {  	s1 =	rddreg [dreg:$0x5];
	[sflag:s10] =	ssyncadd.s32 $0xFFFF8000  }
0x140: {  	[hbm4b:s1+s2] =	stream.linear.scatter [tilespmem:s7], [sflag:$0x4], $0x8000, $0x38;
	[tilespmem:$0x10800] =	vst v63  }
0x141: {  	_ =	swait.ge [sflag:s8], $0x8000  }
0x142: {  	[sflag:s8] =	ssyncset.done $0x0  }
0x143: {  	[sflag:s8] =	ssyncadd.s32 $0xFFFF8000  }
0x144: {  	_ =	swait.ge [sflag:s4], $0x8000  }
0x145: {  	[sflag:s4] =	ssyncset.done $0x0  }
0x146: {  	[sflag:s4] =	ssyncadd.s32 $0xFFFF8000  }
0x147: {  	[tilespmem:s9], [sflag:$0x1] =	stream.indirect.gather [hbm4b:s3+s4], $0x2000, s28, s4, $0xb8;
	[tilespmem:$0x10800] =	vst v63  }
0x148: {  	_ = 	snop  }
0x149: {  	[tilespmem:s7], [sflag:$0x2] =	stream.indirect.gather [hbm4b:s3+s4], $0x2000, s29, s4, $0xb8;
	[tilespmem:$0x10800] =	vst v63  }
0x14a: {  	_ =	swait.ge [sflag:s11], $0x8000  }
0x14b: {  	[sflag:s11] =	ssyncset.done $0x0  }
0x14c: {  	s29 =	rddreg [dreg:$0x6];
	[sflag:s11] =	ssyncadd.s32 $0xFFFF8000  }
0x14d: {  	[hbm4b:s29+s2] =	stream.linear.scatter [tilespmem:s9], [sflag:$0x3], $0x8000, $0x38;
	[tilespmem:$0x10800] =	vst v63  }
0x14e: {  	_ =	swait.ge [sflag:s10], $0x8000  }
0x14f: {  	[sflag:s10] =	ssyncset.done $0x0  }
0x150: {  	s30 =	rddreg [dreg:$0x7];
	[sflag:s10] =	ssyncadd.s32 $0xFFFF8000  }
0x151: {  	[hbm4b:s30+s2] =	stream.linear.scatter [tilespmem:s7], [sflag:$0x4], $0x8000, $0x38;
	[tilespmem:$0x10800] =	vst v63  }
0x152: {  	_ =	swait.ge [sflag:s8], $0x8000  }
0x153: {  	[sflag:s8] =	ssyncset.done $0x0  }
0x154: {  	[sflag:s8] =	ssyncadd.s32 $0xFFFF8000  }
0x155: {  	_ =	swait.ge [sflag:s4], $0x8000  }
0x156: {  	[sflag:s4] =	ssyncset.done $0x0  }
0x157: {  	[sflag:s4] =	ssyncadd.s32 $0xFFFF8000  }
0x158: {  	[tilespmem:s9], [sflag:$0x1] =	stream.indirect.gather [hbm4b:s3+s4], $0x2000, s25, s4, $0xb8;
	[tilespmem:$0x10800] =	vst v63  }
0x159: {  	_ = 	snop  }
0x15a: {  	[tilespmem:s7], [sflag:$0x2] =	stream.indirect.gather [hbm4b:s3+s4], $0x2000, s26, s4, $0xb8;
	[tilespmem:$0x10800] =	vst v63  }
0x15b: {  	_ =	swait.ge [sflag:s11], $0x8000  }
0x15c: {  	[sflag:s11] =	ssyncset.done $0x0  }
0x15d: {  	s31 =	rddreg [dreg:$0x8];
	[sflag:s11] =	ssyncadd.s32 $0xFFFF8000  }
0x15e: {  	[hbm4b:s31+s2] =	stream.linear.scatter [tilespmem:s9], [sflag:$0x3], $0x8000, $0x38;
	[tilespmem:$0x10800] =	vst v63  }
0x15f: {  	_ =	swait.ge [sflag:s10], $0x8000  }
0x160: {  	[sflag:s10] =	ssyncset.done $0x0  }
0x161: {  	s1 =	rddreg [dreg:$0x9];
	[sflag:s10] =	ssyncadd.s32 $0xFFFF8000  }
0x162: {  	[hbm4b:s1+s2] =	stream.linear.scatter [tilespmem:s7], [sflag:$0x4], $0x8000, $0x38;
	[tilespmem:$0x10800] =	vst v63  }
0x163: {  	_ =	swait.ge [sflag:s8], $0x8000  }
0x164: {  	[sflag:s8] =	ssyncset.done $0x0  }
0x165: {  	[sflag:s8] =	ssyncadd.s32 $0xFFFF8000  }
0x166: {  	_ =	swait.ge [sflag:s4], $0x8000  }
0x167: {  	[sflag:s4] =	ssyncset.done $0x0  }
0x168: {  	[sflag:s4] =	ssyncadd.s32 $0xFFFF8000  }
0x169: {  	[tilespmem:s9], [sflag:$0x1] =	stream.indirect.gather [hbm4b:s3+s4], $0x2000, s23, s4, $0xb8;
	[tilespmem:$0x10800] =	vst v63  }
0x16a: {  	_ = 	snop  }
0x16b: {  	[tilespmem:s7], [sflag:$0x2] =	stream.indirect.gather [hbm4b:s3+s4], $0x2000, s24, s4, $0xb8;
	[tilespmem:$0x10800] =	vst v63  }
0x16c: {  	_ =	swait.ge [sflag:s11], $0x8000  }
0x16d: {  	[sflag:s11] =	ssyncset.done $0x0  }
0x16e: {  	s25 =	rddreg [dreg:$0xa];
	[sflag:s11] =	ssyncadd.s32 $0xFFFF8000  }
0x16f: {  	[hbm4b:s25+s2] =	stream.linear.scatter [tilespmem:s9], [sflag:$0x3], $0x8000, $0x38;
	[tilespmem:$0x10800] =	vst v63  }
0x170: {  	_ =	swait.ge [sflag:s10], $0x8000  }
0x171: {  	[sflag:s10] =	ssyncset.done $0x0  }
0x172: {  	s26 =	rddreg [dreg:$0xb];
	[sflag:s10] =	ssyncadd.s32 $0xFFFF8000  }
0x173: {  	[hbm4b:s26+s2] =	stream.linear.scatter [tilespmem:s7], [sflag:$0x4], $0x8000, $0x38;
	[tilespmem:$0x10800] =	vst v63  }
0x174: {  	_ =	swait.ge [sflag:s8], $0x8000  }
0x175: {  	[sflag:s8] =	ssyncset.done $0x0  }
0x176: {  	[sflag:s8] =	ssyncadd.s32 $0xFFFF8000  }
0x177: {  	_ =	swait.ge [sflag:s4], $0x8000  }
0x178: {  	[sflag:s4] =	ssyncset.done $0x0  }
0x179: {  	[sflag:s4] =	ssyncadd.s32 $0xFFFF8000  }
0x17a: {  	[tilespmem:s9], [sflag:$0x1] =	stream.indirect.gather [hbm4b:s3+s4], $0x2000, s21, s4, $0xb8;
	[tilespmem:$0x10800] =	vst v63  }
0x17b: {  	_ = 	snop  }
0x17c: {  	[tilespmem:s7], [sflag:$0x2] =	stream.indirect.gather [hbm4b:s3+s4], $0x2000, s22, s4, $0xb8;
	[tilespmem:$0x10800] =	vst v63  }
0x17d: {  	_ =	swait.ge [sflag:s11], $0x8000  }
0x17e: {  	[sflag:s11] =	ssyncset.done $0x0  }
0x17f: {  	s28 =	rddreg [dreg:$0xc];
	[sflag:s11] =	ssyncadd.s32 $0xFFFF8000  }
0x180: {  	[hbm4b:s28+s2] =	stream.linear.scatter [tilespmem:s9], [sflag:$0x3], $0x8000, $0x38;
	[tilespmem:$0x10800] =	vst v63  }
0x181: {  	_ =	swait.ge [sflag:s10], $0x8000  }
0x182: {  	[sflag:s10] =	ssyncset.done $0x0  }
0x183: {  	s29 =	rddreg [dreg:$0xd];
	[sflag:s10] =	ssyncadd.s32 $0xFFFF8000  }
0x184: {  	[hbm4b:s29+s2] =	stream.linear.scatter [tilespmem:s7], [sflag:$0x4], $0x8000, $0x38;
	[tilespmem:$0x10800] =	vst v63  }
0x185: {  	_ =	swait.ge [sflag:s8], $0x8000  }
0x186: {  	[sflag:s8] =	ssyncset.done $0x0  }
0x187: {  	[sflag:s8] =	ssyncadd.s32 $0xFFFF8000  }
0x188: {  	_ =	swait.ge [sflag:s4], $0x8000  }
0x189: {  	[sflag:s4] =	ssyncset.done $0x0  }
0x18a: {  	[sflag:s4] =	ssyncadd.s32 $0xFFFF8000  }
0x18b: {  	[tilespmem:s9], [sflag:$0x1] =	stream.indirect.gather [hbm4b:s3+s4], $0x2000, s19, s4, $0xb8;
	[tilespmem:$0x10800] =	vst v63  }
0x18c: {  	_ = 	snop  }
0x18d: {  	[tilespmem:s7], [sflag:$0x2] =	stream.indirect.gather [hbm4b:s3+s4], $0x2000, s20, s4, $0xb8;
	[tilespmem:$0x10800] =	vst v63  }
0x18e: {  	_ =	swait.ge [sflag:s11], $0x8000  }
0x18f: {  	[sflag:s11] =	ssyncset.done $0x0  }
0x190: {  	s30 =	rddreg [dreg:$0xe];
	[sflag:s11] =	ssyncadd.s32 $0xFFFF8000  }
0x191: {  	[hbm4b:s30+s2] =	stream.linear.scatter [tilespmem:s9], [sflag:$0x3], $0x8000, $0x38;
	[tilespmem:$0x10800] =	vst v63  }
0x192: {  	_ =	swait.ge [sflag:s10], $0x8000  }
0x193: {  	[sflag:s10] =	ssyncset.done $0x0  }
0x194: {  	[sflag:s10] =	ssyncadd.s32 $0xFFFF8000  }
0x195: {  	[hbm4b:s14+s2] =	stream.linear.scatter [tilespmem:s7], [sflag:$0x4], $0x8000, $0x38;
	[tilespmem:$0x10800] =	vst v63  }
0x196: {  	_ =	swait.ge [sflag:s8], $0x8000  }
0x197: {  	[sflag:s8] =	ssyncset.done $0x0  }
0x198: {  	[sflag:s8] =	ssyncadd.s32 $0xFFFF8000  }
0x199: {  	_ =	swait.ge [sflag:s4], $0x8000  }
0x19a: {  	[sflag:s4] =	ssyncset.done $0x0  }
0x19b: {  	[sflag:s4] =	ssyncadd.s32 $0xFFFF8000  }
0x19c: {  	[tilespmem:s9], [sflag:$0x1] =	stream.indirect.gather [hbm4b:s3+s4], $0x2000, s17, s4, $0xb8;
	[tilespmem:$0x10800] =	vst v63  }
0x19d: {  	_ = 	snop  }
0x19e: {  	[tilespmem:s7], [sflag:$0x2] =	stream.indirect.gather [hbm4b:s3+s4], $0x2000, s18, s4, $0xb8;
	[tilespmem:$0x10800] =	vst v63  }
0x19f: {  	_ =	swait.ge [sflag:s11], $0x8000  }
0x1a0: {  	[sflag:s11] =	ssyncset.done $0x0  }
0x1a1: {  	[sflag:s11] =	ssyncadd.s32 $0xFFFF8000  }
0x1a2: {  	[hbm4b:s13+s2] =	stream.linear.scatter [tilespmem:s9], [sflag:$0x3], $0x8000, $0x38;
	[tilespmem:$0x10800] =	vst v63  }
0x1a3: {  	_ =	swait.ge [sflag:s10], $0x8000  }
0x1a4: {  	[sflag:s10] =	ssyncset.done $0x0  }
0x1a5: {  	[sflag:s10] =	ssyncadd.s32 $0xFFFF8000  }
0x1a6: {  	[hbm4b:s12+s2] =	stream.linear.scatter [tilespmem:s7], [sflag:$0x4], $0x8000, $0x38;
	[tilespmem:$0x10800] =	vst v63  }
0x1a7: {  	_ =	swait.ge [sflag:s8], $0x8000  }
0x1a8: {  	[sflag:s8] =	ssyncset.done $0x0  }
0x1a9: {  	[sflag:s8] =	ssyncadd.s32 $0xFFFF8000  }
0x1aa: {  	_ =	swait.ge [sflag:s4], $0x8000  }
0x1ab: {  	[sflag:s4] =	ssyncset.done $0x0  }
0x1ac: {  	[sflag:s4] =	ssyncadd.s32 $0xFFFF8000  }
0x1ad: {  	[tilespmem:s9], [sflag:$0x1] =	stream.indirect.gather [hbm4b:s3+s4], $0x2000, s15, s4, $0xb8;
	[tilespmem:$0x10800] =	vst v63  }
0x1ae: {  	_ = 	snop  }
0x1af: {  	[tilespmem:s7], [sflag:$0x2] =	stream.indirect.gather [hbm4b:s3+s4], $0x2000, s16, s4, $0xb8;
	[tilespmem:$0x10800] =	vst v63  }
0x1b0: {  	_ =	swait.ge [sflag:s11], $0x8000  }
0x1b1: {  	[sflag:s11] =	ssyncset.done $0x0  }
0x1b2: {  	[sflag:s11] =	ssyncadd.s32 $0xFFFF8000  }
0x1b3: {  	[hbm4b:s6+s2] =	stream.linear.scatter [tilespmem:s9], [sflag:$0x3], $0x8000, $0x38;
	[tilespmem:$0x10800] =	vst v63  }
0x1b4: {  	_ =	swait.ge [sflag:s10], $0x8000  }
0x1b5: {  	[sflag:s10] =	ssyncset.done $0x0  }
0x1b6: {  	[sflag:s10] =	ssyncadd.s32 $0xFFFF8000  }
0x1b7: {  	[hbm4b:s5+s2] =	stream.linear.scatter [tilespmem:s7], [sflag:$0x4], $0x8000, $0x38;
	[tilespmem:$0x10800] =	vst v63  }
0x1b8: {  	_ =	swait.ge [sflag:s8], $0x8000  }
0x1b9: {  	[sflag:s8] =	ssyncset.done $0x0  }
0x1ba: {  	[sflag:s8] =	ssyncadd.s32 $0xFFFF8000  }
0x1bb: {  	_ =	swait.ge [sflag:s4], $0x8000  }
0x1bc: {  	[sflag:s4] =	ssyncset.done $0x0  }
0x1bd: {  	[sflag:s4] =	ssyncadd.s32 $0xFFFF8000  }
0x1be: {  	_ =	sfence.sel $0x180000  }
0x1bf: {  	[bflag:$0x0] =	sbarrier.arrive $0xFFFF  }
0x1c0: {  	_ =	strace $0x90000047  }
0x1c1: {  	s31 =	stileid.u32;
	[bflag:$0x2] =	sbarrier.arrive $0xFFFF  }
0x1c2: {  	p0 =	sne.s32 s31, $0x0;
	s0 =	rddreg [dreg:$0x2]  }
0x1c3: {  	s0 =	sadd.s32 @!p0 $0x100000, s0  }
0x1c4: {  	[sflag:s0] =	ssyncadd.tile.s32 @!p0 $0x1;
	_ =	shalt  }
.Lfunc_end2:
_tile_overlayer_lowered:
.L_overlay_start_2:
0x1c5: {  	(tag) =	ssettag $0x2  }
0x1c6: {  	s0 =	rddreg [dreg:$0x0];
	s2 =	stileid.u32  }
0x1c7: {  	s1 =	rddreg [dreg:$0x1];
	p0 =	sne.s32 s2, $0x0  }
0x1c8: {  	s3 =	rddreg [dreg:$0x2];
	[bflag:$0x3] =	sbarrier.arrive $0xFFFF;
	s2 =	simm.s32 @!p0 $0x1C05  }
0x1c9: {  	[timem:s3], [sflag:s2] =	dma.local @!p0 [hbm:s0], s1  }
0x1ca: {  	s0 =	simm.s32 @!p0 $0x5  }
0x1cb: {  	_ =	swait.ge @!p0 [sflag:s0], s1  }
0x1cc: {  	s1 =	ssub.s32 @!p0 $0x0, s1;
	[sflag:s0] =	ssyncset.done @!p0 $0x0  }
0x1cd: {  	[sflag:s0] =	ssyncadd.s32 @!p0 s1  }
0x1ce: {  	[bflag:$0x3] =	sbarrier.arrive $0xFFFF  }
0x1cf: {  	_ =	shalt  }

// kernel: kernel.14.cloned.1.call-start
scs
__scs_entry_jumppad:
0x0: {  	(pc) =	sbr.rel $0x88, $3  }
0x1: {  	(tag) =	ssettag $0x0;
	lr =	simm.s32 $0x1  }
0x2: {  	[smem:$0x3F9F] =	sst lr;
	_ =	strace $0xD0000000  }
0x3: {  	_ = 	snop  }
0x4: {  	_ = 	snop  }
0x5: {  	_ = 	snop  }
0x6: {  	_ = 	snop  }
0x7: {  	_ = 	snop  }
__scs_overlays_trampoline_lowered:
0x8: {  	[smem:$0x3FAE] =	sst s0  }
0x9: {  	[smem:$0x3FAF] =	sst s1  }
0xa: {  	[smem:$0x3FB0] =	sst s2  }
0xb: {  	[smem:$0x3FB1] =	sst s3  }
0xc: {  	[smem:$0x3FB2] =	sst s4  }
0xd: {  	[smem:$0x3FB3] =	sst s5  }
0xe: {  	[smem:$0x3FB4] =	sst s6  }
0xf: {  	[smem:$0x3FB5] =	sst s7  }
0x10: {  	[smem:$0x3FB6] =	sst s8  }
0x11: {  	[smem:$0x3FB7] =	sst s9;
	s0 =	simm.s32 @!p0 $0x0  }
0x12: {  	s1 =	sld [smem:$0x3F9D];
	s0 =	simm.s32 @p0 $0x1  }
0x13: {  	[smem:$0x3FB8] =	sst s0;
	s0 =	simm.s32 @!p1 $0x0  }
0x14: {  	s2 =	sld [smem:$0x3F9C];
	s0 =	simm.s32 @p1 $0x1  }
0x15: {  	[smem:$0x3FB9] =	sst s0;
	s0 =	simm.s32 @!p2 $0x0  }
0x16: {  	s3 =	sld [smem:$0x3FDB];
	s0 =	simm.s32 @p2 $0x1  }
0x17: {  	s4 =	simm.s32 $0x1BF5;
	[smem:$0x3FBB] =	sst s0  }
0x18: {  	s0 =	sld [smem:$0x3F9E];
	_ =	swait.ge [sflag:s4], $0x0  }
0x19: {  	s7 =	sld [smem:$0x3F9F]  }
0x1a: {  	s8 =	sadd.s32 $0xFFFFE003, lr  }
0x1b: {  	s9 =	sadd.s32 $0xFFFFFEF7, lr;
	s5 =	simm.s32 $0xFFFFFFFF;
	p2 =	slt.u32 s8, $0xFFFFF086  }
0x1c: {  	p1 =	slt.u32 s9, $0xF7A;
	s5 =	simm.s32 @!p2 $0x0  }
0x1d: {  	s5 =	simm.s32 @p1 $0x1;
	p0 =	seq.s32 s7, s2  }
0x1e: {  	s7 =	smul.u32 @!p0 $0xF7A, s2;
	p2 =	seq.s32 @!p0 s5, $0x0  }
0x1f: {  	s9 =	smul.u32 $0xF7A, s1;
	s8 =	simm.s32 @!p0 $0x1BF5;
	p2 =	por !p2, p0  }
0x20: {  	[sflag:s8] =	ssyncset.s32 @!p0 $0xFFFFF086;
	s6 =	sadd.s32 @!p0 s3, s7;
	s7 =	simm.s32 @!p0 $0x108  }
0x21: {  	s3 =	sadd.s32 s3, s9;
	s6 =	sadd.s32 @!p0 $0x88, s6;
	s7 =	simm.s32 @p2 $0x1082  }
0x22: {  	[simem:s7], [sflag:s8] =	dma.local @!p0 [hbm:s6], $0xF7A  }
0x23: {  	s9 =	sor.u32 $0xD0000000, s2;
	s6 =	simm.s32 $0x108;
	_ =	swait.ge @!p0 [sflag:s8], $0x0  }
0x24: {  	s3 =	sadd.s32 $0x88, s3;
	s6 =	simm.s32 @!p1 $0x1082;
	[sflag:s4] =	ssyncset.s32 $0xFFFFF086  }
0x25: {  	[simem:s6], [sflag:s4] =	dma.local [hbm:s3], $0xF7A  }
0x26: {  	[smem:$0x3F9F] =	sst s1;
	(tag) =	ssettag s2;
	_ =	strace s9  }
0x27: {  	s1 =	sld [smem:$0x3FAF]  }
0x28: {  	s2 =	sld [smem:$0x3FB0]  }
0x29: {  	s4 =	sld [smem:$0x3FB2]  }
0x2a: {  	p0 =	seq.s32 s5, $0x0;
	s5 =	sld [smem:$0x3FB3]  }
0x2b: {  	s6 =	sld [smem:$0x3FB4]  }
0x2c: {  	s7 =	sld [smem:$0x3FB5]  }
0x2d: {  	s3 =	simm.s32 $0x108;
	s8 =	sld [smem:$0x3FB6]  }
0x2e: {  	s3 =	simm.s32 @!p0 $0x1082;
	s9 =	sld [smem:$0x3FB7]  }
0x2f: {  	lr =	sadd.s32 s0, s3;
	s0 =	sld [smem:$0x3FAE]  }
0x30: {  	s3 =	sld [smem:$0x3FB1]  }
0x31: {  	[smem:$0x3FBA] =	sst s10  }
0x32: {  	s10 =	sld [smem:$0x3FB8];
	_ =	sdelay $0x3  }
0x33: {  	p0 =	seq.s32 s10, $0x1;
	s10 =	sld [smem:$0x3FBA];
	_ =	sdelay $0x3  }
0x34: {  	[smem:$0x3FBA] =	sst s10  }
0x35: {  	s10 =	sld [smem:$0x3FB9];
	_ =	sdelay $0x3  }
0x36: {  	p1 =	seq.s32 s10, $0x1;
	s10 =	sld [smem:$0x3FBA];
	_ =	sdelay $0x3  }
0x37: {  	[smem:$0x3FBA] =	sst s10  }
0x38: {  	s10 =	sld [smem:$0x3FBB]  }
0x39: {  	_ = 	snop;
	(pc) =	sbr.ind lr, $3  }
0x3a: {  	_ = 	snop  }
0x3b: {  	_ = 	snop  }
0x3c: {  	p2 =	seq.s32 s10, $0x1;
	s10 =	sld [smem:$0x3FBA]  }
0x3d: {  	_ =	shalt  }
0x3e: {  	_ =	shalt  }
0x3f: {  	_ =	shalt  }
0x40: {  	_ =	shalt  }
0x41: {  	_ =	shalt  }
0x42: {  	_ =	shalt  }
0x43: {  	_ =	shalt  }
0x44: {  	_ =	shalt  }
0x45: {  	_ =	shalt  }
0x46: {  	_ =	shalt  }
0x47: {  	_ =	shalt  }
0x48: {  	_ =	shalt  }
0x49: {  	_ =	shalt  }
0x4a: {  	_ =	shalt  }
0x4b: {  	_ =	shalt  }
0x4c: {  	_ =	shalt  }
0x4d: {  	_ =	shalt  }
0x4e: {  	_ =	shalt  }
0x4f: {  	_ =	shalt  }
0x50: {  	_ =	shalt  }
0x51: {  	_ =	shalt  }
0x52: {  	_ =	shalt  }
0x53: {  	_ =	shalt  }
0x54: {  	_ =	shalt  }
0x55: {  	_ =	shalt  }
0x56: {  	_ =	shalt  }
0x57: {  	_ =	shalt  }
0x58: {  	_ =	shalt  }
0x59: {  	_ =	shalt  }
0x5a: {  	_ =	shalt  }
0x5b: {  	_ =	shalt  }
0x5c: {  	_ =	shalt  }
0x5d: {  	_ =	shalt  }
0x5e: {  	_ =	shalt  }
0x5f: {  	_ =	shalt  }
0x60: {  	_ =	shalt  }
0x61: {  	_ =	shalt  }
0x62: {  	_ =	shalt  }
0x63: {  	_ =	shalt  }
0x64: {  	_ =	shalt  }
0x65: {  	_ =	shalt  }
0x66: {  	_ =	shalt  }
0x67: {  	_ =	shalt  }
0x68: {  	_ =	shalt  }
0x69: {  	_ =	shalt  }
0x6a: {  	_ =	shalt  }
0x6b: {  	_ =	shalt  }
0x6c: {  	_ =	shalt  }
0x6d: {  	_ =	shalt  }
0x6e: {  	_ =	shalt  }
0x6f: {  	_ =	shalt  }
0x70: {  	_ =	shalt  }
0x71: {  	_ =	shalt  }
0x72: {  	_ =	shalt  }
0x73: {  	_ =	shalt  }
0x74: {  	_ =	shalt  }
0x75: {  	_ =	shalt  }
0x76: {  	_ =	shalt  }
0x77: {  	_ =	shalt  }
0x78: {  	_ =	shalt  }
0x79: {  	_ =	shalt  }
0x7a: {  	_ =	shalt  }
0x7b: {  	_ =	shalt  }
0x7c: {  	_ =	shalt  }
0x7d: {  	_ =	shalt  }
0x7e: {  	_ =	shalt  }
0x7f: {  	_ =	shalt  }
0x80: {  	_ =	shalt  }
0x81: {  	_ =	shalt  }
0x82: {  	_ =	shalt  }
0x83: {  	_ =	shalt  }
0x84: {  	_ =	shalt  }
0x85: {  	_ =	shalt  }
0x86: {  	_ =	shalt  }
0x87: {  	_ =	shalt  }
.Lfunc_end0:
.L_simem_size_0:
called_computation.1_lowered:
.L_overlay_start_0:
0x88: {  	s2 =	sld [smem:$0x3FD9]  }
0x89: {  	s3 =	sld [smem:$0x3FFE];
	_ =	sdelay $0x1  }
0x8a: {  	s1 =	srdreg.scid  }
0x8b: {  	s0 =	sand.u32 $0x1, s1  }
0x8c: {  	s17 =	sshll.u32 s0, $0xA;
	s2 =	sadd.s32 s3, s2  }
0x8d: {  	s2 =	sadd.s32 s2, s17  }
0x8e: {  	[smem:$0x3FC6] =	sst s2  }
0x8f: {  	_ = 	snop  }
0x90: {  	(tm) =	ssettm $0x1  }
0x91: {  	s18 =	sld [smem:$0x3FFB];
	_ =	sdelay $0x3  }
0x92: {  	_ =	strace s18  }
0x93: {  	s2 =	sld [smem:$0x3FFC];
	_ =	sdelay $0x3  }
0x94: {  	_ =	strace s2  }
0x95: {  	s2 =	sld [smem:$0x3FFD];
	_ =	sdelay $0x3  }
0x96: {  	_ =	strace s2  }
0x97: {  	_ =	strace $0x8FFFFFFF  }
0x98: {  	s19 =	sld [smem:$0x3FDB];
	_ =	sdelay $0x1  }
0x99: {  	s20 =	simm.s32 $_scs_section_size  }
0x9a: {  	s4 =	simm.s32 $_size__tile_overlayer_lowered;
	s5 =	simm.s32 $_tile_overlayer_lowered  }
0x9b: {  	s6 =	simm.s32 $0x1BFF;
	s21 =	sshll.u32 s5, $0x1;
	s3 =	sadd.s32 s20, s19  }
0x9c: {  	s22 =	simm.s32 $0x0;
	s4 =	sshll.u32 s4, $0x1;
	s5 =	sadd.s32 s21, s3  }
0x9d: {  	[timem:s22], [sflag:s6] =	dma.local [hbm:s5], s4  }
0x9e: {  	_ =	swait.ge [sflag:s6], s4  }
0x9f: {  	s4 =	ssub.s32 $0x0, s4;
	[sflag:s6] =	ssyncset.done $0x0  }
0xa0: {  	[sflag:s6] =	ssyncadd.s32 s4;
	_ =	sdelay $0x1  }
0xa1: {  	s23 =	simm.s32 $0x1B8B  }
0xa2: {  	_ =	swait.ge [sflag:s23], $0x1  }
0xa3: {  	[sflag:s23] =	ssyncset.done $0x0  }
0xa4: {  	[sflag:s23] =	ssyncadd.s32 $0xFFFFFFFF  }
0xa5: {  	s4 =	sld [smem:$0x0]  }
0xa6: {  	s5 =	sand.u32 $0xFFFFFFFE, s1  }
0xa7: {  	p0 =	sne.s32 s1, s5  }
0xa8: {  	s5 =	sshll.u32 @p0 s5, $0xE  }
0xa9: {  	s5 =	sadd.s32 @p0 $0x11B8D, s5;
	s6 =	sshll.u32 @p0 s4, $0x11  }
0xaa: {  	s5 =	sor.u32 @p0 s6, s5  }
0xab: {  	[sflag:s5] =	ssyncadd.remote.s32 @p0 $0x1;
	_ =	sdelay $0x1  }
0xac: {  	s5 =	simm.s32 @p0 $0x1B8D  }
0xad: {  	_ =	swait.eq @p0 [sflag:s5], $0x1  }
0xae: {  	[sflag:s5] =	ssyncadd.s32 @p0 $0xFFFFFFFF  }
0xaf: {  	s6 =	sshll.u32 @!p0 s1, $0xE  }
0xb0: {  	s6 =	sor.u32 @!p0 $0x4000, s6;
	s5 =	simm.s32 @!p0 $0x1B8D  }
0xb1: {  	s4 =	sshll.u32 @!p0 s4, $0x11;
	s6 =	sadd.s32 @!p0 $0x11B8D, s6;
	_ =	swait.eq @!p0 [sflag:s5], $0x1  }
0xb2: {  	s4 =	sor.u32 @!p0 s4, s6;
	[sflag:s5] =	ssyncadd.s32 @!p0 $0xFFFFFFFF  }
0xb3: {  	s25 =	simm.s32 $0x1B8E;
	s24 =	sld [smem:$0x3FFE];
	[sflag:s4] =	ssyncadd.remote.s32 @!p0 $0x1  }
0xb4: {  	s26 =	simm.s32 $execute0_lowered;
	[smem:$0x3FD2] =	sst s25  }
0xb5: {  	s5 =	sshll.u32 s26, $0x1;
	_ =	strace $0x80000049;
	[dreg:$0x1] =	wrdreg $0xFFFFFFFF  }
0xb6: {  	s28 =	simm.s32 $_size_execute0_lowered;
	s3 =	sadd.s32 s3, s5;
	[dreg:$0x0] =	wrdreg $0x0  }
0xb7: {  	s5 =	sshll.u32 s28, $0x1;
	[dreg:$0x2] =	wrdreg s3  }
0xb8: {  	[dreg:$0x3] =	wrdreg s5  }
0xb9: {  	[dreg:$0x4] =	wrdreg $0xC0  }
0xba: {  	_ =	task [dreg:s22], $0x5FFFF  }
0xbb: {  	[dreg:$0x1] =	wrdreg $0xFFFFFFFF  }
0xbc: {  	[dreg:$0x0] =	wrdreg $0x60  }
0xbd: {  	[dreg:$0x2] =	wrdreg s24  }
0xbe: {  	[dreg:$0x3] =	wrdreg $0xA  }
0xbf: {  	_ =	task.clear_ibuf [dreg:s22], $0x4FFFF;
	_ =	strace $0x90000049  }
0xc0: {  	s29 =	simm.s32 $0xA;
	_ =	strace $0x8000004B  }
0xc1: {  	_ =	swait.ge [sflag:s29], $0x1  }
0xc2: {  	[sflag:s29] =	ssyncadd.s32 $0xFFFFFFFF  }
0xc3: {  	_ =	strace $0x9000004B  }
0xc4: {  	_ =	sfence  }
0xc5: {  	s30 =	sld [smem:$0x0];
	_ =	sdelay $0x2  }
0xc6: {  	s31 =	sshll.u32 s1, $0xD;
	s1 =	sshrl.u32 s1, $0x2  }
0xc7: {  	s4 =	sand.u32 $0x4000, s31;
	s1 =	sadd.s32 s1, s30  }
0xc8: {  	s0 =	sor.u32 s4, s0;
	s1 =	sshll.u32 s1, $0x11  }
0xc9: {  	s0 =	sor.u32 s1, s0  }
0xca: {  	s0 =	sadd.s32 $0x8F2B, s0  }
0xcb: {  	[sflag:s0] =	ssyncadd.remote.s32 $0x1  }
0xcc: {  	_ =	sfence.sel $0xFFFF  }
0xcd: {  	[dreg:$0x0] =	wrdreg $0xFFFFFFFF;
	(pc) =	sbr.abs _section_cstart, $3  }
0xce: {  	[dreg:$0x1] =	wrdreg $0xFFFFFFFF  }
0xcf: {  	_ =	task.clear_ibuf [dreg:s22], $0x2FFFF;
	_ =	strace $0x9FFFFFFF  }
0xd0: {  	(tm) =	ssettm $0x7FFFFFFF  }
0xd1: {  	_ =	shalt  }
tec
execute0_lowered:
.L_overlay_start_1:
0x0: {  	(tag) =	ssettag $0x1  }
0x1: {  	s0 =	srdreg.scid;
	s1 =	stileid.u32  }
0x2: {  	s3 =	rddreg [dreg:$0x0];
	s2 =	simm.s32 $0x0;
	s30 =	simm.s32 $0x5  }
0x3: {  	s9 =	simm.s32 $0x800;
	s31 =	simm.s32 $0x80;
	s7 =	simm.s32 $0x8800  }
0x4: {  	s11 =	simm.s32 $0x1;
	s0 =	sand.u32 $0x1, s0;
	s1 =	sshll.u32 s1, $0x1  }
0x5: {  	s10 =	simm.s32 $0x2;
	s8 =	simm.s32 $0x3;
	s1 =	sor.u32 s0, s1  }
0x6: {  	s28 =	simm.s32 $0x100;
	s29 =	simm.s32 $0x180;
	s4 =	sshll.u32 s1, $0x8  }
0x7: {  	p0 =	por $0x0, $0x0;
	s1 =	sshll.u32 s1, $0x10;
	s4 =	sadd.s32 s4, s3  }
0x8: {  	[smem:$0x7FF] =	sst s2;
	s1 =	sadd.s32 s1, s3;
	s4 =	sadd.s32 $0x400600, s4  }
0x9: {  	_ =	strace $0x8000004A;
	s16 =	sadd.s32 $0x402600, s1;
	[dreg:$0x2] =	wrdreg s4  }
0xa: {  	s15 =	simm.s32 $0x700;
	s17 =	sadd.s32 $0x403600, s1;
	[dreg:$0x3] =	wrdreg s16  }
0xb: {  	s0 =	ssub.s32 $0x2, s0;
	s18 =	sadd.s32 $0x404600, s1;
	[dreg:$0x4] =	wrdreg s17  }
0xc: {  	s5 =	sshrl.u32 s0, $0x1;
	s19 =	sadd.s32 $0x405600, s1;
	[dreg:$0x5] =	wrdreg s18  }
0xd: {  	s3 =	sadd.s32 $0x200, s3;
	s20 =	sadd.s32 $0x406600, s1;
	[dreg:$0x6] =	wrdreg s19  }
0xe: {  	s0 =	ssub.s32 s0, s5;
	s21 =	sadd.s32 $0x407600, s1;
	[dreg:$0x7] =	wrdreg s20  }
0xf: {  	s22 =	sadd.s32 $0x408600, s1;
	s23 =	sadd.s32 $0x409600, s1;
	[dreg:$0x8] =	wrdreg s21  }
0x10: {  	s0 =	smax.u32 s0, $0x1;
	s24 =	sadd.s32 $0x40A600, s1;
	[dreg:$0x9] =	wrdreg s22  }
0x11: {  	s25 =	sadd.s32 $0x40B600, s1;
	s26 =	sadd.s32 $0x40C600, s1;
	[dreg:$0xa] =	wrdreg s23  }
0x12: {  	s14 =	sadd.s32 $0x40D600, s1;
	s13 =	sadd.s32 $0x40E600, s1;
	[dreg:$0xb] =	wrdreg s24  }
0x13: {  	s12 =	sadd.s32 $0x40F600, s1;
	s6 =	sadd.s32 $0x410600, s1;
	[dreg:$0xc] =	wrdreg s25  }
0x14: {  	s5 =	sadd.s32 $0x411600, s1;
	[dreg:$0xd] =	wrdreg s26;
	p1 =	sne.s32 s0, $0x1  }
.Ltmp0:
0x15: {  	s4 =	simm.s32 $0x4;
	s25 =	simm.s32 $0x200;
	(pc) =	sbr.rel @!p1 .LBB2_3-.Ltmp0, $4  }
0x16: {  	s26 =	simm.s32 $0x280;
	s23 =	simm.s32 $0x300;
	s24 =	simm.s32 $0x380  }
0x17: {  	s21 =	simm.s32 $0x400;
	s22 =	simm.s32 $0x480;
	s1 =	sadd.s32 $0xFFFFFFFF, s0  }
0x18: {  	s19 =	simm.s32 $0x500;
	s20 =	simm.s32 $0x580;
	s17 =	simm.s32 $0x600  }
0x19: {  	s18 =	simm.s32 $0x680;
	s16 =	simm.s32 $0x780;
	s0 =	rddreg [dreg:$0x2]  }
0x1a: {  	[tilespmem:s2], [sflag:$0x5] =	stream.linear.gather [hbm4b:s0+s2], $0x800, $0x38;
	[tilespmem:$0x10800] =	vst v63  }
0x1b: {  	_ =	swait.ge [sflag:s30], $0x800  }
0x1c: {  	[sflag:s30] =	ssyncset.done $0x0  }
0x1d: {  	[sflag:s30] =	ssyncadd.s32 $0xFFFFF800  }
0x1e: {  	[tilespmem:s9], [sflag:$0x1] =	stream.indirect.gather [hbm4b:s3+s4], $0x2000, s2, s4, $0xb8;
	[tilespmem:$0x10800] =	vst v63  }
0x1f: {  	_ = 	snop  }
0x20: {  	[tilespmem:s7], [sflag:$0x2] =	stream.indirect.gather [hbm4b:s3+s4], $0x2000, s31, s4, $0xb8;
	[tilespmem:$0x10800] =	vst v63  }
0x21: {  	_ =	swait.ge [sflag:s11], $0x8000  }
0x22: {  	[sflag:s11] =	ssyncset.done $0x0  }
0x23: {  	s0 =	rddreg [dreg:$0x3];
	[sflag:s11] =	ssyncadd.s32 $0xFFFF8000  }
0x24: {  	[hbm4b:s0+s2] =	stream.linear.scatter [tilespmem:s9], [sflag:$0x3], $0x8000, $0x38;
	[tilespmem:$0x10800] =	vst v63  }
0x25: {  	_ =	swait.ge [sflag:s10], $0x8000  }
0x26: {  	[sflag:s10] =	ssyncset.done $0x0  }
0x27: {  	s0 =	rddreg [dreg:$0x4];
	[sflag:s10] =	ssyncadd.s32 $0xFFFF8000  }
0x28: {  	[hbm4b:s0+s2] =	stream.linear.scatter [tilespmem:s7], [sflag:$0x4], $0x8000, $0x38;
	[tilespmem:$0x10800] =	vst v63  }
0x29: {  	_ =	swait.ge [sflag:s8], $0x8000  }
0x2a: {  	[sflag:s8] =	ssyncset.done $0x0  }
0x2b: {  	[sflag:s8] =	ssyncadd.s32 $0xFFFF8000  }
0x2c: {  	_ =	swait.ge [sflag:s4], $0x8000  }
0x2d: {  	[sflag:s4] =	ssyncset.done $0x0  }
0x2e: {  	[sflag:s4] =	ssyncadd.s32 $0xFFFF8000  }
0x2f: {  	[tilespmem:s9], [sflag:$0x1] =	stream.indirect.gather [hbm4b:s3+s4], $0x2000, s28, s4, $0xb8;
	[tilespmem:$0x10800] =	vst v63  }
0x30: {  	_ = 	snop  }
0x31: {  	[tilespmem:s7], [sflag:$0x2] =	stream.indirect.gather [hbm4b:s3+s4], $0x2000, s29, s4, $0xb8;
	[tilespmem:$0x10800] =	vst v63  }
0x32: {  	_ =	swait.ge [sflag:s11], $0x8000  }
0x33: {  	[sflag:s11] =	ssyncset.done $0x0  }
0x34: {  	s0 =	rddreg [dreg:$0x5];
	[sflag:s11] =	ssyncadd.s32 $0xFFFF8000  }
0x35: {  	[hbm4b:s0+s2] =	stream.linear.scatter [tilespmem:s9], [sflag:$0x3], $0x8000, $0x38;
	[tilespmem:$0x10800] =	vst v63  }
0x36: {  	_ =	swait.ge [sflag:s10], $0x8000  }
0x37: {  	[sflag:s10] =	ssyncset.done $0x0  }
0x38: {  	s0 =	rddreg [dreg:$0x6];
	[sflag:s10] =	ssyncadd.s32 $0xFFFF8000  }
0x39: {  	[hbm4b:s0+s2] =	stream.linear.scatter [tilespmem:s7], [sflag:$0x4], $0x8000, $0x38;
	[tilespmem:$0x10800] =	vst v63  }
0x3a: {  	_ =	swait.ge [sflag:s8], $0x8000  }
0x3b: {  	[sflag:s8] =	ssyncset.done $0x0  }
0x3c: {  	[sflag:s8] =	ssyncadd.s32 $0xFFFF8000  }
0x3d: {  	_ =	swait.ge [sflag:s4], $0x8000  }
0x3e: {  	[sflag:s4] =	ssyncset.done $0x0  }
0x3f: {  	[sflag:s4] =	ssyncadd.s32 $0xFFFF8000  }
0x40: {  	[tilespmem:s9], [sflag:$0x1] =	stream.indirect.gather [hbm4b:s3+s4], $0x2000, s25, s4, $0xb8;
	[tilespmem:$0x10800] =	vst v63  }
0x41: {  	_ = 	snop  }
0x42: {  	[tilespmem:s7], [sflag:$0x2] =	stream.indirect.gather [hbm4b:s3+s4], $0x2000, s26, s4, $0xb8;
	[tilespmem:$0x10800] =	vst v63  }
0x43: {  	_ =	swait.ge [sflag:s11], $0x8000  }
0x44: {  	[sflag:s11] =	ssyncset.done $0x0  }
0x45: {  	s0 =	rddreg [dreg:$0x7];
	[sflag:s11] =	ssyncadd.s32 $0xFFFF8000  }
0x46: {  	[hbm4b:s0+s2] =	stream.linear.scatter [tilespmem:s9], [sflag:$0x3], $0x8000, $0x38;
	[tilespmem:$0x10800] =	vst v63  }
0x47: {  	_ =	swait.ge [sflag:s10], $0x8000  }
0x48: {  	[sflag:s10] =	ssyncset.done $0x0  }
0x49: {  	s0 =	rddreg [dreg:$0x8];
	[sflag:s10] =	ssyncadd.s32 $0xFFFF8000  }
0x4a: {  	[hbm4b:s0+s2] =	stream.linear.scatter [tilespmem:s7], [sflag:$0x4], $0x8000, $0x38;
	[tilespmem:$0x10800] =	vst v63  }
0x4b: {  	_ =	swait.ge [sflag:s8], $0x8000  }
0x4c: {  	[sflag:s8] =	ssyncset.done $0x0  }
0x4d: {  	[sflag:s8] =	ssyncadd.s32 $0xFFFF8000  }
0x4e: {  	_ =	swait.ge [sflag:s4], $0x8000  }
0x4f: {  	[sflag:s4] =	ssyncset.done $0x0  }
0x50: {  	[sflag:s4] =	ssyncadd.s32 $0xFFFF8000  }
0x51: {  	[tilespmem:s9], [sflag:$0x1] =	stream.indirect.gather [hbm4b:s3+s4], $0x2000, s23, s4, $0xb8;
	[tilespmem:$0x10800] =	vst v63  }
0x52: {  	_ = 	snop  }
0x53: {  	[tilespmem:s7], [sflag:$0x2] =	stream.indirect.gather [hbm4b:s3+s4], $0x2000, s24, s4, $0xb8;
	[tilespmem:$0x10800] =	vst v63  }
0x54: {  	_ =	swait.ge [sflag:s11], $0x8000  }
0x55: {  	[sflag:s11] =	ssyncset.done $0x0  }
0x56: {  	s0 =	rddreg [dreg:$0x9];
	[sflag:s11] =	ssyncadd.s32 $0xFFFF8000  }
0x57: {  	[hbm4b:s0+s2] =	stream.linear.scatter [tilespmem:s9], [sflag:$0x3], $0x8000, $0x38;
	[tilespmem:$0x10800] =	vst v63  }
0x58: {  	_ =	swait.ge [sflag:s10], $0x8000  }
0x59: {  	[sflag:s10] =	ssyncset.done $0x0  }
0x5a: {  	s0 =	rddreg [dreg:$0xa];
	[sflag:s10] =	ssyncadd.s32 $0xFFFF8000  }
0x5b: {  	[hbm4b:s0+s2] =	stream.linear.scatter [tilespmem:s7], [sflag:$0x4], $0x8000, $0x38;
	[tilespmem:$0x10800] =	vst v63  }
0x5c: {  	_ =	swait.ge [sflag:s8], $0x8000  }
0x5d: {  	[sflag:s8] =	ssyncset.done $0x0  }
0x5e: {  	[sflag:s8] =	ssyncadd.s32 $0xFFFF8000  }
0x5f: {  	_ =	swait.ge [sflag:s4], $0x8000  }
0x60: {  	[sflag:s4] =	ssyncset.done $0x0  }
0x61: {  	[sflag:s4] =	ssyncadd.s32 $0xFFFF8000  }
0x62: {  	[tilespmem:s9], [sflag:$0x1] =	stream.indirect.gather [hbm4b:s3+s4], $0x2000, s21, s4, $0xb8;
	[tilespmem:$0x10800] =	vst v63  }
0x63: {  	_ = 	snop  }
0x64: {  	[tilespmem:s7], [sflag:$0x2] =	stream.indirect.gather [hbm4b:s3+s4], $0x2000, s22, s4, $0xb8;
	[tilespmem:$0x10800] =	vst v63  }
0x65: {  	_ =	swait.ge [sflag:s11], $0x8000  }
0x66: {  	[sflag:s11] =	ssyncset.done $0x0  }
0x67: {  	s0 =	rddreg [dreg:$0xb];
	[sflag:s11] =	ssyncadd.s32 $0xFFFF8000  }
0x68: {  	[hbm4b:s0+s2] =	stream.linear.scatter [tilespmem:s9], [sflag:$0x3], $0x8000, $0x38;
	[tilespmem:$0x10800] =	vst v63  }
0x69: {  	_ =	swait.ge [sflag:s10], $0x8000  }
0x6a: {  	[sflag:s10] =	ssyncset.done $0x0  }
0x6b: {  	s0 =	rddreg [dreg:$0xc];
	[sflag:s10] =	ssyncadd.s32 $0xFFFF8000  }
0x6c: {  	[hbm4b:s0+s2] =	stream.linear.scatter [tilespmem:s7], [sflag:$0x4], $0x8000, $0x38;
	[tilespmem:$0x10800] =	vst v63  }
0x6d: {  	_ =	swait.ge [sflag:s8], $0x8000  }
0x6e: {  	[sflag:s8] =	ssyncset.done $0x0  }
0x6f: {  	[sflag:s8] =	ssyncadd.s32 $0xFFFF8000  }
0x70: {  	_ =	swait.ge [sflag:s4], $0x8000  }
0x71: {  	[sflag:s4] =	ssyncset.done $0x0  }
0x72: {  	[sflag:s4] =	ssyncadd.s32 $0xFFFF8000  }
0x73: {  	[tilespmem:s9], [sflag:$0x1] =	stream.indirect.gather [hbm4b:s3+s4], $0x2000, s19, s4, $0xb8;
	[tilespmem:$0x10800] =	vst v63  }
0x74: {  	_ = 	snop  }
0x75: {  	[tilespmem:s7], [sflag:$0x2] =	stream.indirect.gather [hbm4b:s3+s4], $0x2000, s20, s4, $0xb8;
	[tilespmem:$0x10800] =	vst v63  }
0x76: {  	_ =	swait.ge [sflag:s11], $0x8000  }
0x77: {  	[sflag:s11] =	ssyncset.done $0x0  }
0x78: {  	s0 =	rddreg [dreg:$0xd];
	[sflag:s11] =	ssyncadd.s32 $0xFFFF8000  }
0x79: {  	[hbm4b:s0+s2] =	stream.linear.scatter [tilespmem:s9], [sflag:$0x3], $0x8000, $0x38;
	[tilespmem:$0x10800] =	vst v63  }
0x7a: {  	_ =	swait.ge [sflag:s10], $0x8000  }
0x7b: {  	[sflag:s10] =	ssyncset.done $0x0  }
0x7c: {  	[sflag:s10] =	ssyncadd.s32 $0xFFFF8000  }
0x7d: {  	[hbm4b:s14+s2] =	stream.linear.scatter [tilespmem:s7], [sflag:$0x4], $0x8000, $0x38;
	[tilespmem:$0x10800] =	vst v63  }
0x7e: {  	_ =	swait.ge [sflag:s8], $0x8000  }
0x7f: {  	[sflag:s8] =	ssyncset.done $0x0  }
0x80: {  	[sflag:s8] =	ssyncadd.s32 $0xFFFF8000  }
0x81: {  	_ =	swait.ge [sflag:s4], $0x8000  }
0x82: {  	[sflag:s4] =	ssyncset.done $0x0  }
0x83: {  	[sflag:s4] =	ssyncadd.s32 $0xFFFF8000  }
0x84: {  	[tilespmem:s9], [sflag:$0x1] =	stream.indirect.gather [hbm4b:s3+s4], $0x2000, s17, s4, $0xb8;
	[tilespmem:$0x10800] =	vst v63  }
0x85: {  	_ = 	snop  }
0x86: {  	[tilespmem:s7], [sflag:$0x2] =	stream.indirect.gather [hbm4b:s3+s4], $0x2000, s18, s4, $0xb8;
	[tilespmem:$0x10800] =	vst v63  }
0x87: {  	_ =	swait.ge [sflag:s11], $0x8000  }
0x88: {  	[sflag:s11] =	ssyncset.done $0x0  }
0x89: {  	[sflag:s11] =	ssyncadd.s32 $0xFFFF8000  }
0x8a: {  	[hbm4b:s13+s2] =	stream.linear.scatter [tilespmem:s9], [sflag:$0x3], $0x8000, $0x38;
	[tilespmem:$0x10800] =	vst v63  }
0x8b: {  	_ =	swait.ge [sflag:s10], $0x8000  }
0x8c: {  	[sflag:s10] =	ssyncset.done $0x0  }
0x8d: {  	[sflag:s10] =	ssyncadd.s32 $0xFFFF8000  }
0x8e: {  	[hbm4b:s12+s2] =	stream.linear.scatter [tilespmem:s7], [sflag:$0x4], $0x8000, $0x38;
	[tilespmem:$0x10800] =	vst v63  }
0x8f: {  	_ =	swait.ge [sflag:s8], $0x8000  }
0x90: {  	[sflag:s8] =	ssyncset.done $0x0  }
0x91: {  	[sflag:s8] =	ssyncadd.s32 $0xFFFF8000  }
0x92: {  	_ =	swait.ge [sflag:s4], $0x8000  }
0x93: {  	[sflag:s4] =	ssyncset.done $0x0  }
0x94: {  	[sflag:s4] =	ssyncadd.s32 $0xFFFF8000  }
0x95: {  	[tilespmem:s9], [sflag:$0x1] =	stream.indirect.gather [hbm4b:s3+s4], $0x2000, s15, s4, $0xb8;
	[tilespmem:$0x10800] =	vst v63  }
0x96: {  	_ = 	snop  }
0x97: {  	[tilespmem:s7], [sflag:$0x2] =	stream.indirect.gather [hbm4b:s3+s4], $0x2000, s16, s4, $0xb8;
	[tilespmem:$0x10800] =	vst v63  }
0x98: {  	_ =	swait.ge [sflag:s11], $0x8000  }
0x99: {  	[sflag:s11] =	ssyncset.done $0x0  }
0x9a: {  	[sflag:s11] =	ssyncadd.s32 $0xFFFF8000  }
0x9b: {  	[hbm4b:s6+s2] =	stream.linear.scatter [tilespmem:s9], [sflag:$0x3], $0x8000, $0x38;
	[tilespmem:$0x10800] =	vst v63  }
0x9c: {  	_ =	swait.ge [sflag:s10], $0x8000  }
0x9d: {  	[sflag:s10] =	ssyncset.done $0x0  }
0x9e: {  	p1 =	sne.s32 s1, $0x1;
	[sflag:s10] =	ssyncadd.s32 $0xFFFF8000  }
0x9f: {  	[hbm4b:s5+s2] =	stream.linear.scatter [tilespmem:s7], [sflag:$0x4], $0x8000, $0x38;
	[tilespmem:$0x10800] =	vst v63  }
.Ltmp1:
0xa0: {  	_ =	swait.ge [sflag:s8], $0x8000;
	(pc) =	sbr.rel @!p1 .LBB2_3-.Ltmp1, $4  }
0xa1: {  	[sflag:s8] =	ssyncset.done $0x0  }
0xa2: {  	[sflag:s8] =	ssyncadd.s32 $0xFFFF8000  }
0xa3: {  	s1 =	sadd.s32 $0xFFFFFFFF, s1;
	_ =	swait.ge [sflag:s4], $0x8000  }
0xa4: {  	p0 =	por $0x1, $0x1;
	s0 =	rddreg [dreg:$0x2];
	[sflag:s4] =	ssyncset.done $0x0  }
.LBB2_2:
0xa5: {  	[sflag:s4] =	ssyncadd.s32 $0xFFFF8000  }
0xa6: {  	[tilespmem:s2], [sflag:$0x5] =	stream.linear.gather [hbm4b:s0+s2], $0x800, $0x38;
	[tilespmem:$0x10800] =	vst v63  }
0xa7: {  	_ =	swait.ge [sflag:s30], $0x800  }
0xa8: {  	[sflag:s30] =	ssyncset.done $0x0  }
0xa9: {  	[sflag:s30] =	ssyncadd.s32 $0xFFFFF800  }
0xaa: {  	[tilespmem:s9], [sflag:$0x1] =	stream.indirect.gather [hbm4b:s3+s4], $0x2000, s2, s4, $0xb8;
	[tilespmem:$0x10800] =	vst v63  }
0xab: {  	_ = 	snop  }
0xac: {  	[tilespmem:s7], [sflag:$0x2] =	stream.indirect.gather [hbm4b:s3+s4], $0x2000, s31, s4, $0xb8;
	[tilespmem:$0x10800] =	vst v63  }
0xad: {  	_ =	swait.ge [sflag:s11], $0x8000  }
0xae: {  	[sflag:s11] =	ssyncset.done $0x0  }
0xaf: {  	s0 =	rddreg [dreg:$0x3];
	[sflag:s11] =	ssyncadd.s32 $0xFFFF8000  }
0xb0: {  	[hbm4b:s0+s2] =	stream.linear.scatter [tilespmem:s9], [sflag:$0x3], $0x8000, $0x38;
	[tilespmem:$0x10800] =	vst v63  }
0xb1: {  	_ =	swait.ge [sflag:s10], $0x8000  }
0xb2: {  	[sflag:s10] =	ssyncset.done $0x0  }
0xb3: {  	s0 =	rddreg [dreg:$0x4];
	[sflag:s10] =	ssyncadd.s32 $0xFFFF8000  }
0xb4: {  	[hbm4b:s0+s2] =	stream.linear.scatter [tilespmem:s7], [sflag:$0x4], $0x8000, $0x38;
	[tilespmem:$0x10800] =	vst v63  }
0xb5: {  	_ =	swait.ge [sflag:s8], $0x8000  }
0xb6: {  	[sflag:s8] =	ssyncset.done $0x0  }
0xb7: {  	[sflag:s8] =	ssyncadd.s32 $0xFFFF8000  }
0xb8: {  	_ =	swait.ge [sflag:s4], $0x8000  }
0xb9: {  	[sflag:s4] =	ssyncset.done $0x0  }
0xba: {  	[sflag:s4] =	ssyncadd.s32 $0xFFFF8000  }
0xbb: {  	[tilespmem:s9], [sflag:$0x1] =	stream.indirect.gather [hbm4b:s3+s4], $0x2000, s28, s4, $0xb8;
	[tilespmem:$0x10800] =	vst v63  }
0xbc: {  	_ = 	snop  }
0xbd: {  	[tilespmem:s7], [sflag:$0x2] =	stream.indirect.gather [hbm4b:s3+s4], $0x2000, s29, s4, $0xb8;
	[tilespmem:$0x10800] =	vst v63  }
0xbe: {  	_ =	swait.ge [sflag:s11], $0x8000  }
0xbf: {  	[sflag:s11] =	ssyncset.done $0x0  }
0xc0: {  	s0 =	rddreg [dreg:$0x5];
	[sflag:s11] =	ssyncadd.s32 $0xFFFF8000  }
0xc1: {  	[hbm4b:s0+s2] =	stream.linear.scatter [tilespmem:s9], [sflag:$0x3], $0x8000, $0x38;
	[tilespmem:$0x10800] =	vst v63  }
0xc2: {  	_ =	swait.ge [sflag:s10], $0x8000  }
0xc3: {  	[sflag:s10] =	ssyncset.done $0x0  }
0xc4: {  	s0 =	rddreg [dreg:$0x6];
	[sflag:s10] =	ssyncadd.s32 $0xFFFF8000  }
0xc5: {  	[hbm4b:s0+s2] =	stream.linear.scatter [tilespmem:s7], [sflag:$0x4], $0x8000, $0x38;
	[tilespmem:$0x10800] =	vst v63  }
0xc6: {  	_ =	swait.ge [sflag:s8], $0x8000  }
0xc7: {  	[sflag:s8] =	ssyncset.done $0x0  }
0xc8: {  	[sflag:s8] =	ssyncadd.s32 $0xFFFF8000  }
0xc9: {  	_ =	swait.ge [sflag:s4], $0x8000  }
0xca: {  	[sflag:s4] =	ssyncset.done $0x0  }
0xcb: {  	[sflag:s4] =	ssyncadd.s32 $0xFFFF8000  }
0xcc: {  	[tilespmem:s9], [sflag:$0x1] =	stream.indirect.gather [hbm4b:s3+s4], $0x2000, s25, s4, $0xb8;
	[tilespmem:$0x10800] =	vst v63  }
0xcd: {  	_ = 	snop  }
0xce: {  	[tilespmem:s7], [sflag:$0x2] =	stream.indirect.gather [hbm4b:s3+s4], $0x2000, s26, s4, $0xb8;
	[tilespmem:$0x10800] =	vst v63  }
0xcf: {  	_ =	swait.ge [sflag:s11], $0x8000  }
0xd0: {  	[sflag:s11] =	ssyncset.done $0x0  }
0xd1: {  	s0 =	rddreg [dreg:$0x7];
	[sflag:s11] =	ssyncadd.s32 $0xFFFF8000  }
0xd2: {  	[hbm4b:s0+s2] =	stream.linear.scatter [tilespmem:s9], [sflag:$0x3], $0x8000, $0x38;
	[tilespmem:$0x10800] =	vst v63  }
0xd3: {  	_ =	swait.ge [sflag:s10], $0x8000  }
0xd4: {  	[sflag:s10] =	ssyncset.done $0x0  }
0xd5: {  	s0 =	rddreg [dreg:$0x8];
	[sflag:s10] =	ssyncadd.s32 $0xFFFF8000  }
0xd6: {  	[hbm4b:s0+s2] =	stream.linear.scatter [tilespmem:s7], [sflag:$0x4], $0x8000, $0x38;
	[tilespmem:$0x10800] =	vst v63  }
0xd7: {  	_ =	swait.ge [sflag:s8], $0x8000  }
0xd8: {  	[sflag:s8] =	ssyncset.done $0x0  }
0xd9: {  	[sflag:s8] =	ssyncadd.s32 $0xFFFF8000  }
0xda: {  	_ =	swait.ge [sflag:s4], $0x8000  }
0xdb: {  	[sflag:s4] =	ssyncset.done $0x0  }
0xdc: {  	[sflag:s4] =	ssyncadd.s32 $0xFFFF8000  }
0xdd: {  	[tilespmem:s9], [sflag:$0x1] =	stream.indirect.gather [hbm4b:s3+s4], $0x2000, s23, s4, $0xb8;
	[tilespmem:$0x10800] =	vst v63  }
0xde: {  	_ = 	snop  }
0xdf: {  	[tilespmem:s7], [sflag:$0x2] =	stream.indirect.gather [hbm4b:s3+s4], $0x2000, s24, s4, $0xb8;
	[tilespmem:$0x10800] =	vst v63  }
0xe0: {  	_ =	swait.ge [sflag:s11], $0x8000  }
0xe1: {  	[sflag:s11] =	ssyncset.done $0x0  }
0xe2: {  	s0 =	rddreg [dreg:$0x9];
	[sflag:s11] =	ssyncadd.s32 $0xFFFF8000  }
0xe3: {  	[hbm4b:s0+s2] =	stream.linear.scatter [tilespmem:s9], [sflag:$0x3], $0x8000, $0x38;
	[tilespmem:$0x10800] =	vst v63  }
0xe4: {  	_ =	swait.ge [sflag:s10], $0x8000  }
0xe5: {  	[sflag:s10] =	ssyncset.done $0x0  }
0xe6: {  	s0 =	rddreg [dreg:$0xa];
	[sflag:s10] =	ssyncadd.s32 $0xFFFF8000  }
0xe7: {  	[hbm4b:s0+s2] =	stream.linear.scatter [tilespmem:s7], [sflag:$0x4], $0x8000, $0x38;
	[tilespmem:$0x10800] =	vst v63  }
0xe8: {  	_ =	swait.ge [sflag:s8], $0x8000  }
0xe9: {  	[sflag:s8] =	ssyncset.done $0x0  }
0xea: {  	[sflag:s8] =	ssyncadd.s32 $0xFFFF8000  }
0xeb: {  	_ =	swait.ge [sflag:s4], $0x8000  }
0xec: {  	[sflag:s4] =	ssyncset.done $0x0  }
0xed: {  	[sflag:s4] =	ssyncadd.s32 $0xFFFF8000  }
0xee: {  	[tilespmem:s9], [sflag:$0x1] =	stream.indirect.gather [hbm4b:s3+s4], $0x2000, s21, s4, $0xb8;
	[tilespmem:$0x10800] =	vst v63  }
0xef: {  	_ = 	snop  }
0xf0: {  	[tilespmem:s7], [sflag:$0x2] =	stream.indirect.gather [hbm4b:s3+s4], $0x2000, s22, s4, $0xb8;
	[tilespmem:$0x10800] =	vst v63  }
0xf1: {  	_ =	swait.ge [sflag:s11], $0x8000  }
0xf2: {  	[sflag:s11] =	ssyncset.done $0x0  }
0xf3: {  	s0 =	rddreg [dreg:$0xb];
	[sflag:s11] =	ssyncadd.s32 $0xFFFF8000  }
0xf4: {  	[hbm4b:s0+s2] =	stream.linear.scatter [tilespmem:s9], [sflag:$0x3], $0x8000, $0x38;
	[tilespmem:$0x10800] =	vst v63  }
0xf5: {  	_ =	swait.ge [sflag:s10], $0x8000  }
0xf6: {  	[sflag:s10] =	ssyncset.done $0x0  }
0xf7: {  	s0 =	rddreg [dreg:$0xc];
	[sflag:s10] =	ssyncadd.s32 $0xFFFF8000  }
0xf8: {  	[hbm4b:s0+s2] =	stream.linear.scatter [tilespmem:s7], [sflag:$0x4], $0x8000, $0x38;
	[tilespmem:$0x10800] =	vst v63  }
0xf9: {  	_ =	swait.ge [sflag:s8], $0x8000  }
0xfa: {  	[sflag:s8] =	ssyncset.done $0x0  }
0xfb: {  	[sflag:s8] =	ssyncadd.s32 $0xFFFF8000  }
0xfc: {  	_ =	swait.ge [sflag:s4], $0x8000  }
0xfd: {  	[sflag:s4] =	ssyncset.done $0x0  }
0xfe: {  	[sflag:s4] =	ssyncadd.s32 $0xFFFF8000  }
0xff: {  	[tilespmem:s9], [sflag:$0x1] =	stream.indirect.gather [hbm4b:s3+s4], $0x2000, s19, s4, $0xb8;
	[tilespmem:$0x10800] =	vst v63  }
0x100: {  	_ = 	snop  }
0x101: {  	[tilespmem:s7], [sflag:$0x2] =	stream.indirect.gather [hbm4b:s3+s4], $0x2000, s20, s4, $0xb8;
	[tilespmem:$0x10800] =	vst v63  }
0x102: {  	_ =	swait.ge [sflag:s11], $0x8000  }
0x103: {  	[sflag:s11] =	ssyncset.done $0x0  }
0x104: {  	s0 =	rddreg [dreg:$0xd];
	[sflag:s11] =	ssyncadd.s32 $0xFFFF8000  }
0x105: {  	[hbm4b:s0+s2] =	stream.linear.scatter [tilespmem:s9], [sflag:$0x3], $0x8000, $0x38;
	[tilespmem:$0x10800] =	vst v63  }
0x106: {  	_ =	swait.ge [sflag:s10], $0x8000  }
0x107: {  	[sflag:s10] =	ssyncset.done $0x0  }
0x108: {  	[sflag:s10] =	ssyncadd.s32 $0xFFFF8000  }
0x109: {  	[hbm4b:s14+s2] =	stream.linear.scatter [tilespmem:s7], [sflag:$0x4], $0x8000, $0x38;
	[tilespmem:$0x10800] =	vst v63  }
0x10a: {  	_ =	swait.ge [sflag:s8], $0x8000  }
0x10b: {  	[sflag:s8] =	ssyncset.done $0x0  }
0x10c: {  	[sflag:s8] =	ssyncadd.s32 $0xFFFF8000  }
0x10d: {  	_ =	swait.ge [sflag:s4], $0x8000  }
0x10e: {  	[sflag:s4] =	ssyncset.done $0x0  }
0x10f: {  	[sflag:s4] =	ssyncadd.s32 $0xFFFF8000  }
0x110: {  	[tilespmem:s9], [sflag:$0x1] =	stream.indirect.gather [hbm4b:s3+s4], $0x2000, s17, s4, $0xb8;
	[tilespmem:$0x10800] =	vst v63  }
0x111: {  	_ = 	snop  }
0x112: {  	[tilespmem:s7], [sflag:$0x2] =	stream.indirect.gather [hbm4b:s3+s4], $0x2000, s18, s4, $0xb8;
	[tilespmem:$0x10800] =	vst v63  }
0x113: {  	_ =	swait.ge [sflag:s11], $0x8000  }
0x114: {  	[sflag:s11] =	ssyncset.done $0x0  }
0x115: {  	[sflag:s11] =	ssyncadd.s32 $0xFFFF8000  }
0x116: {  	[hbm4b:s13+s2] =	stream.linear.scatter [tilespmem:s9], [sflag:$0x3], $0x8000, $0x38;
	[tilespmem:$0x10800] =	vst v63  }
0x117: {  	_ =	swait.ge [sflag:s10], $0x8000  }
0x118: {  	[sflag:s10] =	ssyncset.done $0x0  }
0x119: {  	[sflag:s10] =	ssyncadd.s32 $0xFFFF8000  }
0x11a: {  	[hbm4b:s12+s2] =	stream.linear.scatter [tilespmem:s7], [sflag:$0x4], $0x8000, $0x38;
	[tilespmem:$0x10800] =	vst v63  }
0x11b: {  	_ =	swait.ge [sflag:s8], $0x8000  }
0x11c: {  	[sflag:s8] =	ssyncset.done $0x0  }
0x11d: {  	[sflag:s8] =	ssyncadd.s32 $0xFFFF8000  }
0x11e: {  	_ =	swait.ge [sflag:s4], $0x8000  }
0x11f: {  	[sflag:s4] =	ssyncset.done $0x0  }
0x120: {  	[sflag:s4] =	ssyncadd.s32 $0xFFFF8000  }
0x121: {  	[tilespmem:s9], [sflag:$0x1] =	stream.indirect.gather [hbm4b:s3+s4], $0x2000, s15, s4, $0xb8;
	[tilespmem:$0x10800] =	vst v63  }
0x122: {  	_ = 	snop  }
0x123: {  	[tilespmem:s7], [sflag:$0x2] =	stream.indirect.gather [hbm4b:s3+s4], $0x2000, s16, s4, $0xb8;
	[tilespmem:$0x10800] =	vst v63  }
0x124: {  	_ =	swait.ge [sflag:s11], $0x8000  }
0x125: {  	[sflag:s11] =	ssyncset.done $0x0  }
0x126: {  	[sflag:s11] =	ssyncadd.s32 $0xFFFF8000  }
0x127: {  	[hbm4b:s6+s2] =	stream.linear.scatter [tilespmem:s9], [sflag:$0x3], $0x8000, $0x38;
	[tilespmem:$0x10800] =	vst v63  }
0x128: {  	_ =	swait.ge [sflag:s10], $0x8000  }
0x129: {  	[sflag:s10] =	ssyncset.done $0x0  }
0x12a: {  	p1 =	sne.s32 s1, $0x1;
	[sflag:s10] =	ssyncadd.s32 $0xFFFF8000  }
0x12b: {  	[hbm4b:s5+s2] =	stream.linear.scatter [tilespmem:s7], [sflag:$0x4], $0x8000, $0x38;
	[tilespmem:$0x10800] =	vst v63  }
.Ltmp2:
0x12c: {  	_ =	swait.ge [sflag:s8], $0x8000;
	(pc) =	sbr.rel @p1 .LBB2_2-.Ltmp2, $4  }
0x12d: {  	[sflag:s8] =	ssyncset.done $0x0  }
0x12e: {  	[sflag:s8] =	ssyncadd.s32 $0xFFFF8000  }
0x12f: {  	_ =	swait.ge [sflag:s4], $0x8000  }
0x130: {  	s1 =	sadd.s32 $0xFFFFFFFF, s1;
	s0 =	rddreg [dreg:$0x2];
	[sflag:s4] =	ssyncset.done $0x0  }
.LBB2_3:
0x131: {  	[sflag:s4] =	ssyncadd.s32 @p0 $0xFFFF8000  }
0x132: {  	[tilespmem:s2], [sflag:$0x5] =	stream.linear.gather [hbm4b:s0+s2], $0x800, $0x38;
	[tilespmem:$0x10800] =	vst v63  }
0x133: {  	_ =	swait.ge [sflag:s30], $0x800  }
0x134: {  	[sflag:s30] =	ssyncset.done $0x0  }
0x135: {  	[sflag:s30] =	ssyncadd.s32 $0xFFFFF800  }
0x136: {  	[tilespmem:s9], [sflag:$0x1] =	stream.indirect.gather [hbm4b:s3+s4], $0x2000, s2, s4, $0xb8;
	[tilespmem:$0x10800] =	vst v63  }
0x137: {  	_ = 	snop  }
0x138: {  	[tilespmem:s7], [sflag:$0x2] =	stream.indirect.gather [hbm4b:s3+s4], $0x2000, s31, s4, $0xb8;
	[tilespmem:$0x10800] =	vst v63  }
0x139: {  	_ =	swait.ge [sflag:s11], $0x8000  }
0x13a: {  	[sflag:s11] =	ssyncset.done $0x0  }
0x13b: {  	s31 =	rddreg [dreg:$0x3];
	[sflag:s11] =	ssyncadd.s32 $0xFFFF8000  }
0x13c: {  	[hbm4b:s31+s2] =	stream.linear.scatter [tilespmem:s9], [sflag:$0x3], $0x8000, $0x38;
	[tilespmem:$0x10800] =	vst v63  }
0x13d: {  	_ =	swait.ge [sflag:s10], $0x8000  }
0x13e: {  	[sflag:s10] =	ssyncset.done $0x0  }
0x13f: {  	s1 =	rddreg [dreg:$0x4];
	[sflag:s10] =	ssyncadd.s32 $0xFFFF8000  }
0x140: {  	[hbm4b:s1+s2] =	stream.linear.scatter [tilespmem:s7], [sflag:$0x4], $0x8000, $0x38;
	[tilespmem:$0x10800] =	vst v63  }
0x141: {  	_ =	swait.ge [sflag:s8], $0x8000  }
0x142: {  	[sflag:s8] =	ssyncset.done $0x0  }
0x143: {  	[sflag:s8] =	ssyncadd.s32 $0xFFFF8000  }
0x144: {  	_ =	swait.ge [sflag:s4], $0x8000  }
0x145: {  	[sflag:s4] =	ssyncset.done $0x0  }
0x146: {  	[sflag:s4] =	ssyncadd.s32 $0xFFFF8000  }
0x147: {  	[tilespmem:s9], [sflag:$0x1] =	stream.indirect.gather [hbm4b:s3+s4], $0x2000, s28, s4, $0xb8;
	[tilespmem:$0x10800] =	vst v63  }
0x148: {  	_ = 	snop  }
0x149: {  	[tilespmem:s7], [sflag:$0x2] =	stream.indirect.gather [hbm4b:s3+s4], $0x2000, s29, s4, $0xb8;
	[tilespmem:$0x10800] =	vst v63  }
0x14a: {  	_ =	swait.ge [sflag:s11], $0x8000  }
0x14b: {  	[sflag:s11] =	ssyncset.done $0x0  }
0x14c: {  	s29 =	rddreg [dreg:$0x5];
	[sflag:s11] =	ssyncadd.s32 $0xFFFF8000  }
0x14d: {  	[hbm4b:s29+s2] =	stream.linear.scatter [tilespmem:s9], [sflag:$0x3], $0x8000, $0x38;
	[tilespmem:$0x10800] =	vst v63  }
0x14e: {  	_ =	swait.ge [sflag:s10], $0x8000  }
0x14f: {  	[sflag:s10] =	ssyncset.done $0x0  }
0x150: {  	s30 =	rddreg [dreg:$0x6];
	[sflag:s10] =	ssyncadd.s32 $0xFFFF8000  }
0x151: {  	[hbm4b:s30+s2] =	stream.linear.scatter [tilespmem:s7], [sflag:$0x4], $0x8000, $0x38;
	[tilespmem:$0x10800] =	vst v63  }
0x152: {  	_ =	swait.ge [sflag:s8], $0x8000  }
0x153: {  	[sflag:s8] =	ssyncset.done $0x0  }
0x154: {  	[sflag:s8] =	ssyncadd.s32 $0xFFFF8000  }
0x155: {  	_ =	swait.ge [sflag:s4], $0x8000  }
0x156: {  	[sflag:s4] =	ssyncset.done $0x0  }
0x157: {  	[sflag:s4] =	ssyncadd.s32 $0xFFFF8000  }
0x158: {  	[tilespmem:s9], [sflag:$0x1] =	stream.indirect.gather [hbm4b:s3+s4], $0x2000, s25, s4, $0xb8;
	[tilespmem:$0x10800] =	vst v63  }
0x159: {  	_ = 	snop  }
0x15a: {  	[tilespmem:s7], [sflag:$0x2] =	stream.indirect.gather [hbm4b:s3+s4], $0x2000, s26, s4, $0xb8;
	[tilespmem:$0x10800] =	vst v63  }
0x15b: {  	_ =	swait.ge [sflag:s11], $0x8000  }
0x15c: {  	[sflag:s11] =	ssyncset.done $0x0  }
0x15d: {  	s31 =	rddreg [dreg:$0x7];
	[sflag:s11] =	ssyncadd.s32 $0xFFFF8000  }
0x15e: {  	[hbm4b:s31+s2] =	stream.linear.scatter [tilespmem:s9], [sflag:$0x3], $0x8000, $0x38;
	[tilespmem:$0x10800] =	vst v63  }
0x15f: {  	_ =	swait.ge [sflag:s10], $0x8000  }
0x160: {  	[sflag:s10] =	ssyncset.done $0x0  }
0x161: {  	s1 =	rddreg [dreg:$0x8];
	[sflag:s10] =	ssyncadd.s32 $0xFFFF8000  }
0x162: {  	[hbm4b:s1+s2] =	stream.linear.scatter [tilespmem:s7], [sflag:$0x4], $0x8000, $0x38;
	[tilespmem:$0x10800] =	vst v63  }
0x163: {  	_ =	swait.ge [sflag:s8], $0x8000  }
0x164: {  	[sflag:s8] =	ssyncset.done $0x0  }
0x165: {  	[sflag:s8] =	ssyncadd.s32 $0xFFFF8000  }
0x166: {  	_ =	swait.ge [sflag:s4], $0x8000  }
0x167: {  	[sflag:s4] =	ssyncset.done $0x0  }
0x168: {  	[sflag:s4] =	ssyncadd.s32 $0xFFFF8000  }
0x169: {  	[tilespmem:s9], [sflag:$0x1] =	stream.indirect.gather [hbm4b:s3+s4], $0x2000, s23, s4, $0xb8;
	[tilespmem:$0x10800] =	vst v63  }
0x16a: {  	_ = 	snop  }
0x16b: {  	[tilespmem:s7], [sflag:$0x2] =	stream.indirect.gather [hbm4b:s3+s4], $0x2000, s24, s4, $0xb8;
	[tilespmem:$0x10800] =	vst v63  }
0x16c: {  	_ =	swait.ge [sflag:s11], $0x8000  }
0x16d: {  	[sflag:s11] =	ssyncset.done $0x0  }
0x16e: {  	s25 =	rddreg [dreg:$0x9];
	[sflag:s11] =	ssyncadd.s32 $0xFFFF8000  }
0x16f: {  	[hbm4b:s25+s2] =	stream.linear.scatter [tilespmem:s9], [sflag:$0x3], $0x8000, $0x38;
	[tilespmem:$0x10800] =	vst v63  }
0x170: {  	_ =	swait.ge [sflag:s10], $0x8000  }
0x171: {  	[sflag:s10] =	ssyncset.done $0x0  }
0x172: {  	s26 =	rddreg [dreg:$0xa];
	[sflag:s10] =	ssyncadd.s32 $0xFFFF8000  }
0x173: {  	[hbm4b:s26+s2] =	stream.linear.scatter [tilespmem:s7], [sflag:$0x4], $0x8000, $0x38;
	[tilespmem:$0x10800] =	vst v63  }
0x174: {  	_ =	swait.ge [sflag:s8], $0x8000  }
0x175: {  	[sflag:s8] =	ssyncset.done $0x0  }
0x176: {  	[sflag:s8] =	ssyncadd.s32 $0xFFFF8000  }
0x177: {  	_ =	swait.ge [sflag:s4], $0x8000  }
0x178: {  	[sflag:s4] =	ssyncset.done $0x0  }
0x179: {  	[sflag:s4] =	ssyncadd.s32 $0xFFFF8000  }
0x17a: {  	[tilespmem:s9], [sflag:$0x1] =	stream.indirect.gather [hbm4b:s3+s4], $0x2000, s21, s4, $0xb8;
	[tilespmem:$0x10800] =	vst v63  }
0x17b: {  	_ = 	snop  }
0x17c: {  	[tilespmem:s7], [sflag:$0x2] =	stream.indirect.gather [hbm4b:s3+s4], $0x2000, s22, s4, $0xb8;
	[tilespmem:$0x10800] =	vst v63  }
0x17d: {  	_ =	swait.ge [sflag:s11], $0x8000  }
0x17e: {  	[sflag:s11] =	ssyncset.done $0x0  }
0x17f: {  	s28 =	rddreg [dreg:$0xb];
	[sflag:s11] =	ssyncadd.s32 $0xFFFF8000  }
0x180: {  	[hbm4b:s28+s2] =	stream.linear.scatter [tilespmem:s9], [sflag:$0x3], $0x8000, $0x38;
	[tilespmem:$0x10800] =	vst v63  }
0x181: {  	_ =	swait.ge [sflag:s10], $0x8000  }
0x182: {  	[sflag:s10] =	ssyncset.done $0x0  }
0x183: {  	s29 =	rddreg [dreg:$0xc];
	[sflag:s10] =	ssyncadd.s32 $0xFFFF8000  }
0x184: {  	[hbm4b:s29+s2] =	stream.linear.scatter [tilespmem:s7], [sflag:$0x4], $0x8000, $0x38;
	[tilespmem:$0x10800] =	vst v63  }
0x185: {  	_ =	swait.ge [sflag:s8], $0x8000  }
0x186: {  	[sflag:s8] =	ssyncset.done $0x0  }
0x187: {  	[sflag:s8] =	ssyncadd.s32 $0xFFFF8000  }
0x188: {  	_ =	swait.ge [sflag:s4], $0x8000  }
0x189: {  	[sflag:s4] =	ssyncset.done $0x0  }
0x18a: {  	[sflag:s4] =	ssyncadd.s32 $0xFFFF8000  }
0x18b: {  	[tilespmem:s9], [sflag:$0x1] =	stream.indirect.gather [hbm4b:s3+s4], $0x2000, s19, s4, $0xb8;
	[tilespmem:$0x10800] =	vst v63  }
0x18c: {  	_ = 	snop  }
0x18d: {  	[tilespmem:s7], [sflag:$0x2] =	stream.indirect.gather [hbm4b:s3+s4], $0x2000, s20, s4, $0xb8;
	[tilespmem:$0x10800] =	vst v63  }
0x18e: {  	_ =	swait.ge [sflag:s11], $0x8000  }
0x18f: {  	[sflag:s11] =	ssyncset.done $0x0  }
0x190: {  	s30 =	rddreg [dreg:$0xd];
	[sflag:s11] =	ssyncadd.s32 $0xFFFF8000  }
0x191: {  	[hbm4b:s30+s2] =	stream.linear.scatter [tilespmem:s9], [sflag:$0x3], $0x8000, $0x38;
	[tilespmem:$0x10800] =	vst v63  }
0x192: {  	_ =	swait.ge [sflag:s10], $0x8000  }
0x193: {  	[sflag:s10] =	ssyncset.done $0x0  }
0x194: {  	[sflag:s10] =	ssyncadd.s32 $0xFFFF8000  }
0x195: {  	[hbm4b:s14+s2] =	stream.linear.scatter [tilespmem:s7], [sflag:$0x4], $0x8000, $0x38;
	[tilespmem:$0x10800] =	vst v63  }
0x196: {  	_ =	swait.ge [sflag:s8], $0x8000  }
0x197: {  	[sflag:s8] =	ssyncset.done $0x0  }
0x198: {  	[sflag:s8] =	ssyncadd.s32 $0xFFFF8000  }
0x199: {  	_ =	swait.ge [sflag:s4], $0x8000  }
0x19a: {  	[sflag:s4] =	ssyncset.done $0x0  }
0x19b: {  	[sflag:s4] =	ssyncadd.s32 $0xFFFF8000  }
0x19c: {  	[tilespmem:s9], [sflag:$0x1] =	stream.indirect.gather [hbm4b:s3+s4], $0x2000, s17, s4, $0xb8;
	[tilespmem:$0x10800] =	vst v63  }
0x19d: {  	_ = 	snop  }
0x19e: {  	[tilespmem:s7], [sflag:$0x2] =	stream.indirect.gather [hbm4b:s3+s4], $0x2000, s18, s4, $0xb8;
	[tilespmem:$0x10800] =	vst v63  }
0x19f: {  	_ =	swait.ge [sflag:s11], $0x8000  }
0x1a0: {  	[sflag:s11] =	ssyncset.done $0x0  }
0x1a1: {  	[sflag:s11] =	ssyncadd.s32 $0xFFFF8000  }
0x1a2: {  	[hbm4b:s13+s2] =	stream.linear.scatter [tilespmem:s9], [sflag:$0x3], $0x8000, $0x38;
	[tilespmem:$0x10800] =	vst v63  }
0x1a3: {  	_ =	swait.ge [sflag:s10], $0x8000  }
0x1a4: {  	[sflag:s10] =	ssyncset.done $0x0  }
0x1a5: {  	[sflag:s10] =	ssyncadd.s32 $0xFFFF8000  }
0x1a6: {  	[hbm4b:s12+s2] =	stream.linear.scatter [tilespmem:s7], [sflag:$0x4], $0x8000, $0x38;
	[tilespmem:$0x10800] =	vst v63  }
0x1a7: {  	_ =	swait.ge [sflag:s8], $0x8000  }
0x1a8: {  	[sflag:s8] =	ssyncset.done $0x0  }
0x1a9: {  	[sflag:s8] =	ssyncadd.s32 $0xFFFF8000  }
0x1aa: {  	_ =	swait.ge [sflag:s4], $0x8000  }
0x1ab: {  	[sflag:s4] =	ssyncset.done $0x0  }
0x1ac: {  	[sflag:s4] =	ssyncadd.s32 $0xFFFF8000  }
0x1ad: {  	[tilespmem:s9], [sflag:$0x1] =	stream.indirect.gather [hbm4b:s3+s4], $0x2000, s15, s4, $0xb8;
	[tilespmem:$0x10800] =	vst v63  }
0x1ae: {  	_ = 	snop  }
0x1af: {  	[tilespmem:s7], [sflag:$0x2] =	stream.indirect.gather [hbm4b:s3+s4], $0x2000, s16, s4, $0xb8;
	[tilespmem:$0x10800] =	vst v63  }
0x1b0: {  	_ =	swait.ge [sflag:s11], $0x8000  }
0x1b1: {  	[sflag:s11] =	ssyncset.done $0x0  }
0x1b2: {  	[sflag:s11] =	ssyncadd.s32 $0xFFFF8000  }
0x1b3: {  	[hbm4b:s6+s2] =	stream.linear.scatter [tilespmem:s9], [sflag:$0x3], $0x8000, $0x38;
	[tilespmem:$0x10800] =	vst v63  }
0x1b4: {  	_ =	swait.ge [sflag:s10], $0x8000  }
0x1b5: {  	[sflag:s10] =	ssyncset.done $0x0  }
0x1b6: {  	[sflag:s10] =	ssyncadd.s32 $0xFFFF8000  }
0x1b7: {  	[hbm4b:s5+s2] =	stream.linear.scatter [tilespmem:s7], [sflag:$0x4], $0x8000, $0x38;
	[tilespmem:$0x10800] =	vst v63  }
0x1b8: {  	_ =	swait.ge [sflag:s8], $0x8000  }
0x1b9: {  	[sflag:s8] =	ssyncset.done $0x0  }
0x1ba: {  	[sflag:s8] =	ssyncadd.s32 $0xFFFF8000  }
0x1bb: {  	_ =	swait.ge [sflag:s4], $0x8000  }
0x1bc: {  	[sflag:s4] =	ssyncset.done $0x0  }
0x1bd: {  	[sflag:s4] =	ssyncadd.s32 $0xFFFF8000  }
0x1be: {  	_ =	sfence.sel $0x180000  }
0x1bf: {  	[bflag:$0x0] =	sbarrier.arrive $0xFFFF  }
0x1c0: {  	_ =	strace $0x9000004A  }
0x1c1: {  	s31 =	stileid.u32;
	[bflag:$0x2] =	sbarrier.arrive $0xFFFF  }
0x1c2: {  	p0 =	sne.s32 s31, $0x0;
	s0 =	rddreg [dreg:$0x1]  }
0x1c3: {  	s0 =	sadd.s32 @!p0 $0x100000, s0  }
0x1c4: {  	[sflag:s0] =	ssyncadd.tile.s32 @!p0 $0x1;
	_ =	shalt  }
.Lfunc_end2:
_tile_overlayer_lowered:
.L_overlay_start_2:
0x1c5: {  	(tag) =	ssettag $0x2  }
0x1c6: {  	s0 =	rddreg [dreg:$0x0];
	s2 =	stileid.u32  }
0x1c7: {  	s1 =	rddreg [dreg:$0x1];
	p0 =	sne.s32 s2, $0x0  }
0x1c8: {  	s3 =	rddreg [dreg:$0x2];
	[bflag:$0x3] =	sbarrier.arrive $0xFFFF;
	s2 =	simm.s32 @!p0 $0x1C05  }
0x1c9: {  	[timem:s3], [sflag:s2] =	dma.local @!p0 [hbm:s0], s1  }
0x1ca: {  	s0 =	simm.s32 @!p0 $0x5  }
0x1cb: {  	_ =	swait.ge @!p0 [sflag:s0], s1  }
0x1cc: {  	s1 =	ssub.s32 @!p0 $0x0, s1;
	[sflag:s0] =	ssyncset.done @!p0 $0x0  }
0x1cd: {  	[sflag:s0] =	ssyncadd.s32 @!p0 s1  }
0x1ce: {  	[bflag:$0x3] =	sbarrier.arrive $0xFFFF  }
0x1cf: {  	_ =	shalt  }

// kernel: kernel.17.cloned.1.call-start
scs
__scs_entry_jumppad:
0x0: {  	(pc) =	sbr.rel $0x88, $3  }
0x1: {  	(tag) =	ssettag $0x0;
	lr =	simm.s32 $0x1  }
0x2: {  	[smem:$0x3F9F] =	sst lr;
	_ =	strace $0xD0000000  }
0x3: {  	_ = 	snop  }
0x4: {  	_ = 	snop  }
0x5: {  	_ = 	snop  }
0x6: {  	_ = 	snop  }
0x7: {  	_ = 	snop  }
__scs_overlays_trampoline_lowered:
0x8: {  	[smem:$0x3FAE] =	sst s0  }
0x9: {  	[smem:$0x3FAF] =	sst s1  }
0xa: {  	[smem:$0x3FB0] =	sst s2  }
0xb: {  	[smem:$0x3FB1] =	sst s3  }
0xc: {  	[smem:$0x3FB2] =	sst s4  }
0xd: {  	[smem:$0x3FB3] =	sst s5  }
0xe: {  	[smem:$0x3FB4] =	sst s6  }
0xf: {  	[smem:$0x3FB5] =	sst s7  }
0x10: {  	[smem:$0x3FB6] =	sst s8  }
0x11: {  	[smem:$0x3FB7] =	sst s9;
	s0 =	simm.s32 @!p0 $0x0  }
0x12: {  	s1 =	sld [smem:$0x3F9D];
	s0 =	simm.s32 @p0 $0x1  }
0x13: {  	[smem:$0x3FB8] =	sst s0;
	s0 =	simm.s32 @!p1 $0x0  }
0x14: {  	s2 =	sld [smem:$0x3F9C];
	s0 =	simm.s32 @p1 $0x1  }
0x15: {  	[smem:$0x3FB9] =	sst s0;
	s0 =	simm.s32 @!p2 $0x0  }
0x16: {  	s3 =	sld [smem:$0x3FDB];
	s0 =	simm.s32 @p2 $0x1  }
0x17: {  	s4 =	simm.s32 $0x1BF5;
	[smem:$0x3FBB] =	sst s0  }
0x18: {  	s0 =	sld [smem:$0x3F9E];
	_ =	swait.ge [sflag:s4], $0x0  }
0x19: {  	s7 =	sld [smem:$0x3F9F]  }
0x1a: {  	s8 =	sadd.s32 $0xFFFFE003, lr  }
0x1b: {  	s9 =	sadd.s32 $0xFFFFFEF7, lr;
	s5 =	simm.s32 $0xFFFFFFFF;
	p2 =	slt.u32 s8, $0xFFFFF086  }
0x1c: {  	p1 =	slt.u32 s9, $0xF7A;
	s5 =	simm.s32 @!p2 $0x0  }
0x1d: {  	s5 =	simm.s32 @p1 $0x1;
	p0 =	seq.s32 s7, s2  }
0x1e: {  	s7 =	smul.u32 @!p0 $0xF7A, s2;
	p2 =	seq.s32 @!p0 s5, $0x0  }
0x1f: {  	s9 =	smul.u32 $0xF7A, s1;
	s8 =	simm.s32 @!p0 $0x1BF5;
	p2 =	por !p2, p0  }
0x20: {  	[sflag:s8] =	ssyncset.s32 @!p0 $0xFFFFF086;
	s6 =	sadd.s32 @!p0 s3, s7;
	s7 =	simm.s32 @!p0 $0x108  }
0x21: {  	s3 =	sadd.s32 s3, s9;
	s6 =	sadd.s32 @!p0 $0x88, s6;
	s7 =	simm.s32 @p2 $0x1082  }
0x22: {  	[simem:s7], [sflag:s8] =	dma.local @!p0 [hbm:s6], $0xF7A  }
0x23: {  	s9 =	sor.u32 $0xD0000000, s2;
	s6 =	simm.s32 $0x108;
	_ =	swait.ge @!p0 [sflag:s8], $0x0  }
0x24: {  	s3 =	sadd.s32 $0x88, s3;
	s6 =	simm.s32 @!p1 $0x1082;
	[sflag:s4] =	ssyncset.s32 $0xFFFFF086  }
0x25: {  	[simem:s6], [sflag:s4] =	dma.local [hbm:s3], $0xF7A  }
0x26: {  	[smem:$0x3F9F] =	sst s1;
	(tag) =	ssettag s2;
	_ =	strace s9  }
0x27: {  	s1 =	sld [smem:$0x3FAF]  }
0x28: {  	s2 =	sld [smem:$0x3FB0]  }
0x29: {  	s4 =	sld [smem:$0x3FB2]  }
0x2a: {  	p0 =	seq.s32 s5, $0x0;
	s5 =	sld [smem:$0x3FB3]  }
0x2b: {  	s6 =	sld [smem:$0x3FB4]  }
0x2c: {  	s7 =	sld [smem:$0x3FB5]  }
0x2d: {  	s3 =	simm.s32 $0x108;
	s8 =	sld [smem:$0x3FB6]  }
0x2e: {  	s3 =	simm.s32 @!p0 $0x1082;
	s9 =	sld [smem:$0x3FB7]  }
0x2f: {  	lr =	sadd.s32 s0, s3;
	s0 =	sld [smem:$0x3FAE]  }
0x30: {  	s3 =	sld [smem:$0x3FB1]  }
0x31: {  	[smem:$0x3FBA] =	sst s10  }
0x32: {  	s10 =	sld [smem:$0x3FB8];
	_ =	sdelay $0x3  }
0x33: {  	p0 =	seq.s32 s10, $0x1;
	s10 =	sld [smem:$0x3FBA];
	_ =	sdelay $0x3  }
0x34: {  	[smem:$0x3FBA] =	sst s10  }
0x35: {  	s10 =	sld [smem:$0x3FB9];
	_ =	sdelay $0x3  }
0x36: {  	p1 =	seq.s32 s10, $0x1;
	s10 =	sld [smem:$0x3FBA];
	_ =	sdelay $0x3  }
0x37: {  	[smem:$0x3FBA] =	sst s10  }
0x38: {  	s10 =	sld [smem:$0x3FBB]  }
0x39: {  	_ = 	snop;
	(pc) =	sbr.ind lr, $3  }
0x3a: {  	_ = 	snop  }
0x3b: {  	_ = 	snop  }
0x3c: {  	p2 =	seq.s32 s10, $0x1;
	s10 =	sld [smem:$0x3FBA]  }
0x3d: {  	_ =	shalt  }
0x3e: {  	_ =	shalt  }
0x3f: {  	_ =	shalt  }
0x40: {  	_ =	shalt  }
0x41: {  	_ =	shalt  }
0x42: {  	_ =	shalt  }
0x43: {  	_ =	shalt  }
0x44: {  	_ =	shalt  }
0x45: {  	_ =	shalt  }
0x46: {  	_ =	shalt  }
0x47: {  	_ =	shalt  }
0x48: {  	_ =	shalt  }
0x49: {  	_ =	shalt  }
0x4a: {  	_ =	shalt  }
0x4b: {  	_ =	shalt  }
0x4c: {  	_ =	shalt  }
0x4d: {  	_ =	shalt  }
0x4e: {  	_ =	shalt  }
0x4f: {  	_ =	shalt  }
0x50: {  	_ =	shalt  }
0x51: {  	_ =	shalt  }
0x52: {  	_ =	shalt  }
0x53: {  	_ =	shalt  }
0x54: {  	_ =	shalt  }
0x55: {  	_ =	shalt  }
0x56: {  	_ =	shalt  }
0x57: {  	_ =	shalt  }
0x58: {  	_ =	shalt  }
0x59: {  	_ =	shalt  }
0x5a: {  	_ =	shalt  }
0x5b: {  	_ =	shalt  }
0x5c: {  	_ =	shalt  }
0x5d: {  	_ =	shalt  }
0x5e: {  	_ =	shalt  }
0x5f: {  	_ =	shalt  }
0x60: {  	_ =	shalt  }
0x61: {  	_ =	shalt  }
0x62: {  	_ =	shalt  }
0x63: {  	_ =	shalt  }
0x64: {  	_ =	shalt  }
0x65: {  	_ =	shalt  }
0x66: {  	_ =	shalt  }
0x67: {  	_ =	shalt  }
0x68: {  	_ =	shalt  }
0x69: {  	_ =	shalt  }
0x6a: {  	_ =	shalt  }
0x6b: {  	_ =	shalt  }
0x6c: {  	_ =	shalt  }
0x6d: {  	_ =	shalt  }
0x6e: {  	_ =	shalt  }
0x6f: {  	_ =	shalt  }
0x70: {  	_ =	shalt  }
0x71: {  	_ =	shalt  }
0x72: {  	_ =	shalt  }
0x73: {  	_ =	shalt  }
0x74: {  	_ =	shalt  }
0x75: {  	_ =	shalt  }
0x76: {  	_ =	shalt  }
0x77: {  	_ =	shalt  }
0x78: {  	_ =	shalt  }
0x79: {  	_ =	shalt  }
0x7a: {  	_ =	shalt  }
0x7b: {  	_ =	shalt  }
0x7c: {  	_ =	shalt  }
0x7d: {  	_ =	shalt  }
0x7e: {  	_ =	shalt  }
0x7f: {  	_ =	shalt  }
0x80: {  	_ =	shalt  }
0x81: {  	_ =	shalt  }
0x82: {  	_ =	shalt  }
0x83: {  	_ =	shalt  }
0x84: {  	_ =	shalt  }
0x85: {  	_ =	shalt  }
0x86: {  	_ =	shalt  }
0x87: {  	_ =	shalt  }
.Lfunc_end0:
.L_simem_size_0:
called_computation.2_lowered:
.L_overlay_start_0:
0x88: {  	s2 =	sld [smem:$0x3FD9]  }
0x89: {  	s3 =	sld [smem:$0x3FFE];
	_ =	sdelay $0x1  }
0x8a: {  	s1 =	srdreg.scid  }
0x8b: {  	s0 =	sand.u32 $0x1, s1  }
0x8c: {  	s17 =	sshll.u32 s0, $0xA;
	s2 =	sadd.s32 s3, s2  }
0x8d: {  	s2 =	sadd.s32 s2, s17  }
0x8e: {  	[smem:$0x3FC6] =	sst s2  }
0x8f: {  	_ = 	snop  }
0x90: {  	(tm) =	ssettm $0x1  }
0x91: {  	s18 =	sld [smem:$0x3FFB];
	_ =	sdelay $0x3  }
0x92: {  	_ =	strace s18  }
0x93: {  	s2 =	sld [smem:$0x3FFC];
	_ =	sdelay $0x3  }
0x94: {  	_ =	strace s2  }
0x95: {  	s2 =	sld [smem:$0x3FFD];
	_ =	sdelay $0x3  }
0x96: {  	_ =	strace s2  }
0x97: {  	_ =	strace $0x8FFFFFFF  }
0x98: {  	s19 =	sld [smem:$0x3FDB];
	_ =	sdelay $0x1  }
0x99: {  	s20 =	simm.s32 $_scs_section_size  }
0x9a: {  	s4 =	simm.s32 $_size__tile_overlayer_lowered;
	s5 =	simm.s32 $_tile_overlayer_lowered  }
0x9b: {  	s6 =	simm.s32 $0x1BFF;
	s21 =	sshll.u32 s5, $0x1;
	s3 =	sadd.s32 s20, s19  }
0x9c: {  	s22 =	simm.s32 $0x0;
	s4 =	sshll.u32 s4, $0x1;
	s5 =	sadd.s32 s21, s3  }
0x9d: {  	[timem:s22], [sflag:s6] =	dma.local [hbm:s5], s4  }
0x9e: {  	_ =	swait.ge [sflag:s6], s4  }
0x9f: {  	s4 =	ssub.s32 $0x0, s4;
	[sflag:s6] =	ssyncset.done $0x0  }
0xa0: {  	[sflag:s6] =	ssyncadd.s32 s4;
	_ =	sdelay $0x1  }
0xa1: {  	s23 =	simm.s32 $0x1B8B  }
0xa2: {  	_ =	swait.ge [sflag:s23], $0x1  }
0xa3: {  	[sflag:s23] =	ssyncset.done $0x0  }
0xa4: {  	[sflag:s23] =	ssyncadd.s32 $0xFFFFFFFF  }
0xa5: {  	s4 =	sld [smem:$0x0]  }
0xa6: {  	s5 =	sand.u32 $0xFFFFFFFE, s1  }
0xa7: {  	p0 =	sne.s32 s1, s5  }
0xa8: {  	s5 =	sshll.u32 @p0 s5, $0xE  }
0xa9: {  	s5 =	sadd.s32 @p0 $0x11B8D, s5;
	s6 =	sshll.u32 @p0 s4, $0x11  }
0xaa: {  	s5 =	sor.u32 @p0 s6, s5  }
0xab: {  	[sflag:s5] =	ssyncadd.remote.s32 @p0 $0x1;
	_ =	sdelay $0x1  }
0xac: {  	s5 =	simm.s32 @p0 $0x1B8D  }
0xad: {  	_ =	swait.eq @p0 [sflag:s5], $0x1  }
0xae: {  	[sflag:s5] =	ssyncadd.s32 @p0 $0xFFFFFFFF  }
0xaf: {  	s6 =	sshll.u32 @!p0 s1, $0xE  }
0xb0: {  	s6 =	sor.u32 @!p0 $0x4000, s6;
	s5 =	simm.s32 @!p0 $0x1B8D  }
0xb1: {  	s4 =	sshll.u32 @!p0 s4, $0x11;
	s6 =	sadd.s32 @!p0 $0x11B8D, s6;
	_ =	swait.eq @!p0 [sflag:s5], $0x1  }
0xb2: {  	s4 =	sor.u32 @!p0 s4, s6;
	[sflag:s5] =	ssyncadd.s32 @!p0 $0xFFFFFFFF  }
0xb3: {  	s25 =	simm.s32 $0x1B8E;
	s24 =	sld [smem:$0x3FFE];
	[sflag:s4] =	ssyncadd.remote.s32 @!p0 $0x1  }
0xb4: {  	s26 =	simm.s32 $execute0_lowered;
	[smem:$0x3FD2] =	sst s25  }
0xb5: {  	s5 =	sshll.u32 s26, $0x1;
	_ =	strace $0x8000004C;
	[dreg:$0x1] =	wrdreg $0xFFFFFFFF  }
0xb6: {  	s28 =	simm.s32 $_size_execute0_lowered;
	s3 =	sadd.s32 s3, s5;
	[dreg:$0x0] =	wrdreg $0x0  }
0xb7: {  	s5 =	sshll.u32 s28, $0x1;
	[dreg:$0x2] =	wrdreg s3  }
0xb8: {  	[dreg:$0x3] =	wrdreg s5  }
0xb9: {  	[dreg:$0x4] =	wrdreg $0xC0  }
0xba: {  	_ =	task [dreg:s22], $0x5FFFF  }
0xbb: {  	[dreg:$0x1] =	wrdreg $0xFFFFFFFF  }
0xbc: {  	[dreg:$0x0] =	wrdreg $0x60  }
0xbd: {  	[dreg:$0x2] =	wrdreg s24  }
0xbe: {  	[dreg:$0x3] =	wrdreg $0xB  }
0xbf: {  	_ =	task.clear_ibuf [dreg:s22], $0x4FFFF;
	_ =	strace $0x9000004C  }
0xc0: {  	s29 =	simm.s32 $0xB;
	_ =	strace $0x8000004E  }
0xc1: {  	_ =	swait.ge [sflag:s29], $0x1  }
0xc2: {  	[sflag:s29] =	ssyncadd.s32 $0xFFFFFFFF  }
0xc3: {  	_ =	strace $0x9000004E  }
0xc4: {  	_ =	sfence  }
0xc5: {  	s30 =	sld [smem:$0x0];
	_ =	sdelay $0x2  }
0xc6: {  	s31 =	sshll.u32 s1, $0xD;
	s1 =	sshrl.u32 s1, $0x2  }
0xc7: {  	s4 =	sand.u32 $0x4000, s31;
	s1 =	sadd.s32 s1, s30  }
0xc8: {  	s0 =	sor.u32 s4, s0;
	s1 =	sshll.u32 s1, $0x11  }
0xc9: {  	s0 =	sor.u32 s1, s0  }
0xca: {  	s0 =	sadd.s32 $0x8F2B, s0  }
0xcb: {  	[sflag:s0] =	ssyncadd.remote.s32 $0x1  }
0xcc: {  	_ =	sfence.sel $0xFFFF  }
0xcd: {  	[dreg:$0x0] =	wrdreg $0xFFFFFFFF;
	(pc) =	sbr.abs _section_cstart, $3  }
0xce: {  	[dreg:$0x1] =	wrdreg $0xFFFFFFFF  }
0xcf: {  	_ =	task.clear_ibuf [dreg:s22], $0x2FFFF;
	_ =	strace $0x9FFFFFFF  }
0xd0: {  	(tm) =	ssettm $0x7FFFFFFF  }
0xd1: {  	_ =	shalt  }
tec
execute0_lowered:
.L_overlay_start_1:
0x0: {  	(tag) =	ssettag $0x1  }
0x1: {  	s0 =	srdreg.scid;
	s1 =	stileid.u32  }
0x2: {  	s3 =	rddreg [dreg:$0x0];
	s2 =	simm.s32 $0x0;
	s30 =	simm.s32 $0x5  }
0x3: {  	s9 =	simm.s32 $0x800;
	s31 =	simm.s32 $0x80;
	s7 =	simm.s32 $0x8800  }
0x4: {  	s11 =	simm.s32 $0x1;
	s0 =	sand.u32 $0x1, s0;
	s1 =	sshll.u32 s1, $0x1  }
0x5: {  	s10 =	simm.s32 $0x2;
	s8 =	simm.s32 $0x3;
	s1 =	sor.u32 s0, s1  }
0x6: {  	s28 =	simm.s32 $0x100;
	s29 =	simm.s32 $0x180;
	s4 =	sshll.u32 s1, $0x8  }
0x7: {  	p0 =	por $0x0, $0x0;
	s1 =	sshll.u32 s1, $0x10;
	s4 =	sadd.s32 s4, s3  }
0x8: {  	[smem:$0x7FF] =	sst s2;
	s1 =	sadd.s32 s1, s3;
	s4 =	sadd.s32 $0x602600, s4  }
0x9: {  	_ =	strace $0x8000004D;
	s16 =	sadd.s32 $0x604600, s1;
	[dreg:$0x2] =	wrdreg s4  }
0xa: {  	s15 =	simm.s32 $0x700;
	s17 =	sadd.s32 $0x605600, s1;
	[dreg:$0x3] =	wrdreg s16  }
0xb: {  	s0 =	ssub.s32 $0x2, s0;
	s18 =	sadd.s32 $0x606600, s1;
	[dreg:$0x4] =	wrdreg s17  }
0xc: {  	s5 =	sshrl.u32 s0, $0x1;
	s19 =	sadd.s32 $0x607600, s1;
	[dreg:$0x5] =	wrdreg s18  }
0xd: {  	s3 =	sadd.s32 $0x200, s3;
	s20 =	sadd.s32 $0x608600, s1;
	[dreg:$0x6] =	wrdreg s19  }
0xe: {  	s0 =	ssub.s32 s0, s5;
	s21 =	sadd.s32 $0x609600, s1;
	[dreg:$0x7] =	wrdreg s20  }
0xf: {  	s22 =	sadd.s32 $0x60A600, s1;
	s23 =	sadd.s32 $0x60B600, s1;
	[dreg:$0x8] =	wrdreg s21  }
0x10: {  	s0 =	smax.u32 s0, $0x1;
	s24 =	sadd.s32 $0x60C600, s1;
	[dreg:$0x9] =	wrdreg s22  }
0x11: {  	s25 =	sadd.s32 $0x60D600, s1;
	s26 =	sadd.s32 $0x60E600, s1;
	[dreg:$0xa] =	wrdreg s23  }
0x12: {  	s14 =	sadd.s32 $0x60F600, s1;
	s13 =	sadd.s32 $0x610600, s1;
	[dreg:$0xb] =	wrdreg s24  }
0x13: {  	s12 =	sadd.s32 $0x611600, s1;
	s6 =	sadd.s32 $0x612600, s1;
	[dreg:$0xc] =	wrdreg s25  }
0x14: {  	s5 =	sadd.s32 $0x613600, s1;
	[dreg:$0xd] =	wrdreg s26;
	p1 =	sne.s32 s0, $0x1  }
.Ltmp0:
0x15: {  	s4 =	simm.s32 $0x4;
	s25 =	simm.s32 $0x200;
	(pc) =	sbr.rel @!p1 .LBB2_3-.Ltmp0, $4  }
0x16: {  	s26 =	simm.s32 $0x280;
	s23 =	simm.s32 $0x300;
	s24 =	simm.s32 $0x380  }
0x17: {  	s21 =	simm.s32 $0x400;
	s22 =	simm.s32 $0x480;
	s1 =	sadd.s32 $0xFFFFFFFF, s0  }
0x18: {  	s19 =	simm.s32 $0x500;
	s20 =	simm.s32 $0x580;
	s17 =	simm.s32 $0x600  }
0x19: {  	s18 =	simm.s32 $0x680;
	s16 =	simm.s32 $0x780;
	s0 =	rddreg [dreg:$0x2]  }
0x1a: {  	[tilespmem:s2], [sflag:$0x5] =	stream.linear.gather [hbm4b:s0+s2], $0x800, $0x38;
	[tilespmem:$0x10800] =	vst v63  }
0x1b: {  	_ =	swait.ge [sflag:s30], $0x800  }
0x1c: {  	[sflag:s30] =	ssyncset.done $0x0  }
0x1d: {  	[sflag:s30] =	ssyncadd.s32 $0xFFFFF800  }
0x1e: {  	[tilespmem:s9], [sflag:$0x1] =	stream.indirect.gather [hbm4b:s3+s4], $0x2000, s2, s4, $0xb8;
	[tilespmem:$0x10800] =	vst v63  }
0x1f: {  	_ = 	snop  }
0x20: {  	[tilespmem:s7], [sflag:$0x2] =	stream.indirect.gather [hbm4b:s3+s4], $0x2000, s31, s4, $0xb8;
	[tilespmem:$0x10800] =	vst v63  }
0x21: {  	_ =	swait.ge [sflag:s11], $0x8000  }
0x22: {  	[sflag:s11] =	ssyncset.done $0x0  }
0x23: {  	s0 =	rddreg [dreg:$0x3];
	[sflag:s11] =	ssyncadd.s32 $0xFFFF8000  }
0x24: {  	[hbm4b:s0+s2] =	stream.linear.scatter [tilespmem:s9], [sflag:$0x3], $0x8000, $0x38;
	[tilespmem:$0x10800] =	vst v63  }
0x25: {  	_ =	swait.ge [sflag:s10], $0x8000  }
0x26: {  	[sflag:s10] =	ssyncset.done $0x0  }
0x27: {  	s0 =	rddreg [dreg:$0x4];
	[sflag:s10] =	ssyncadd.s32 $0xFFFF8000  }
0x28: {  	[hbm4b:s0+s2] =	stream.linear.scatter [tilespmem:s7], [sflag:$0x4], $0x8000, $0x38;
	[tilespmem:$0x10800] =	vst v63  }
0x29: {  	_ =	swait.ge [sflag:s8], $0x8000  }
0x2a: {  	[sflag:s8] =	ssyncset.done $0x0  }
0x2b: {  	[sflag:s8] =	ssyncadd.s32 $0xFFFF8000  }
0x2c: {  	_ =	swait.ge [sflag:s4], $0x8000  }
0x2d: {  	[sflag:s4] =	ssyncset.done $0x0  }
0x2e: {  	[sflag:s4] =	ssyncadd.s32 $0xFFFF8000  }
0x2f: {  	[tilespmem:s9], [sflag:$0x1] =	stream.indirect.gather [hbm4b:s3+s4], $0x2000, s28, s4, $0xb8;
	[tilespmem:$0x10800] =	vst v63  }
0x30: {  	_ = 	snop  }
0x31: {  	[tilespmem:s7], [sflag:$0x2] =	stream.indirect.gather [hbm4b:s3+s4], $0x2000, s29, s4, $0xb8;
	[tilespmem:$0x10800] =	vst v63  }
0x32: {  	_ =	swait.ge [sflag:s11], $0x8000  }
0x33: {  	[sflag:s11] =	ssyncset.done $0x0  }
0x34: {  	s0 =	rddreg [dreg:$0x5];
	[sflag:s11] =	ssyncadd.s32 $0xFFFF8000  }
0x35: {  	[hbm4b:s0+s2] =	stream.linear.scatter [tilespmem:s9], [sflag:$0x3], $0x8000, $0x38;
	[tilespmem:$0x10800] =	vst v63  }
0x36: {  	_ =	swait.ge [sflag:s10], $0x8000  }
0x37: {  	[sflag:s10] =	ssyncset.done $0x0  }
0x38: {  	s0 =	rddreg [dreg:$0x6];
	[sflag:s10] =	ssyncadd.s32 $0xFFFF8000  }
0x39: {  	[hbm4b:s0+s2] =	stream.linear.scatter [tilespmem:s7], [sflag:$0x4], $0x8000, $0x38;
	[tilespmem:$0x10800] =	vst v63  }
0x3a: {  	_ =	swait.ge [sflag:s8], $0x8000  }
0x3b: {  	[sflag:s8] =	ssyncset.done $0x0  }
0x3c: {  	[sflag:s8] =	ssyncadd.s32 $0xFFFF8000  }
0x3d: {  	_ =	swait.ge [sflag:s4], $0x8000  }
0x3e: {  	[sflag:s4] =	ssyncset.done $0x0  }
0x3f: {  	[sflag:s4] =	ssyncadd.s32 $0xFFFF8000  }
0x40: {  	[tilespmem:s9], [sflag:$0x1] =	stream.indirect.gather [hbm4b:s3+s4], $0x2000, s25, s4, $0xb8;
	[tilespmem:$0x10800] =	vst v63  }
0x41: {  	_ = 	snop  }
0x42: {  	[tilespmem:s7], [sflag:$0x2] =	stream.indirect.gather [hbm4b:s3+s4], $0x2000, s26, s4, $0xb8;
	[tilespmem:$0x10800] =	vst v63  }
0x43: {  	_ =	swait.ge [sflag:s11], $0x8000  }
0x44: {  	[sflag:s11] =	ssyncset.done $0x0  }
0x45: {  	s0 =	rddreg [dreg:$0x7];
	[sflag:s11] =	ssyncadd.s32 $0xFFFF8000  }
0x46: {  	[hbm4b:s0+s2] =	stream.linear.scatter [tilespmem:s9], [sflag:$0x3], $0x8000, $0x38;
	[tilespmem:$0x10800] =	vst v63  }
0x47: {  	_ =	swait.ge [sflag:s10], $0x8000  }
0x48: {  	[sflag:s10] =	ssyncset.done $0x0  }
0x49: {  	s0 =	rddreg [dreg:$0x8];
	[sflag:s10] =	ssyncadd.s32 $0xFFFF8000  }
0x4a: {  	[hbm4b:s0+s2] =	stream.linear.scatter [tilespmem:s7], [sflag:$0x4], $0x8000, $0x38;
	[tilespmem:$0x10800] =	vst v63  }
0x4b: {  	_ =	swait.ge [sflag:s8], $0x8000  }
0x4c: {  	[sflag:s8] =	ssyncset.done $0x0  }
0x4d: {  	[sflag:s8] =	ssyncadd.s32 $0xFFFF8000  }
0x4e: {  	_ =	swait.ge [sflag:s4], $0x8000  }
0x4f: {  	[sflag:s4] =	ssyncset.done $0x0  }
0x50: {  	[sflag:s4] =	ssyncadd.s32 $0xFFFF8000  }
0x51: {  	[tilespmem:s9], [sflag:$0x1] =	stream.indirect.gather [hbm4b:s3+s4], $0x2000, s23, s4, $0xb8;
	[tilespmem:$0x10800] =	vst v63  }
0x52: {  	_ = 	snop  }
0x53: {  	[tilespmem:s7], [sflag:$0x2] =	stream.indirect.gather [hbm4b:s3+s4], $0x2000, s24, s4, $0xb8;
	[tilespmem:$0x10800] =	vst v63  }
0x54: {  	_ =	swait.ge [sflag:s11], $0x8000  }
0x55: {  	[sflag:s11] =	ssyncset.done $0x0  }
0x56: {  	s0 =	rddreg [dreg:$0x9];
	[sflag:s11] =	ssyncadd.s32 $0xFFFF8000  }
0x57: {  	[hbm4b:s0+s2] =	stream.linear.scatter [tilespmem:s9], [sflag:$0x3], $0x8000, $0x38;
	[tilespmem:$0x10800] =	vst v63  }
0x58: {  	_ =	swait.ge [sflag:s10], $0x8000  }
0x59: {  	[sflag:s10] =	ssyncset.done $0x0  }
0x5a: {  	s0 =	rddreg [dreg:$0xa];
	[sflag:s10] =	ssyncadd.s32 $0xFFFF8000  }
0x5b: {  	[hbm4b:s0+s2] =	stream.linear.scatter [tilespmem:s7], [sflag:$0x4], $0x8000, $0x38;
	[tilespmem:$0x10800] =	vst v63  }
0x5c: {  	_ =	swait.ge [sflag:s8], $0x8000  }
0x5d: {  	[sflag:s8] =	ssyncset.done $0x0  }
0x5e: {  	[sflag:s8] =	ssyncadd.s32 $0xFFFF8000  }
0x5f: {  	_ =	swait.ge [sflag:s4], $0x8000  }
0x60: {  	[sflag:s4] =	ssyncset.done $0x0  }
0x61: {  	[sflag:s4] =	ssyncadd.s32 $0xFFFF8000  }
0x62: {  	[tilespmem:s9], [sflag:$0x1] =	stream.indirect.gather [hbm4b:s3+s4], $0x2000, s21, s4, $0xb8;
	[tilespmem:$0x10800] =	vst v63  }
0x63: {  	_ = 	snop  }
0x64: {  	[tilespmem:s7], [sflag:$0x2] =	stream.indirect.gather [hbm4b:s3+s4], $0x2000, s22, s4, $0xb8;
	[tilespmem:$0x10800] =	vst v63  }
0x65: {  	_ =	swait.ge [sflag:s11], $0x8000  }
0x66: {  	[sflag:s11] =	ssyncset.done $0x0  }
0x67: {  	s0 =	rddreg [dreg:$0xb];
	[sflag:s11] =	ssyncadd.s32 $0xFFFF8000  }
0x68: {  	[hbm4b:s0+s2] =	stream.linear.scatter [tilespmem:s9], [sflag:$0x3], $0x8000, $0x38;
	[tilespmem:$0x10800] =	vst v63  }
0x69: {  	_ =	swait.ge [sflag:s10], $0x8000  }
0x6a: {  	[sflag:s10] =	ssyncset.done $0x0  }
0x6b: {  	s0 =	rddreg [dreg:$0xc];
	[sflag:s10] =	ssyncadd.s32 $0xFFFF8000  }
0x6c: {  	[hbm4b:s0+s2] =	stream.linear.scatter [tilespmem:s7], [sflag:$0x4], $0x8000, $0x38;
	[tilespmem:$0x10800] =	vst v63  }
0x6d: {  	_ =	swait.ge [sflag:s8], $0x8000  }
0x6e: {  	[sflag:s8] =	ssyncset.done $0x0  }
0x6f: {  	[sflag:s8] =	ssyncadd.s32 $0xFFFF8000  }
0x70: {  	_ =	swait.ge [sflag:s4], $0x8000  }
0x71: {  	[sflag:s4] =	ssyncset.done $0x0  }
0x72: {  	[sflag:s4] =	ssyncadd.s32 $0xFFFF8000  }
0x73: {  	[tilespmem:s9], [sflag:$0x1] =	stream.indirect.gather [hbm4b:s3+s4], $0x2000, s19, s4, $0xb8;
	[tilespmem:$0x10800] =	vst v63  }
0x74: {  	_ = 	snop  }
0x75: {  	[tilespmem:s7], [sflag:$0x2] =	stream.indirect.gather [hbm4b:s3+s4], $0x2000, s20, s4, $0xb8;
	[tilespmem:$0x10800] =	vst v63  }
0x76: {  	_ =	swait.ge [sflag:s11], $0x8000  }
0x77: {  	[sflag:s11] =	ssyncset.done $0x0  }
0x78: {  	s0 =	rddreg [dreg:$0xd];
	[sflag:s11] =	ssyncadd.s32 $0xFFFF8000  }
0x79: {  	[hbm4b:s0+s2] =	stream.linear.scatter [tilespmem:s9], [sflag:$0x3], $0x8000, $0x38;
	[tilespmem:$0x10800] =	vst v63  }
0x7a: {  	_ =	swait.ge [sflag:s10], $0x8000  }
0x7b: {  	[sflag:s10] =	ssyncset.done $0x0  }
0x7c: {  	[sflag:s10] =	ssyncadd.s32 $0xFFFF8000  }
0x7d: {  	[hbm4b:s14+s2] =	stream.linear.scatter [tilespmem:s7], [sflag:$0x4], $0x8000, $0x38;
	[tilespmem:$0x10800] =	vst v63  }
0x7e: {  	_ =	swait.ge [sflag:s8], $0x8000  }
0x7f: {  	[sflag:s8] =	ssyncset.done $0x0  }
0x80: {  	[sflag:s8] =	ssyncadd.s32 $0xFFFF8000  }
0x81: {  	_ =	swait.ge [sflag:s4], $0x8000  }
0x82: {  	[sflag:s4] =	ssyncset.done $0x0  }
0x83: {  	[sflag:s4] =	ssyncadd.s32 $0xFFFF8000  }
0x84: {  	[tilespmem:s9], [sflag:$0x1] =	stream.indirect.gather [hbm4b:s3+s4], $0x2000, s17, s4, $0xb8;
	[tilespmem:$0x10800] =	vst v63  }
0x85: {  	_ = 	snop  }
0x86: {  	[tilespmem:s7], [sflag:$0x2] =	stream.indirect.gather [hbm4b:s3+s4], $0x2000, s18, s4, $0xb8;
	[tilespmem:$0x10800] =	vst v63  }
0x87: {  	_ =	swait.ge [sflag:s11], $0x8000  }
0x88: {  	[sflag:s11] =	ssyncset.done $0x0  }
0x89: {  	[sflag:s11] =	ssyncadd.s32 $0xFFFF8000  }
0x8a: {  	[hbm4b:s13+s2] =	stream.linear.scatter [tilespmem:s9], [sflag:$0x3], $0x8000, $0x38;
	[tilespmem:$0x10800] =	vst v63  }
0x8b: {  	_ =	swait.ge [sflag:s10], $0x8000  }
0x8c: {  	[sflag:s10] =	ssyncset.done $0x0  }
0x8d: {  	[sflag:s10] =	ssyncadd.s32 $0xFFFF8000  }
0x8e: {  	[hbm4b:s12+s2] =	stream.linear.scatter [tilespmem:s7], [sflag:$0x4], $0x8000, $0x38;
	[tilespmem:$0x10800] =	vst v63  }
0x8f: {  	_ =	swait.ge [sflag:s8], $0x8000  }
0x90: {  	[sflag:s8] =	ssyncset.done $0x0  }
0x91: {  	[sflag:s8] =	ssyncadd.s32 $0xFFFF8000  }
0x92: {  	_ =	swait.ge [sflag:s4], $0x8000  }
0x93: {  	[sflag:s4] =	ssyncset.done $0x0  }
0x94: {  	[sflag:s4] =	ssyncadd.s32 $0xFFFF8000  }
0x95: {  	[tilespmem:s9], [sflag:$0x1] =	stream.indirect.gather [hbm4b:s3+s4], $0x2000, s15, s4, $0xb8;
	[tilespmem:$0x10800] =	vst v63  }
0x96: {  	_ = 	snop  }
0x97: {  	[tilespmem:s7], [sflag:$0x2] =	stream.indirect.gather [hbm4b:s3+s4], $0x2000, s16, s4, $0xb8;
	[tilespmem:$0x10800] =	vst v63  }
0x98: {  	_ =	swait.ge [sflag:s11], $0x8000  }
0x99: {  	[sflag:s11] =	ssyncset.done $0x0  }
0x9a: {  	[sflag:s11] =	ssyncadd.s32 $0xFFFF8000  }
0x9b: {  	[hbm4b:s6+s2] =	stream.linear.scatter [tilespmem:s9], [sflag:$0x3], $0x8000, $0x38;
	[tilespmem:$0x10800] =	vst v63  }
0x9c: {  	_ =	swait.ge [sflag:s10], $0x8000  }
0x9d: {  	[sflag:s10] =	ssyncset.done $0x0  }
0x9e: {  	p1 =	sne.s32 s1, $0x1;
	[sflag:s10] =	ssyncadd.s32 $0xFFFF8000  }
0x9f: {  	[hbm4b:s5+s2] =	stream.linear.scatter [tilespmem:s7], [sflag:$0x4], $0x8000, $0x38;
	[tilespmem:$0x10800] =	vst v63  }
.Ltmp1:
0xa0: {  	_ =	swait.ge [sflag:s8], $0x8000;
	(pc) =	sbr.rel @!p1 .LBB2_3-.Ltmp1, $4  }
0xa1: {  	[sflag:s8] =	ssyncset.done $0x0  }
0xa2: {  	[sflag:s8] =	ssyncadd.s32 $0xFFFF8000  }
0xa3: {  	s1 =	sadd.s32 $0xFFFFFFFF, s1;
	_ =	swait.ge [sflag:s4], $0x8000  }
0xa4: {  	p0 =	por $0x1, $0x1;
	s0 =	rddreg [dreg:$0x2];
	[sflag:s4] =	ssyncset.done $0x0  }
.LBB2_2:
0xa5: {  	[sflag:s4] =	ssyncadd.s32 $0xFFFF8000  }
0xa6: {  	[tilespmem:s2], [sflag:$0x5] =	stream.linear.gather [hbm4b:s0+s2], $0x800, $0x38;
	[tilespmem:$0x10800] =	vst v63  }
0xa7: {  	_ =	swait.ge [sflag:s30], $0x800  }
0xa8: {  	[sflag:s30] =	ssyncset.done $0x0  }
0xa9: {  	[sflag:s30] =	ssyncadd.s32 $0xFFFFF800  }
0xaa: {  	[tilespmem:s9], [sflag:$0x1] =	stream.indirect.gather [hbm4b:s3+s4], $0x2000, s2, s4, $0xb8;
	[tilespmem:$0x10800] =	vst v63  }
0xab: {  	_ = 	snop  }
0xac: {  	[tilespmem:s7], [sflag:$0x2] =	stream.indirect.gather [hbm4b:s3+s4], $0x2000, s31, s4, $0xb8;
	[tilespmem:$0x10800] =	vst v63  }
0xad: {  	_ =	swait.ge [sflag:s11], $0x8000  }
0xae: {  	[sflag:s11] =	ssyncset.done $0x0  }
0xaf: {  	s0 =	rddreg [dreg:$0x3];
	[sflag:s11] =	ssyncadd.s32 $0xFFFF8000  }
0xb0: {  	[hbm4b:s0+s2] =	stream.linear.scatter [tilespmem:s9], [sflag:$0x3], $0x8000, $0x38;
	[tilespmem:$0x10800] =	vst v63  }
0xb1: {  	_ =	swait.ge [sflag:s10], $0x8000  }
0xb2: {  	[sflag:s10] =	ssyncset.done $0x0  }
0xb3: {  	s0 =	rddreg [dreg:$0x4];
	[sflag:s10] =	ssyncadd.s32 $0xFFFF8000  }
0xb4: {  	[hbm4b:s0+s2] =	stream.linear.scatter [tilespmem:s7], [sflag:$0x4], $0x8000, $0x38;
	[tilespmem:$0x10800] =	vst v63  }
0xb5: {  	_ =	swait.ge [sflag:s8], $0x8000  }
0xb6: {  	[sflag:s8] =	ssyncset.done $0x0  }
0xb7: {  	[sflag:s8] =	ssyncadd.s32 $0xFFFF8000  }
0xb8: {  	_ =	swait.ge [sflag:s4], $0x8000  }
0xb9: {  	[sflag:s4] =	ssyncset.done $0x0  }
0xba: {  	[sflag:s4] =	ssyncadd.s32 $0xFFFF8000  }
0xbb: {  	[tilespmem:s9], [sflag:$0x1] =	stream.indirect.gather [hbm4b:s3+s4], $0x2000, s28, s4, $0xb8;
	[tilespmem:$0x10800] =	vst v63  }
0xbc: {  	_ = 	snop  }
0xbd: {  	[tilespmem:s7], [sflag:$0x2] =	stream.indirect.gather [hbm4b:s3+s4], $0x2000, s29, s4, $0xb8;
	[tilespmem:$0x10800] =	vst v63  }
0xbe: {  	_ =	swait.ge [sflag:s11], $0x8000  }
0xbf: {  	[sflag:s11] =	ssyncset.done $0x0  }
0xc0: {  	s0 =	rddreg [dreg:$0x5];
	[sflag:s11] =	ssyncadd.s32 $0xFFFF8000  }
0xc1: {  	[hbm4b:s0+s2] =	stream.linear.scatter [tilespmem:s9], [sflag:$0x3], $0x8000, $0x38;
	[tilespmem:$0x10800] =	vst v63  }
0xc2: {  	_ =	swait.ge [sflag:s10], $0x8000  }
0xc3: {  	[sflag:s10] =	ssyncset.done $0x0  }
0xc4: {  	s0 =	rddreg [dreg:$0x6];
	[sflag:s10] =	ssyncadd.s32 $0xFFFF8000  }
0xc5: {  	[hbm4b:s0+s2] =	stream.linear.scatter [tilespmem:s7], [sflag:$0x4], $0x8000, $0x38;
	[tilespmem:$0x10800] =	vst v63  }
0xc6: {  	_ =	swait.ge [sflag:s8], $0x8000  }
0xc7: {  	[sflag:s8] =	ssyncset.done $0x0  }
0xc8: {  	[sflag:s8] =	ssyncadd.s32 $0xFFFF8000  }
0xc9: {  	_ =	swait.ge [sflag:s4], $0x8000  }
0xca: {  	[sflag:s4] =	ssyncset.done $0x0  }
0xcb: {  	[sflag:s4] =	ssyncadd.s32 $0xFFFF8000  }
0xcc: {  	[tilespmem:s9], [sflag:$0x1] =	stream.indirect.gather [hbm4b:s3+s4], $0x2000, s25, s4, $0xb8;
	[tilespmem:$0x10800] =	vst v63  }
0xcd: {  	_ = 	snop  }
0xce: {  	[tilespmem:s7], [sflag:$0x2] =	stream.indirect.gather [hbm4b:s3+s4], $0x2000, s26, s4, $0xb8;
	[tilespmem:$0x10800] =	vst v63  }
0xcf: {  	_ =	swait.ge [sflag:s11], $0x8000  }
0xd0: {  	[sflag:s11] =	ssyncset.done $0x0  }
0xd1: {  	s0 =	rddreg [dreg:$0x7];
	[sflag:s11] =	ssyncadd.s32 $0xFFFF8000  }
0xd2: {  	[hbm4b:s0+s2] =	stream.linear.scatter [tilespmem:s9], [sflag:$0x3], $0x8000, $0x38;
	[tilespmem:$0x10800] =	vst v63  }
0xd3: {  	_ =	swait.ge [sflag:s10], $0x8000  }
0xd4: {  	[sflag:s10] =	ssyncset.done $0x0  }
0xd5: {  	s0 =	rddreg [dreg:$0x8];
	[sflag:s10] =	ssyncadd.s32 $0xFFFF8000  }
0xd6: {  	[hbm4b:s0+s2] =	stream.linear.scatter [tilespmem:s7], [sflag:$0x4], $0x8000, $0x38;
	[tilespmem:$0x10800] =	vst v63  }
0xd7: {  	_ =	swait.ge [sflag:s8], $0x8000  }
0xd8: {  	[sflag:s8] =	ssyncset.done $0x0  }
0xd9: {  	[sflag:s8] =	ssyncadd.s32 $0xFFFF8000  }
0xda: {  	_ =	swait.ge [sflag:s4], $0x8000  }
0xdb: {  	[sflag:s4] =	ssyncset.done $0x0  }
0xdc: {  	[sflag:s4] =	ssyncadd.s32 $0xFFFF8000  }
0xdd: {  	[tilespmem:s9], [sflag:$0x1] =	stream.indirect.gather [hbm4b:s3+s4], $0x2000, s23, s4, $0xb8;
	[tilespmem:$0x10800] =	vst v63  }
0xde: {  	_ = 	snop  }
0xdf: {  	[tilespmem:s7], [sflag:$0x2] =	stream.indirect.gather [hbm4b:s3+s4], $0x2000, s24, s4, $0xb8;
	[tilespmem:$0x10800] =	vst v63  }
0xe0: {  	_ =	swait.ge [sflag:s11], $0x8000  }
0xe1: {  	[sflag:s11] =	ssyncset.done $0x0  }
0xe2: {  	s0 =	rddreg [dreg:$0x9];
	[sflag:s11] =	ssyncadd.s32 $0xFFFF8000  }
0xe3: {  	[hbm4b:s0+s2] =	stream.linear.scatter [tilespmem:s9], [sflag:$0x3], $0x8000, $0x38;
	[tilespmem:$0x10800] =	vst v63  }
0xe4: {  	_ =	swait.ge [sflag:s10], $0x8000  }
0xe5: {  	[sflag:s10] =	ssyncset.done $0x0  }
0xe6: {  	s0 =	rddreg [dreg:$0xa];
	[sflag:s10] =	ssyncadd.s32 $0xFFFF8000  }
0xe7: {  	[hbm4b:s0+s2] =	stream.linear.scatter [tilespmem:s7], [sflag:$0x4], $0x8000, $0x38;
	[tilespmem:$0x10800] =	vst v63  }
0xe8: {  	_ =	swait.ge [sflag:s8], $0x8000  }
0xe9: {  	[sflag:s8] =	ssyncset.done $0x0  }
0xea: {  	[sflag:s8] =	ssyncadd.s32 $0xFFFF8000  }
0xeb: {  	_ =	swait.ge [sflag:s4], $0x8000  }
0xec: {  	[sflag:s4] =	ssyncset.done $0x0  }
0xed: {  	[sflag:s4] =	ssyncadd.s32 $0xFFFF8000  }
0xee: {  	[tilespmem:s9], [sflag:$0x1] =	stream.indirect.gather [hbm4b:s3+s4], $0x2000, s21, s4, $0xb8;
	[tilespmem:$0x10800] =	vst v63  }
0xef: {  	_ = 	snop  }
0xf0: {  	[tilespmem:s7], [sflag:$0x2] =	stream.indirect.gather [hbm4b:s3+s4], $0x2000, s22, s4, $0xb8;
	[tilespmem:$0x10800] =	vst v63  }
0xf1: {  	_ =	swait.ge [sflag:s11], $0x8000  }
0xf2: {  	[sflag:s11] =	ssyncset.done $0x0  }
0xf3: {  	s0 =	rddreg [dreg:$0xb];
	[sflag:s11] =	ssyncadd.s32 $0xFFFF8000  }
0xf4: {  	[hbm4b:s0+s2] =	stream.linear.scatter [tilespmem:s9], [sflag:$0x3], $0x8000, $0x38;
	[tilespmem:$0x10800] =	vst v63  }
0xf5: {  	_ =	swait.ge [sflag:s10], $0x8000  }
0xf6: {  	[sflag:s10] =	ssyncset.done $0x0  }
0xf7: {  	s0 =	rddreg [dreg:$0xc];
	[sflag:s10] =	ssyncadd.s32 $0xFFFF8000  }
0xf8: {  	[hbm4b:s0+s2] =	stream.linear.scatter [tilespmem:s7], [sflag:$0x4], $0x8000, $0x38;
	[tilespmem:$0x10800] =	vst v63  }
0xf9: {  	_ =	swait.ge [sflag:s8], $0x8000  }
0xfa: {  	[sflag:s8] =	ssyncset.done $0x0  }
0xfb: {  	[sflag:s8] =	ssyncadd.s32 $0xFFFF8000  }
0xfc: {  	_ =	swait.ge [sflag:s4], $0x8000  }
0xfd: {  	[sflag:s4] =	ssyncset.done $0x0  }
0xfe: {  	[sflag:s4] =	ssyncadd.s32 $0xFFFF8000  }
0xff: {  	[tilespmem:s9], [sflag:$0x1] =	stream.indirect.gather [hbm4b:s3+s4], $0x2000, s19, s4, $0xb8;
	[tilespmem:$0x10800] =	vst v63  }
0x100: {  	_ = 	snop  }
0x101: {  	[tilespmem:s7], [sflag:$0x2] =	stream.indirect.gather [hbm4b:s3+s4], $0x2000, s20, s4, $0xb8;
	[tilespmem:$0x10800] =	vst v63  }
0x102: {  	_ =	swait.ge [sflag:s11], $0x8000  }
0x103: {  	[sflag:s11] =	ssyncset.done $0x0  }
0x104: {  	s0 =	rddreg [dreg:$0xd];
	[sflag:s11] =	ssyncadd.s32 $0xFFFF8000  }
0x105: {  	[hbm4b:s0+s2] =	stream.linear.scatter [tilespmem:s9], [sflag:$0x3], $0x8000, $0x38;
	[tilespmem:$0x10800] =	vst v63  }
0x106: {  	_ =	swait.ge [sflag:s10], $0x8000  }
0x107: {  	[sflag:s10] =	ssyncset.done $0x0  }
0x108: {  	[sflag:s10] =	ssyncadd.s32 $0xFFFF8000  }
0x109: {  	[hbm4b:s14+s2] =	stream.linear.scatter [tilespmem:s7], [sflag:$0x4], $0x8000, $0x38;
	[tilespmem:$0x10800] =	vst v63  }
0x10a: {  	_ =	swait.ge [sflag:s8], $0x8000  }
0x10b: {  	[sflag:s8] =	ssyncset.done $0x0  }
0x10c: {  	[sflag:s8] =	ssyncadd.s32 $0xFFFF8000  }
0x10d: {  	_ =	swait.ge [sflag:s4], $0x8000  }
0x10e: {  	[sflag:s4] =	ssyncset.done $0x0  }
0x10f: {  	[sflag:s4] =	ssyncadd.s32 $0xFFFF8000  }
0x110: {  	[tilespmem:s9], [sflag:$0x1] =	stream.indirect.gather [hbm4b:s3+s4], $0x2000, s17, s4, $0xb8;
	[tilespmem:$0x10800] =	vst v63  }
0x111: {  	_ = 	snop  }
0x112: {  	[tilespmem:s7], [sflag:$0x2] =	stream.indirect.gather [hbm4b:s3+s4], $0x2000, s18, s4, $0xb8;
	[tilespmem:$0x10800] =	vst v63  }
0x113: {  	_ =	swait.ge [sflag:s11], $0x8000  }
0x114: {  	[sflag:s11] =	ssyncset.done $0x0  }
0x115: {  	[sflag:s11] =	ssyncadd.s32 $0xFFFF8000  }
0x116: {  	[hbm4b:s13+s2] =	stream.linear.scatter [tilespmem:s9], [sflag:$0x3], $0x8000, $0x38;
	[tilespmem:$0x10800] =	vst v63  }
0x117: {  	_ =	swait.ge [sflag:s10], $0x8000  }
0x118: {  	[sflag:s10] =	ssyncset.done $0x0  }
0x119: {  	[sflag:s10] =	ssyncadd.s32 $0xFFFF8000  }
0x11a: {  	[hbm4b:s12+s2] =	stream.linear.scatter [tilespmem:s7], [sflag:$0x4], $0x8000, $0x38;
	[tilespmem:$0x10800] =	vst v63  }
0x11b: {  	_ =	swait.ge [sflag:s8], $0x8000  }
0x11c: {  	[sflag:s8] =	ssyncset.done $0x0  }
0x11d: {  	[sflag:s8] =	ssyncadd.s32 $0xFFFF8000  }
0x11e: {  	_ =	swait.ge [sflag:s4], $0x8000  }
0x11f: {  	[sflag:s4] =	ssyncset.done $0x0  }
0x120: {  	[sflag:s4] =	ssyncadd.s32 $0xFFFF8000  }
0x121: {  	[tilespmem:s9], [sflag:$0x1] =	stream.indirect.gather [hbm4b:s3+s4], $0x2000, s15, s4, $0xb8;
	[tilespmem:$0x10800] =	vst v63  }
0x122: {  	_ = 	snop  }
0x123: {  	[tilespmem:s7], [sflag:$0x2] =	stream.indirect.gather [hbm4b:s3+s4], $0x2000, s16, s4, $0xb8;
	[tilespmem:$0x10800] =	vst v63  }
0x124: {  	_ =	swait.ge [sflag:s11], $0x8000  }
0x125: {  	[sflag:s11] =	ssyncset.done $0x0  }
0x126: {  	[sflag:s11] =	ssyncadd.s32 $0xFFFF8000  }
0x127: {  	[hbm4b:s6+s2] =	stream.linear.scatter [tilespmem:s9], [sflag:$0x3], $0x8000, $0x38;
	[tilespmem:$0x10800] =	vst v63  }
0x128: {  	_ =	swait.ge [sflag:s10], $0x8000  }
0x129: {  	[sflag:s10] =	ssyncset.done $0x0  }
0x12a: {  	p1 =	sne.s32 s1, $0x1;
	[sflag:s10] =	ssyncadd.s32 $0xFFFF8000  }
0x12b: {  	[hbm4b:s5+s2] =	stream.linear.scatter [tilespmem:s7], [sflag:$0x4], $0x8000, $0x38;
	[tilespmem:$0x10800] =	vst v63  }
.Ltmp2:
0x12c: {  	_ =	swait.ge [sflag:s8], $0x8000;
	(pc) =	sbr.rel @p1 .LBB2_2-.Ltmp2, $4  }
0x12d: {  	[sflag:s8] =	ssyncset.done $0x0  }
0x12e: {  	[sflag:s8] =	ssyncadd.s32 $0xFFFF8000  }
0x12f: {  	_ =	swait.ge [sflag:s4], $0x8000  }
0x130: {  	s1 =	sadd.s32 $0xFFFFFFFF, s1;
	s0 =	rddreg [dreg:$0x2];
	[sflag:s4] =	ssyncset.done $0x0  }
.LBB2_3:
0x131: {  	[sflag:s4] =	ssyncadd.s32 @p0 $0xFFFF8000  }
0x132: {  	[tilespmem:s2], [sflag:$0x5] =	stream.linear.gather [hbm4b:s0+s2], $0x800, $0x38;
	[tilespmem:$0x10800] =	vst v63  }
0x133: {  	_ =	swait.ge [sflag:s30], $0x800  }
0x134: {  	[sflag:s30] =	ssyncset.done $0x0  }
0x135: {  	[sflag:s30] =	ssyncadd.s32 $0xFFFFF800  }
0x136: {  	[tilespmem:s9], [sflag:$0x1] =	stream.indirect.gather [hbm4b:s3+s4], $0x2000, s2, s4, $0xb8;
	[tilespmem:$0x10800] =	vst v63  }
0x137: {  	_ = 	snop  }
0x138: {  	[tilespmem:s7], [sflag:$0x2] =	stream.indirect.gather [hbm4b:s3+s4], $0x2000, s31, s4, $0xb8;
	[tilespmem:$0x10800] =	vst v63  }
0x139: {  	_ =	swait.ge [sflag:s11], $0x8000  }
0x13a: {  	[sflag:s11] =	ssyncset.done $0x0  }
0x13b: {  	s31 =	rddreg [dreg:$0x3];
	[sflag:s11] =	ssyncadd.s32 $0xFFFF8000  }
0x13c: {  	[hbm4b:s31+s2] =	stream.linear.scatter [tilespmem:s9], [sflag:$0x3], $0x8000, $0x38;
	[tilespmem:$0x10800] =	vst v63  }
0x13d: {  	_ =	swait.ge [sflag:s10], $0x8000  }
0x13e: {  	[sflag:s10] =	ssyncset.done $0x0  }
0x13f: {  	s1 =	rddreg [dreg:$0x4];
	[sflag:s10] =	ssyncadd.s32 $0xFFFF8000  }
0x140: {  	[hbm4b:s1+s2] =	stream.linear.scatter [tilespmem:s7], [sflag:$0x4], $0x8000, $0x38;
	[tilespmem:$0x10800] =	vst v63  }
0x141: {  	_ =	swait.ge [sflag:s8], $0x8000  }
0x142: {  	[sflag:s8] =	ssyncset.done $0x0  }
0x143: {  	[sflag:s8] =	ssyncadd.s32 $0xFFFF8000  }
0x144: {  	_ =	swait.ge [sflag:s4], $0x8000  }
0x145: {  	[sflag:s4] =	ssyncset.done $0x0  }
0x146: {  	[sflag:s4] =	ssyncadd.s32 $0xFFFF8000  }
0x147: {  	[tilespmem:s9], [sflag:$0x1] =	stream.indirect.gather [hbm4b:s3+s4], $0x2000, s28, s4, $0xb8;
	[tilespmem:$0x10800] =	vst v63  }
0x148: {  	_ = 	snop  }
0x149: {  	[tilespmem:s7], [sflag:$0x2] =	stream.indirect.gather [hbm4b:s3+s4], $0x2000, s29, s4, $0xb8;
	[tilespmem:$0x10800] =	vst v63  }
0x14a: {  	_ =	swait.ge [sflag:s11], $0x8000  }
0x14b: {  	[sflag:s11] =	ssyncset.done $0x0  }
0x14c: {  	s29 =	rddreg [dreg:$0x5];
	[sflag:s11] =	ssyncadd.s32 $0xFFFF8000  }
0x14d: {  	[hbm4b:s29+s2] =	stream.linear.scatter [tilespmem:s9], [sflag:$0x3], $0x8000, $0x38;
	[tilespmem:$0x10800] =	vst v63  }
0x14e: {  	_ =	swait.ge [sflag:s10], $0x8000  }
0x14f: {  	[sflag:s10] =	ssyncset.done $0x0  }
0x150: {  	s30 =	rddreg [dreg:$0x6];
	[sflag:s10] =	ssyncadd.s32 $0xFFFF8000  }
0x151: {  	[hbm4b:s30+s2] =	stream.linear.scatter [tilespmem:s7], [sflag:$0x4], $0x8000, $0x38;
	[tilespmem:$0x10800] =	vst v63  }
0x152: {  	_ =	swait.ge [sflag:s8], $0x8000  }
0x153: {  	[sflag:s8] =	ssyncset.done $0x0  }
0x154: {  	[sflag:s8] =	ssyncadd.s32 $0xFFFF8000  }
0x155: {  	_ =	swait.ge [sflag:s4], $0x8000  }
0x156: {  	[sflag:s4] =	ssyncset.done $0x0  }
0x157: {  	[sflag:s4] =	ssyncadd.s32 $0xFFFF8000  }
0x158: {  	[tilespmem:s9], [sflag:$0x1] =	stream.indirect.gather [hbm4b:s3+s4], $0x2000, s25, s4, $0xb8;
	[tilespmem:$0x10800] =	vst v63  }
0x159: {  	_ = 	snop  }
0x15a: {  	[tilespmem:s7], [sflag:$0x2] =	stream.indirect.gather [hbm4b:s3+s4], $0x2000, s26, s4, $0xb8;
	[tilespmem:$0x10800] =	vst v63  }
0x15b: {  	_ =	swait.ge [sflag:s11], $0x8000  }
0x15c: {  	[sflag:s11] =	ssyncset.done $0x0  }
0x15d: {  	s31 =	rddreg [dreg:$0x7];
	[sflag:s11] =	ssyncadd.s32 $0xFFFF8000  }
0x15e: {  	[hbm4b:s31+s2] =	stream.linear.scatter [tilespmem:s9], [sflag:$0x3], $0x8000, $0x38;
	[tilespmem:$0x10800] =	vst v63  }
0x15f: {  	_ =	swait.ge [sflag:s10], $0x8000  }
0x160: {  	[sflag:s10] =	ssyncset.done $0x0  }
0x161: {  	s1 =	rddreg [dreg:$0x8];
	[sflag:s10] =	ssyncadd.s32 $0xFFFF8000  }
0x162: {  	[hbm4b:s1+s2] =	stream.linear.scatter [tilespmem:s7], [sflag:$0x4], $0x8000, $0x38;
	[tilespmem:$0x10800] =	vst v63  }
0x163: {  	_ =	swait.ge [sflag:s8], $0x8000  }
0x164: {  	[sflag:s8] =	ssyncset.done $0x0  }
0x165: {  	[sflag:s8] =	ssyncadd.s32 $0xFFFF8000  }
0x166: {  	_ =	swait.ge [sflag:s4], $0x8000  }
0x167: {  	[sflag:s4] =	ssyncset.done $0x0  }
0x168: {  	[sflag:s4] =	ssyncadd.s32 $0xFFFF8000  }
0x169: {  	[tilespmem:s9], [sflag:$0x1] =	stream.indirect.gather [hbm4b:s3+s4], $0x2000, s23, s4, $0xb8;
	[tilespmem:$0x10800] =	vst v63  }
0x16a: {  	_ = 	snop  }
0x16b: {  	[tilespmem:s7], [sflag:$0x2] =	stream.indirect.gather [hbm4b:s3+s4], $0x2000, s24, s4, $0xb8;
	[tilespmem:$0x10800] =	vst v63  }
0x16c: {  	_ =	swait.ge [sflag:s11], $0x8000  }
0x16d: {  	[sflag:s11] =	ssyncset.done $0x0  }
0x16e: {  	s25 =	rddreg [dreg:$0x9];
	[sflag:s11] =	ssyncadd.s32 $0xFFFF8000  }
0x16f: {  	[hbm4b:s25+s2] =	stream.linear.scatter [tilespmem:s9], [sflag:$0x3], $0x8000, $0x38;
	[tilespmem:$0x10800] =	vst v63  }
0x170: {  	_ =	swait.ge [sflag:s10], $0x8000  }
0x171: {  	[sflag:s10] =	ssyncset.done $0x0  }
0x172: {  	s26 =	rddreg [dreg:$0xa];
	[sflag:s10] =	ssyncadd.s32 $0xFFFF8000  }
0x173: {  	[hbm4b:s26+s2] =	stream.linear.scatter [tilespmem:s7], [sflag:$0x4], $0x8000, $0x38;
	[tilespmem:$0x10800] =	vst v63  }
0x174: {  	_ =	swait.ge [sflag:s8], $0x8000  }
0x175: {  	[sflag:s8] =	ssyncset.done $0x0  }
0x176: {  	[sflag:s8] =	ssyncadd.s32 $0xFFFF8000  }
0x177: {  	_ =	swait.ge [sflag:s4], $0x8000  }
0x178: {  	[sflag:s4] =	ssyncset.done $0x0  }
0x179: {  	[sflag:s4] =	ssyncadd.s32 $0xFFFF8000  }
0x17a: {  	[tilespmem:s9], [sflag:$0x1] =	stream.indirect.gather [hbm4b:s3+s4], $0x2000, s21, s4, $0xb8;
	[tilespmem:$0x10800] =	vst v63  }
0x17b: {  	_ = 	snop  }
0x17c: {  	[tilespmem:s7], [sflag:$0x2] =	stream.indirect.gather [hbm4b:s3+s4], $0x2000, s22, s4, $0xb8;
	[tilespmem:$0x10800] =	vst v63  }
0x17d: {  	_ =	swait.ge [sflag:s11], $0x8000  }
0x17e: {  	[sflag:s11] =	ssyncset.done $0x0  }
0x17f: {  	s28 =	rddreg [dreg:$0xb];
	[sflag:s11] =	ssyncadd.s32 $0xFFFF8000  }
0x180: {  	[hbm4b:s28+s2] =	stream.linear.scatter [tilespmem:s9], [sflag:$0x3], $0x8000, $0x38;
	[tilespmem:$0x10800] =	vst v63  }
0x181: {  	_ =	swait.ge [sflag:s10], $0x8000  }
0x182: {  	[sflag:s10] =	ssyncset.done $0x0  }
0x183: {  	s29 =	rddreg [dreg:$0xc];
	[sflag:s10] =	ssyncadd.s32 $0xFFFF8000  }
0x184: {  	[hbm4b:s29+s2] =	stream.linear.scatter [tilespmem:s7], [sflag:$0x4], $0x8000, $0x38;
	[tilespmem:$0x10800] =	vst v63  }
0x185: {  	_ =	swait.ge [sflag:s8], $0x8000  }
0x186: {  	[sflag:s8] =	ssyncset.done $0x0  }
0x187: {  	[sflag:s8] =	ssyncadd.s32 $0xFFFF8000  }
0x188: {  	_ =	swait.ge [sflag:s4], $0x8000  }
0x189: {  	[sflag:s4] =	ssyncset.done $0x0  }
0x18a: {  	[sflag:s4] =	ssyncadd.s32 $0xFFFF8000  }
0x18b: {  	[tilespmem:s9], [sflag:$0x1] =	stream.indirect.gather [hbm4b:s3+s4], $0x2000, s19, s4, $0xb8;
	[tilespmem:$0x10800] =	vst v63  }
0x18c: {  	_ = 	snop  }
0x18d: {  	[tilespmem:s7], [sflag:$0x2] =	stream.indirect.gather [hbm4b:s3+s4], $0x2000, s20, s4, $0xb8;
	[tilespmem:$0x10800] =	vst v63  }
0x18e: {  	_ =	swait.ge [sflag:s11], $0x8000  }
0x18f: {  	[sflag:s11] =	ssyncset.done $0x0  }
0x190: {  	s30 =	rddreg [dreg:$0xd];
	[sflag:s11] =	ssyncadd.s32 $0xFFFF8000  }
0x191: {  	[hbm4b:s30+s2] =	stream.linear.scatter [tilespmem:s9], [sflag:$0x3], $0x8000, $0x38;
	[tilespmem:$0x10800] =	vst v63  }
0x192: {  	_ =	swait.ge [sflag:s10], $0x8000  }
0x193: {  	[sflag:s10] =	ssyncset.done $0x0  }
0x194: {  	[sflag:s10] =	ssyncadd.s32 $0xFFFF8000  }
0x195: {  	[hbm4b:s14+s2] =	stream.linear.scatter [tilespmem:s7], [sflag:$0x4], $0x8000, $0x38;
	[tilespmem:$0x10800] =	vst v63  }
0x196: {  	_ =	swait.ge [sflag:s8], $0x8000  }
0x197: {  	[sflag:s8] =	ssyncset.done $0x0  }
0x198: {  	[sflag:s8] =	ssyncadd.s32 $0xFFFF8000  }
0x199: {  	_ =	swait.ge [sflag:s4], $0x8000  }
0x19a: {  	[sflag:s4] =	ssyncset.done $0x0  }
0x19b: {  	[sflag:s4] =	ssyncadd.s32 $0xFFFF8000  }
0x19c: {  	[tilespmem:s9], [sflag:$0x1] =	stream.indirect.gather [hbm4b:s3+s4], $0x2000, s17, s4, $0xb8;
	[tilespmem:$0x10800] =	vst v63  }
0x19d: {  	_ = 	snop  }
0x19e: {  	[tilespmem:s7], [sflag:$0x2] =	stream.indirect.gather [hbm4b:s3+s4], $0x2000, s18, s4, $0xb8;
	[tilespmem:$0x10800] =	vst v63  }
0x19f: {  	_ =	swait.ge [sflag:s11], $0x8000  }
0x1a0: {  	[sflag:s11] =	ssyncset.done $0x0  }
0x1a1: {  	[sflag:s11] =	ssyncadd.s32 $0xFFFF8000  }
0x1a2: {  	[hbm4b:s13+s2] =	stream.linear.scatter [tilespmem:s9], [sflag:$0x3], $0x8000, $0x38;
	[tilespmem:$0x10800] =	vst v63  }
0x1a3: {  	_ =	swait.ge [sflag:s10], $0x8000  }
0x1a4: {  	[sflag:s10] =	ssyncset.done $0x0  }
0x1a5: {  	[sflag:s10] =	ssyncadd.s32 $0xFFFF8000  }
0x1a6: {  	[hbm4b:s12+s2] =	stream.linear.scatter [tilespmem:s7], [sflag:$0x4], $0x8000, $0x38;
	[tilespmem:$0x10800] =	vst v63  }
0x1a7: {  	_ =	swait.ge [sflag:s8], $0x8000  }
0x1a8: {  	[sflag:s8] =	ssyncset.done $0x0  }
0x1a9: {  	[sflag:s8] =	ssyncadd.s32 $0xFFFF8000  }
0x1aa: {  	_ =	swait.ge [sflag:s4], $0x8000  }
0x1ab: {  	[sflag:s4] =	ssyncset.done $0x0  }
0x1ac: {  	[sflag:s4] =	ssyncadd.s32 $0xFFFF8000  }
0x1ad: {  	[tilespmem:s9], [sflag:$0x1] =	stream.indirect.gather [hbm4b:s3+s4], $0x2000, s15, s4, $0xb8;
	[tilespmem:$0x10800] =	vst v63  }
0x1ae: {  	_ = 	snop  }
0x1af: {  	[tilespmem:s7], [sflag:$0x2] =	stream.indirect.gather [hbm4b:s3+s4], $0x2000, s16, s4, $0xb8;
	[tilespmem:$0x10800] =	vst v63  }
0x1b0: {  	_ =	swait.ge [sflag:s11], $0x8000  }
0x1b1: {  	[sflag:s11] =	ssyncset.done $0x0  }
0x1b2: {  	[sflag:s11] =	ssyncadd.s32 $0xFFFF8000  }
0x1b3: {  	[hbm4b:s6+s2] =	stream.linear.scatter [tilespmem:s9], [sflag:$0x3], $0x8000, $0x38;
	[tilespmem:$0x10800] =	vst v63  }
0x1b4: {  	_ =	swait.ge [sflag:s10], $0x8000  }
0x1b5: {  	[sflag:s10] =	ssyncset.done $0x0  }
0x1b6: {  	[sflag:s10] =	ssyncadd.s32 $0xFFFF8000  }
0x1b7: {  	[hbm4b:s5+s2] =	stream.linear.scatter [tilespmem:s7], [sflag:$0x4], $0x8000, $0x38;
	[tilespmem:$0x10800] =	vst v63  }
0x1b8: {  	_ =	swait.ge [sflag:s8], $0x8000  }
0x1b9: {  	[sflag:s8] =	ssyncset.done $0x0  }
0x1ba: {  	[sflag:s8] =	ssyncadd.s32 $0xFFFF8000  }
0x1bb: {  	_ =	swait.ge [sflag:s4], $0x8000  }
0x1bc: {  	[sflag:s4] =	ssyncset.done $0x0  }
0x1bd: {  	[sflag:s4] =	ssyncadd.s32 $0xFFFF8000  }
0x1be: {  	_ =	sfence.sel $0x180000  }
0x1bf: {  	[bflag:$0x0] =	sbarrier.arrive $0xFFFF  }
0x1c0: {  	_ =	strace $0x9000004D  }
0x1c1: {  	s31 =	stileid.u32;
	[bflag:$0x2] =	sbarrier.arrive $0xFFFF  }
0x1c2: {  	p0 =	sne.s32 s31, $0x0;
	s0 =	rddreg [dreg:$0x1]  }
0x1c3: {  	s0 =	sadd.s32 @!p0 $0x100000, s0  }
0x1c4: {  	[sflag:s0] =	ssyncadd.tile.s32 @!p0 $0x1;
	_ =	shalt  }
.Lfunc_end2:
_tile_overlayer_lowered:
.L_overlay_start_2:
0x1c5: {  	(tag) =	ssettag $0x2  }
0x1c6: {  	s0 =	rddreg [dreg:$0x0];
	s2 =	stileid.u32  }
0x1c7: {  	s1 =	rddreg [dreg:$0x1];
	p0 =	sne.s32 s2, $0x0  }
0x1c8: {  	s3 =	rddreg [dreg:$0x2];
	[bflag:$0x3] =	sbarrier.arrive $0xFFFF;
	s2 =	simm.s32 @!p0 $0x1C05  }
0x1c9: {  	[timem:s3], [sflag:s2] =	dma.local @!p0 [hbm:s0], s1  }
0x1ca: {  	s0 =	simm.s32 @!p0 $0x5  }
0x1cb: {  	_ =	swait.ge @!p0 [sflag:s0], s1  }
0x1cc: {  	s1 =	ssub.s32 @!p0 $0x0, s1;
	[sflag:s0] =	ssyncset.done @!p0 $0x0  }
0x1cd: {  	[sflag:s0] =	ssyncadd.s32 @!p0 s1  }
0x1ce: {  	[bflag:$0x3] =	sbarrier.arrive $0xFFFF  }
0x1cf: {  	_ =	shalt  }

// kernel: kernel.20.cloned.1.call-start
scs
__scs_entry_jumppad:
0x0: {  	(pc) =	sbr.rel $0x88, $3  }
0x1: {  	(tag) =	ssettag $0x0;
	lr =	simm.s32 $0x1  }
0x2: {  	[smem:$0x3F9F] =	sst lr;
	_ =	strace $0xD0000000  }
0x3: {  	_ = 	snop  }
0x4: {  	_ = 	snop  }
0x5: {  	_ = 	snop  }
0x6: {  	_ = 	snop  }
0x7: {  	_ = 	snop  }
__scs_overlays_trampoline_lowered:
0x8: {  	[smem:$0x3FAE] =	sst s0  }
0x9: {  	[smem:$0x3FAF] =	sst s1  }
0xa: {  	[smem:$0x3FB0] =	sst s2  }
0xb: {  	[smem:$0x3FB1] =	sst s3  }
0xc: {  	[smem:$0x3FB2] =	sst s4  }
0xd: {  	[smem:$0x3FB3] =	sst s5  }
0xe: {  	[smem:$0x3FB4] =	sst s6  }
0xf: {  	[smem:$0x3FB5] =	sst s7  }
0x10: {  	[smem:$0x3FB6] =	sst s8  }
0x11: {  	[smem:$0x3FB7] =	sst s9;
	s0 =	simm.s32 @!p0 $0x0  }
0x12: {  	s1 =	sld [smem:$0x3F9D];
	s0 =	simm.s32 @p0 $0x1  }
0x13: {  	[smem:$0x3FB8] =	sst s0;
	s0 =	simm.s32 @!p1 $0x0  }
0x14: {  	s2 =	sld [smem:$0x3F9C];
	s0 =	simm.s32 @p1 $0x1  }
0x15: {  	[smem:$0x3FB9] =	sst s0;
	s0 =	simm.s32 @!p2 $0x0  }
0x16: {  	s3 =	sld [smem:$0x3FDB];
	s0 =	simm.s32 @p2 $0x1  }
0x17: {  	s4 =	simm.s32 $0x1BF5;
	[smem:$0x3FBB] =	sst s0  }
0x18: {  	s0 =	sld [smem:$0x3F9E];
	_ =	swait.ge [sflag:s4], $0x0  }
0x19: {  	s7 =	sld [smem:$0x3F9F]  }
0x1a: {  	s8 =	sadd.s32 $0xFFFFE003, lr  }
0x1b: {  	s9 =	sadd.s32 $0xFFFFFEF7, lr;
	s5 =	simm.s32 $0xFFFFFFFF;
	p2 =	slt.u32 s8, $0xFFFFF086  }
0x1c: {  	p1 =	slt.u32 s9, $0xF7A;
	s5 =	simm.s32 @!p2 $0x0  }
0x1d: {  	s5 =	simm.s32 @p1 $0x1;
	p0 =	seq.s32 s7, s2  }
0x1e: {  	s7 =	smul.u32 @!p0 $0xF7A, s2;
	p2 =	seq.s32 @!p0 s5, $0x0  }
0x1f: {  	s9 =	smul.u32 $0xF7A, s1;
	s8 =	simm.s32 @!p0 $0x1BF5;
	p2 =	por !p2, p0  }
0x20: {  	[sflag:s8] =	ssyncset.s32 @!p0 $0xFFFFF086;
	s6 =	sadd.s32 @!p0 s3, s7;
	s7 =	simm.s32 @!p0 $0x108  }
0x21: {  	s3 =	sadd.s32 s3, s9;
	s6 =	sadd.s32 @!p0 $0x88, s6;
	s7 =	simm.s32 @p2 $0x1082  }
0x22: {  	[simem:s7], [sflag:s8] =	dma.local @!p0 [hbm:s6], $0xF7A  }
0x23: {  	s9 =	sor.u32 $0xD0000000, s2;
	s6 =	simm.s32 $0x108;
	_ =	swait.ge @!p0 [sflag:s8], $0x0  }
0x24: {  	s3 =	sadd.s32 $0x88, s3;
	s6 =	simm.s32 @!p1 $0x1082;
	[sflag:s4] =	ssyncset.s32 $0xFFFFF086  }
0x25: {  	[simem:s6], [sflag:s4] =	dma.local [hbm:s3], $0xF7A  }
0x26: {  	[smem:$0x3F9F] =	sst s1;
	(tag) =	ssettag s2;
	_ =	strace s9  }
0x27: {  	s1 =	sld [smem:$0x3FAF]  }
0x28: {  	s2 =	sld [smem:$0x3FB0]  }
0x29: {  	s4 =	sld [smem:$0x3FB2]  }
0x2a: {  	p0 =	seq.s32 s5, $0x0;
	s5 =	sld [smem:$0x3FB3]  }
0x2b: {  	s6 =	sld [smem:$0x3FB4]  }
0x2c: {  	s7 =	sld [smem:$0x3FB5]  }
0x2d: {  	s3 =	simm.s32 $0x108;
	s8 =	sld [smem:$0x3FB6]  }
0x2e: {  	s3 =	simm.s32 @!p0 $0x1082;
	s9 =	sld [smem:$0x3FB7]  }
0x2f: {  	lr =	sadd.s32 s0, s3;
	s0 =	sld [smem:$0x3FAE]  }
0x30: {  	s3 =	sld [smem:$0x3FB1]  }
0x31: {  	[smem:$0x3FBA] =	sst s10  }
0x32: {  	s10 =	sld [smem:$0x3FB8];
	_ =	sdelay $0x3  }
0x33: {  	p0 =	seq.s32 s10, $0x1;
	s10 =	sld [smem:$0x3FBA];
	_ =	sdelay $0x3  }
0x34: {  	[smem:$0x3FBA] =	sst s10  }
0x35: {  	s10 =	sld [smem:$0x3FB9];
	_ =	sdelay $0x3  }
0x36: {  	p1 =	seq.s32 s10, $0x1;
	s10 =	sld [smem:$0x3FBA];
	_ =	sdelay $0x3  }
0x37: {  	[smem:$0x3FBA] =	sst s10  }
0x38: {  	s10 =	sld [smem:$0x3FBB]  }
0x39: {  	_ = 	snop;
	(pc) =	sbr.ind lr, $3  }
0x3a: {  	_ = 	snop  }
0x3b: {  	_ = 	snop  }
0x3c: {  	p2 =	seq.s32 s10, $0x1;
	s10 =	sld [smem:$0x3FBA]  }
0x3d: {  	_ =	shalt  }
0x3e: {  	_ =	shalt  }
0x3f: {  	_ =	shalt  }
0x40: {  	_ =	shalt  }
0x41: {  	_ =	shalt  }
0x42: {  	_ =	shalt  }
0x43: {  	_ =	shalt  }
0x44: {  	_ =	shalt  }
0x45: {  	_ =	shalt  }
0x46: {  	_ =	shalt  }
0x47: {  	_ =	shalt  }
0x48: {  	_ =	shalt  }
0x49: {  	_ =	shalt  }
0x4a: {  	_ =	shalt  }
0x4b: {  	_ =	shalt  }
0x4c: {  	_ =	shalt  }
0x4d: {  	_ =	shalt  }
0x4e: {  	_ =	shalt  }
0x4f: {  	_ =	shalt  }
0x50: {  	_ =	shalt  }
0x51: {  	_ =	shalt  }
0x52: {  	_ =	shalt  }
0x53: {  	_ =	shalt  }
0x54: {  	_ =	shalt  }
0x55: {  	_ =	shalt  }
0x56: {  	_ =	shalt  }
0x57: {  	_ =	shalt  }
0x58: {  	_ =	shalt  }
0x59: {  	_ =	shalt  }
0x5a: {  	_ =	shalt  }
0x5b: {  	_ =	shalt  }
0x5c: {  	_ =	shalt  }
0x5d: {  	_ =	shalt  }
0x5e: {  	_ =	shalt  }
0x5f: {  	_ =	shalt  }
0x60: {  	_ =	shalt  }
0x61: {  	_ =	shalt  }
0x62: {  	_ =	shalt  }
0x63: {  	_ =	shalt  }
0x64: {  	_ =	shalt  }
0x65: {  	_ =	shalt  }
0x66: {  	_ =	shalt  }
0x67: {  	_ =	shalt  }
0x68: {  	_ =	shalt  }
0x69: {  	_ =	shalt  }
0x6a: {  	_ =	shalt  }
0x6b: {  	_ =	shalt  }
0x6c: {  	_ =	shalt  }
0x6d: {  	_ =	shalt  }
0x6e: {  	_ =	shalt  }
0x6f: {  	_ =	shalt  }
0x70: {  	_ =	shalt  }
0x71: {  	_ =	shalt  }
0x72: {  	_ =	shalt  }
0x73: {  	_ =	shalt  }
0x74: {  	_ =	shalt  }
0x75: {  	_ =	shalt  }
0x76: {  	_ =	shalt  }
0x77: {  	_ =	shalt  }
0x78: {  	_ =	shalt  }
0x79: {  	_ =	shalt  }
0x7a: {  	_ =	shalt  }
0x7b: {  	_ =	shalt  }
0x7c: {  	_ =	shalt  }
0x7d: {  	_ =	shalt  }
0x7e: {  	_ =	shalt  }
0x7f: {  	_ =	shalt  }
0x80: {  	_ =	shalt  }
0x81: {  	_ =	shalt  }
0x82: {  	_ =	shalt  }
0x83: {  	_ =	shalt  }
0x84: {  	_ =	shalt  }
0x85: {  	_ =	shalt  }
0x86: {  	_ =	shalt  }
0x87: {  	_ =	shalt  }
.Lfunc_end0:
.L_simem_size_0:
called_computation.3_lowered:
.L_overlay_start_0:
0x88: {  	s2 =	sld [smem:$0x3FD9]  }
0x89: {  	s3 =	sld [smem:$0x3FFE];
	_ =	sdelay $0x1  }
0x8a: {  	s1 =	srdreg.scid  }
0x8b: {  	s0 =	sand.u32 $0x1, s1  }
0x8c: {  	s17 =	sshll.u32 s0, $0xA;
	s2 =	sadd.s32 s3, s2  }
0x8d: {  	s2 =	sadd.s32 s2, s17  }
0x8e: {  	[smem:$0x3FC6] =	sst s2  }
0x8f: {  	_ = 	snop  }
0x90: {  	(tm) =	ssettm $0x1  }
0x91: {  	s18 =	sld [smem:$0x3FFB];
	_ =	sdelay $0x3  }
0x92: {  	_ =	strace s18  }
0x93: {  	s2 =	sld [smem:$0x3FFC];
	_ =	sdelay $0x3  }
0x94: {  	_ =	strace s2  }
0x95: {  	s2 =	sld [smem:$0x3FFD];
	_ =	sdelay $0x3  }
0x96: {  	_ =	strace s2  }
0x97: {  	_ =	strace $0x8FFFFFFF  }
0x98: {  	s19 =	sld [smem:$0x3FDB];
	_ =	sdelay $0x1  }
0x99: {  	s20 =	simm.s32 $_scs_section_size  }
0x9a: {  	s4 =	simm.s32 $_size__tile_overlayer_lowered;
	s5 =	simm.s32 $_tile_overlayer_lowered  }
0x9b: {  	s6 =	simm.s32 $0x1BFF;
	s21 =	sshll.u32 s5, $0x1;
	s3 =	sadd.s32 s20, s19  }
0x9c: {  	s22 =	simm.s32 $0x0;
	s4 =	sshll.u32 s4, $0x1;
	s5 =	sadd.s32 s21, s3  }
0x9d: {  	[timem:s22], [sflag:s6] =	dma.local [hbm:s5], s4  }
0x9e: {  	_ =	swait.ge [sflag:s6], s4  }
0x9f: {  	s4 =	ssub.s32 $0x0, s4;
	[sflag:s6] =	ssyncset.done $0x0  }
0xa0: {  	[sflag:s6] =	ssyncadd.s32 s4;
	_ =	sdelay $0x1  }
0xa1: {  	s23 =	simm.s32 $0x1B8B  }
0xa2: {  	_ =	swait.ge [sflag:s23], $0x1  }
0xa3: {  	[sflag:s23] =	ssyncset.done $0x0  }
0xa4: {  	[sflag:s23] =	ssyncadd.s32 $0xFFFFFFFF  }
0xa5: {  	s4 =	sld [smem:$0x0]  }
0xa6: {  	s5 =	sand.u32 $0xFFFFFFFE, s1  }
0xa7: {  	p0 =	sne.s32 s1, s5  }
0xa8: {  	s5 =	sshll.u32 @p0 s5, $0xE  }
0xa9: {  	s5 =	sadd.s32 @p0 $0x11B8D, s5;
	s6 =	sshll.u32 @p0 s4, $0x11  }
0xaa: {  	s5 =	sor.u32 @p0 s6, s5  }
0xab: {  	[sflag:s5] =	ssyncadd.remote.s32 @p0 $0x1;
	_ =	sdelay $0x1  }
0xac: {  	s5 =	simm.s32 @p0 $0x1B8D  }
0xad: {  	_ =	swait.eq @p0 [sflag:s5], $0x1  }
0xae: {  	[sflag:s5] =	ssyncadd.s32 @p0 $0xFFFFFFFF  }
0xaf: {  	s6 =	sshll.u32 @!p0 s1, $0xE  }
0xb0: {  	s6 =	sor.u32 @!p0 $0x4000, s6;
	s5 =	simm.s32 @!p0 $0x1B8D  }
0xb1: {  	s4 =	sshll.u32 @!p0 s4, $0x11;
	s6 =	sadd.s32 @!p0 $0x11B8D, s6;
	_ =	swait.eq @!p0 [sflag:s5], $0x1  }
0xb2: {  	s4 =	sor.u32 @!p0 s4, s6;
	[sflag:s5] =	ssyncadd.s32 @!p0 $0xFFFFFFFF  }
0xb3: {  	s25 =	simm.s32 $0x1B8E;
	s24 =	sld [smem:$0x3FFE];
	[sflag:s4] =	ssyncadd.remote.s32 @!p0 $0x1  }
0xb4: {  	s26 =	simm.s32 $execute0_lowered;
	[smem:$0x3FD2] =	sst s25  }
0xb5: {  	s5 =	sshll.u32 s26, $0x1;
	_ =	strace $0x8000004F;
	[dreg:$0x1] =	wrdreg $0xFFFFFFFF  }
0xb6: {  	s28 =	simm.s32 $_size_execute0_lowered;
	s3 =	sadd.s32 s3, s5;
	[dreg:$0x0] =	wrdreg $0x0  }
0xb7: {  	s5 =	sshll.u32 s28, $0x1;
	[dreg:$0x2] =	wrdreg s3  }
0xb8: {  	[dreg:$0x3] =	wrdreg s5  }
0xb9: {  	[dreg:$0x4] =	wrdreg $0xC0  }
0xba: {  	_ =	task [dreg:s22], $0x5FFFF  }
0xbb: {  	[dreg:$0x1] =	wrdreg $0xFFFFFFFF  }
0xbc: {  	[dreg:$0x0] =	wrdreg $0x60  }
0xbd: {  	[dreg:$0x2] =	wrdreg s24  }
0xbe: {  	[dreg:$0x3] =	wrdreg $0xC  }
0xbf: {  	_ =	task.clear_ibuf [dreg:s22], $0x4FFFF;
	_ =	strace $0x9000004F  }
0xc0: {  	s29 =	simm.s32 $0xC;
	_ =	strace $0x80000051  }
0xc1: {  	_ =	swait.ge [sflag:s29], $0x1  }
0xc2: {  	[sflag:s29] =	ssyncadd.s32 $0xFFFFFFFF  }
0xc3: {  	_ =	strace $0x90000051  }
0xc4: {  	_ =	sfence  }
0xc5: {  	s30 =	sld [smem:$0x0];
	_ =	sdelay $0x2  }
0xc6: {  	s31 =	sshll.u32 s1, $0xD;
	s1 =	sshrl.u32 s1, $0x2  }
0xc7: {  	s4 =	sand.u32 $0x4000, s31;
	s1 =	sadd.s32 s1, s30  }
0xc8: {  	s0 =	sor.u32 s4, s0;
	s1 =	sshll.u32 s1, $0x11  }
0xc9: {  	s0 =	sor.u32 s1, s0  }
0xca: {  	s0 =	sadd.s32 $0x8F2B, s0  }
0xcb: {  	[sflag:s0] =	ssyncadd.remote.s32 $0x1  }
0xcc: {  	_ =	sfence.sel $0xFFFF  }
0xcd: {  	[dreg:$0x0] =	wrdreg $0xFFFFFFFF;
	(pc) =	sbr.abs _section_cstart, $3  }
0xce: {  	[dreg:$0x1] =	wrdreg $0xFFFFFFFF  }
0xcf: {  	_ =	task.clear_ibuf [dreg:s22], $0x2FFFF;
	_ =	strace $0x9FFFFFFF  }
0xd0: {  	(tm) =	ssettm $0x7FFFFFFF  }
0xd1: {  	_ =	shalt  }
tec
execute0_lowered:
.L_overlay_start_1:
0x0: {  	(tag) =	ssettag $0x1  }
0x1: {  	s0 =	srdreg.scid;
	s1 =	stileid.u32  }
0x2: {  	s3 =	rddreg [dreg:$0x0];
	s2 =	simm.s32 $0x0;
	s30 =	simm.s32 $0x5  }
0x3: {  	s9 =	simm.s32 $0x800;
	s31 =	simm.s32 $0x80;
	s7 =	simm.s32 $0x8800  }
0x4: {  	s11 =	simm.s32 $0x1;
	s0 =	sand.u32 $0x1, s0;
	s1 =	sshll.u32 s1, $0x1  }
0x5: {  	s10 =	simm.s32 $0x2;
	s8 =	simm.s32 $0x3;
	s1 =	sor.u32 s0, s1  }
0x6: {  	s28 =	simm.s32 $0x100;
	s29 =	simm.s32 $0x180;
	s4 =	sshll.u32 s1, $0x8  }
0x7: {  	p0 =	por $0x0, $0x0;
	s1 =	sshll.u32 s1, $0x10;
	s4 =	sadd.s32 s4, s3  }
0x8: {  	[smem:$0x7FF] =	sst s2;
	s1 =	sadd.s32 s1, s3;
	s4 =	sadd.s32 $0x804600, s4  }
0x9: {  	_ =	strace $0x80000050;
	s16 =	sadd.s32 $0x806600, s1;
	[dreg:$0x2] =	wrdreg s4  }
0xa: {  	s15 =	simm.s32 $0x700;
	s17 =	sadd.s32 $0x807600, s1;
	[dreg:$0x3] =	wrdreg s16  }
0xb: {  	s0 =	ssub.s32 $0x2, s0;
	s18 =	sadd.s32 $0x808600, s1;
	[dreg:$0x4] =	wrdreg s17  }
0xc: {  	s5 =	sshrl.u32 s0, $0x1;
	s19 =	sadd.s32 $0x809600, s1;
	[dreg:$0x5] =	wrdreg s18  }
0xd: {  	s3 =	sadd.s32 $0x200, s3;
	s20 =	sadd.s32 $0x80A600, s1;
	[dreg:$0x6] =	wrdreg s19  }
0xe: {  	s0 =	ssub.s32 s0, s5;
	s21 =	sadd.s32 $0x80B600, s1;
	[dreg:$0x7] =	wrdreg s20  }
0xf: {  	s22 =	sadd.s32 $0x80C600, s1;
	s23 =	sadd.s32 $0x80D600, s1;
	[dreg:$0x8] =	wrdreg s21  }
0x10: {  	s0 =	smax.u32 s0, $0x1;
	s24 =	sadd.s32 $0x80E600, s1;
	[dreg:$0x9] =	wrdreg s22  }
0x11: {  	s25 =	sadd.s32 $0x80F600, s1;
	s26 =	sadd.s32 $0x810600, s1;
	[dreg:$0xa] =	wrdreg s23  }
0x12: {  	s14 =	sadd.s32 $0x811600, s1;
	s13 =	sadd.s32 $0x812600, s1;
	[dreg:$0xb] =	wrdreg s24  }
0x13: {  	s12 =	sadd.s32 $0x813600, s1;
	s6 =	sadd.s32 $0x814600, s1;
	[dreg:$0xc] =	wrdreg s25  }
0x14: {  	s5 =	sadd.s32 $0x815600, s1;
	[dreg:$0xd] =	wrdreg s26;
	p1 =	sne.s32 s0, $0x1  }
.Ltmp0:
0x15: {  	s4 =	simm.s32 $0x4;
	s25 =	simm.s32 $0x200;
	(pc) =	sbr.rel @!p1 .LBB2_3-.Ltmp0, $4  }
0x16: {  	s26 =	simm.s32 $0x280;
	s23 =	simm.s32 $0x300;
	s24 =	simm.s32 $0x380  }
0x17: {  	s21 =	simm.s32 $0x400;
	s22 =	simm.s32 $0x480;
	s1 =	sadd.s32 $0xFFFFFFFF, s0  }
0x18: {  	s19 =	simm.s32 $0x500;
	s20 =	simm.s32 $0x580;
	s17 =	simm.s32 $0x600  }
0x19: {  	s18 =	simm.s32 $0x680;
	s16 =	simm.s32 $0x780;
	s0 =	rddreg [dreg:$0x2]  }
0x1a: {  	[tilespmem:s2], [sflag:$0x5] =	stream.linear.gather [hbm4b:s0+s2], $0x800, $0x38;
	[tilespmem:$0x10800] =	vst v63  }
0x1b: {  	_ =	swait.ge [sflag:s30], $0x800  }
0x1c: {  	[sflag:s30] =	ssyncset.done $0x0  }
0x1d: {  	[sflag:s30] =	ssyncadd.s32 $0xFFFFF800  }
0x1e: {  	[tilespmem:s9], [sflag:$0x1] =	stream.indirect.gather [hbm4b:s3+s4], $0x2000, s2, s4, $0xb8;
	[tilespmem:$0x10800] =	vst v63  }
0x1f: {  	_ = 	snop  }
0x20: {  	[tilespmem:s7], [sflag:$0x2] =	stream.indirect.gather [hbm4b:s3+s4], $0x2000, s31, s4, $0xb8;
	[tilespmem:$0x10800] =	vst v63  }
0x21: {  	_ =	swait.ge [sflag:s11], $0x8000  }
0x22: {  	[sflag:s11] =	ssyncset.done $0x0  }
0x23: {  	s0 =	rddreg [dreg:$0x3];
	[sflag:s11] =	ssyncadd.s32 $0xFFFF8000  }
0x24: {  	[hbm4b:s0+s2] =	stream.linear.scatter [tilespmem:s9], [sflag:$0x3], $0x8000, $0x38;
	[tilespmem:$0x10800] =	vst v63  }
0x25: {  	_ =	swait.ge [sflag:s10], $0x8000  }
0x26: {  	[sflag:s10] =	ssyncset.done $0x0  }
0x27: {  	s0 =	rddreg [dreg:$0x4];
	[sflag:s10] =	ssyncadd.s32 $0xFFFF8000  }
0x28: {  	[hbm4b:s0+s2] =	stream.linear.scatter [tilespmem:s7], [sflag:$0x4], $0x8000, $0x38;
	[tilespmem:$0x10800] =	vst v63  }
0x29: {  	_ =	swait.ge [sflag:s8], $0x8000  }
0x2a: {  	[sflag:s8] =	ssyncset.done $0x0  }
0x2b: {  	[sflag:s8] =	ssyncadd.s32 $0xFFFF8000  }
0x2c: {  	_ =	swait.ge [sflag:s4], $0x8000  }
0x2d: {  	[sflag:s4] =	ssyncset.done $0x0  }
0x2e: {  	[sflag:s4] =	ssyncadd.s32 $0xFFFF8000  }
0x2f: {  	[tilespmem:s9], [sflag:$0x1] =	stream.indirect.gather [hbm4b:s3+s4], $0x2000, s28, s4, $0xb8;
	[tilespmem:$0x10800] =	vst v63  }
0x30: {  	_ = 	snop  }
0x31: {  	[tilespmem:s7], [sflag:$0x2] =	stream.indirect.gather [hbm4b:s3+s4], $0x2000, s29, s4, $0xb8;
	[tilespmem:$0x10800] =	vst v63  }
0x32: {  	_ =	swait.ge [sflag:s11], $0x8000  }
0x33: {  	[sflag:s11] =	ssyncset.done $0x0  }
0x34: {  	s0 =	rddreg [dreg:$0x5];
	[sflag:s11] =	ssyncadd.s32 $0xFFFF8000  }
0x35: {  	[hbm4b:s0+s2] =	stream.linear.scatter [tilespmem:s9], [sflag:$0x3], $0x8000, $0x38;
	[tilespmem:$0x10800] =	vst v63  }
0x36: {  	_ =	swait.ge [sflag:s10], $0x8000  }
0x37: {  	[sflag:s10] =	ssyncset.done $0x0  }
0x38: {  	s0 =	rddreg [dreg:$0x6];
	[sflag:s10] =	ssyncadd.s32 $0xFFFF8000  }
0x39: {  	[hbm4b:s0+s2] =	stream.linear.scatter [tilespmem:s7], [sflag:$0x4], $0x8000, $0x38;
	[tilespmem:$0x10800] =	vst v63  }
0x3a: {  	_ =	swait.ge [sflag:s8], $0x8000  }
0x3b: {  	[sflag:s8] =	ssyncset.done $0x0  }
0x3c: {  	[sflag:s8] =	ssyncadd.s32 $0xFFFF8000  }
0x3d: {  	_ =	swait.ge [sflag:s4], $0x8000  }
0x3e: {  	[sflag:s4] =	ssyncset.done $0x0  }
0x3f: {  	[sflag:s4] =	ssyncadd.s32 $0xFFFF8000  }
0x40: {  	[tilespmem:s9], [sflag:$0x1] =	stream.indirect.gather [hbm4b:s3+s4], $0x2000, s25, s4, $0xb8;
	[tilespmem:$0x10800] =	vst v63  }
0x41: {  	_ = 	snop  }
0x42: {  	[tilespmem:s7], [sflag:$0x2] =	stream.indirect.gather [hbm4b:s3+s4], $0x2000, s26, s4, $0xb8;
	[tilespmem:$0x10800] =	vst v63  }
0x43: {  	_ =	swait.ge [sflag:s11], $0x8000  }
0x44: {  	[sflag:s11] =	ssyncset.done $0x0  }
0x45: {  	s0 =	rddreg [dreg:$0x7];
	[sflag:s11] =	ssyncadd.s32 $0xFFFF8000  }
0x46: {  	[hbm4b:s0+s2] =	stream.linear.scatter [tilespmem:s9], [sflag:$0x3], $0x8000, $0x38;
	[tilespmem:$0x10800] =	vst v63  }
0x47: {  	_ =	swait.ge [sflag:s10], $0x8000  }
0x48: {  	[sflag:s10] =	ssyncset.done $0x0  }
0x49: {  	s0 =	rddreg [dreg:$0x8];
	[sflag:s10] =	ssyncadd.s32 $0xFFFF8000  }
0x4a: {  	[hbm4b:s0+s2] =	stream.linear.scatter [tilespmem:s7], [sflag:$0x4], $0x8000, $0x38;
	[tilespmem:$0x10800] =	vst v63  }
0x4b: {  	_ =	swait.ge [sflag:s8], $0x8000  }
0x4c: {  	[sflag:s8] =	ssyncset.done $0x0  }
0x4d: {  	[sflag:s8] =	ssyncadd.s32 $0xFFFF8000  }
0x4e: {  	_ =	swait.ge [sflag:s4], $0x8000  }
0x4f: {  	[sflag:s4] =	ssyncset.done $0x0  }
0x50: {  	[sflag:s4] =	ssyncadd.s32 $0xFFFF8000  }
0x51: {  	[tilespmem:s9], [sflag:$0x1] =	stream.indirect.gather [hbm4b:s3+s4], $0x2000, s23, s4, $0xb8;
	[tilespmem:$0x10800] =	vst v63  }
0x52: {  	_ = 	snop  }
0x53: {  	[tilespmem:s7], [sflag:$0x2] =	stream.indirect.gather [hbm4b:s3+s4], $0x2000, s24, s4, $0xb8;
	[tilespmem:$0x10800] =	vst v63  }
0x54: {  	_ =	swait.ge [sflag:s11], $0x8000  }
0x55: {  	[sflag:s11] =	ssyncset.done $0x0  }
0x56: {  	s0 =	rddreg [dreg:$0x9];
	[sflag:s11] =	ssyncadd.s32 $0xFFFF8000  }
0x57: {  	[hbm4b:s0+s2] =	stream.linear.scatter [tilespmem:s9], [sflag:$0x3], $0x8000, $0x38;
	[tilespmem:$0x10800] =	vst v63  }
0x58: {  	_ =	swait.ge [sflag:s10], $0x8000  }
0x59: {  	[sflag:s10] =	ssyncset.done $0x0  }
0x5a: {  	s0 =	rddreg [dreg:$0xa];
	[sflag:s10] =	ssyncadd.s32 $0xFFFF8000  }
0x5b: {  	[hbm4b:s0+s2] =	stream.linear.scatter [tilespmem:s7], [sflag:$0x4], $0x8000, $0x38;
	[tilespmem:$0x10800] =	vst v63  }
0x5c: {  	_ =	swait.ge [sflag:s8], $0x8000  }
0x5d: {  	[sflag:s8] =	ssyncset.done $0x0  }
0x5e: {  	[sflag:s8] =	ssyncadd.s32 $0xFFFF8000  }
0x5f: {  	_ =	swait.ge [sflag:s4], $0x8000  }
0x60: {  	[sflag:s4] =	ssyncset.done $0x0  }
0x61: {  	[sflag:s4] =	ssyncadd.s32 $0xFFFF8000  }
0x62: {  	[tilespmem:s9], [sflag:$0x1] =	stream.indirect.gather [hbm4b:s3+s4], $0x2000, s21, s4, $0xb8;
	[tilespmem:$0x10800] =	vst v63  }
0x63: {  	_ = 	snop  }
0x64: {  	[tilespmem:s7], [sflag:$0x2] =	stream.indirect.gather [hbm4b:s3+s4], $0x2000, s22, s4, $0xb8;
	[tilespmem:$0x10800] =	vst v63  }
0x65: {  	_ =	swait.ge [sflag:s11], $0x8000  }
0x66: {  	[sflag:s11] =	ssyncset.done $0x0  }
0x67: {  	s0 =	rddreg [dreg:$0xb];
	[sflag:s11] =	ssyncadd.s32 $0xFFFF8000  }
0x68: {  	[hbm4b:s0+s2] =	stream.linear.scatter [tilespmem:s9], [sflag:$0x3], $0x8000, $0x38;
	[tilespmem:$0x10800] =	vst v63  }
0x69: {  	_ =	swait.ge [sflag:s10], $0x8000  }
0x6a: {  	[sflag:s10] =	ssyncset.done $0x0  }
0x6b: {  	s0 =	rddreg [dreg:$0xc];
	[sflag:s10] =	ssyncadd.s32 $0xFFFF8000  }
0x6c: {  	[hbm4b:s0+s2] =	stream.linear.scatter [tilespmem:s7], [sflag:$0x4], $0x8000, $0x38;
	[tilespmem:$0x10800] =	vst v63  }
0x6d: {  	_ =	swait.ge [sflag:s8], $0x8000  }
0x6e: {  	[sflag:s8] =	ssyncset.done $0x0  }
0x6f: {  	[sflag:s8] =	ssyncadd.s32 $0xFFFF8000  }
0x70: {  	_ =	swait.ge [sflag:s4], $0x8000  }
0x71: {  	[sflag:s4] =	ssyncset.done $0x0  }
0x72: {  	[sflag:s4] =	ssyncadd.s32 $0xFFFF8000  }
0x73: {  	[tilespmem:s9], [sflag:$0x1] =	stream.indirect.gather [hbm4b:s3+s4], $0x2000, s19, s4, $0xb8;
	[tilespmem:$0x10800] =	vst v63  }
0x74: {  	_ = 	snop  }
0x75: {  	[tilespmem:s7], [sflag:$0x2] =	stream.indirect.gather [hbm4b:s3+s4], $0x2000, s20, s4, $0xb8;
	[tilespmem:$0x10800] =	vst v63  }
0x76: {  	_ =	swait.ge [sflag:s11], $0x8000  }
0x77: {  	[sflag:s11] =	ssyncset.done $0x0  }
0x78: {  	s0 =	rddreg [dreg:$0xd];
	[sflag:s11] =	ssyncadd.s32 $0xFFFF8000  }
0x79: {  	[hbm4b:s0+s2] =	stream.linear.scatter [tilespmem:s9], [sflag:$0x3], $0x8000, $0x38;
	[tilespmem:$0x10800] =	vst v63  }
0x7a: {  	_ =	swait.ge [sflag:s10], $0x8000  }
0x7b: {  	[sflag:s10] =	ssyncset.done $0x0  }
0x7c: {  	[sflag:s10] =	ssyncadd.s32 $0xFFFF8000  }
0x7d: {  	[hbm4b:s14+s2] =	stream.linear.scatter [tilespmem:s7], [sflag:$0x4], $0x8000, $0x38;
	[tilespmem:$0x10800] =	vst v63  }
0x7e: {  	_ =	swait.ge [sflag:s8], $0x8000  }
0x7f: {  	[sflag:s8] =	ssyncset.done $0x0  }
0x80: {  	[sflag:s8] =	ssyncadd.s32 $0xFFFF8000  }
0x81: {  	_ =	swait.ge [sflag:s4], $0x8000  }
0x82: {  	[sflag:s4] =	ssyncset.done $0x0  }
0x83: {  	[sflag:s4] =	ssyncadd.s32 $0xFFFF8000  }
0x84: {  	[tilespmem:s9], [sflag:$0x1] =	stream.indirect.gather [hbm4b:s3+s4], $0x2000, s17, s4, $0xb8;
	[tilespmem:$0x10800] =	vst v63  }
0x85: {  	_ = 	snop  }
0x86: {  	[tilespmem:s7], [sflag:$0x2] =	stream.indirect.gather [hbm4b:s3+s4], $0x2000, s18, s4, $0xb8;
	[tilespmem:$0x10800] =	vst v63  }
0x87: {  	_ =	swait.ge [sflag:s11], $0x8000  }
0x88: {  	[sflag:s11] =	ssyncset.done $0x0  }
0x89: {  	[sflag:s11] =	ssyncadd.s32 $0xFFFF8000  }
0x8a: {  	[hbm4b:s13+s2] =	stream.linear.scatter [tilespmem:s9], [sflag:$0x3], $0x8000, $0x38;
	[tilespmem:$0x10800] =	vst v63  }
0x8b: {  	_ =	swait.ge [sflag:s10], $0x8000  }
0x8c: {  	[sflag:s10] =	ssyncset.done $0x0  }
0x8d: {  	[sflag:s10] =	ssyncadd.s32 $0xFFFF8000  }
0x8e: {  	[hbm4b:s12+s2] =	stream.linear.scatter [tilespmem:s7], [sflag:$0x4], $0x8000, $0x38;
	[tilespmem:$0x10800] =	vst v63  }
0x8f: {  	_ =	swait.ge [sflag:s8], $0x8000  }
0x90: {  	[sflag:s8] =	ssyncset.done $0x0  }
0x91: {  	[sflag:s8] =	ssyncadd.s32 $0xFFFF8000  }
0x92: {  	_ =	swait.ge [sflag:s4], $0x8000  }
0x93: {  	[sflag:s4] =	ssyncset.done $0x0  }
0x94: {  	[sflag:s4] =	ssyncadd.s32 $0xFFFF8000  }
0x95: {  	[tilespmem:s9], [sflag:$0x1] =	stream.indirect.gather [hbm4b:s3+s4], $0x2000, s15, s4, $0xb8;
	[tilespmem:$0x10800] =	vst v63  }
0x96: {  	_ = 	snop  }
0x97: {  	[tilespmem:s7], [sflag:$0x2] =	stream.indirect.gather [hbm4b:s3+s4], $0x2000, s16, s4, $0xb8;
	[tilespmem:$0x10800] =	vst v63  }
0x98: {  	_ =	swait.ge [sflag:s11], $0x8000  }
0x99: {  	[sflag:s11] =	ssyncset.done $0x0  }
0x9a: {  	[sflag:s11] =	ssyncadd.s32 $0xFFFF8000  }
0x9b: {  	[hbm4b:s6+s2] =	stream.linear.scatter [tilespmem:s9], [sflag:$0x3], $0x8000, $0x38;
	[tilespmem:$0x10800] =	vst v63  }
0x9c: {  	_ =	swait.ge [sflag:s10], $0x8000  }
0x9d: {  	[sflag:s10] =	ssyncset.done $0x0  }
0x9e: {  	p1 =	sne.s32 s1, $0x1;
	[sflag:s10] =	ssyncadd.s32 $0xFFFF8000  }
0x9f: {  	[hbm4b:s5+s2] =	stream.linear.scatter [tilespmem:s7], [sflag:$0x4], $0x8000, $0x38;
	[tilespmem:$0x10800] =	vst v63  }
.Ltmp1:
0xa0: {  	_ =	swait.ge [sflag:s8], $0x8000;
	(pc) =	sbr.rel @!p1 .LBB2_3-.Ltmp1, $4  }
0xa1: {  	[sflag:s8] =	ssyncset.done $0x0  }
0xa2: {  	[sflag:s8] =	ssyncadd.s32 $0xFFFF8000  }
0xa3: {  	s1 =	sadd.s32 $0xFFFFFFFF, s1;
	_ =	swait.ge [sflag:s4], $0x8000  }
0xa4: {  	p0 =	por $0x1, $0x1;
	s0 =	rddreg [dreg:$0x2];
	[sflag:s4] =	ssyncset.done $0x0  }
.LBB2_2:
0xa5: {  	[sflag:s4] =	ssyncadd.s32 $0xFFFF8000  }
0xa6: {  	[tilespmem:s2], [sflag:$0x5] =	stream.linear.gather [hbm4b:s0+s2], $0x800, $0x38;
	[tilespmem:$0x10800] =	vst v63  }
0xa7: {  	_ =	swait.ge [sflag:s30], $0x800  }
0xa8: {  	[sflag:s30] =	ssyncset.done $0x0  }
0xa9: {  	[sflag:s30] =	ssyncadd.s32 $0xFFFFF800  }
0xaa: {  	[tilespmem:s9], [sflag:$0x1] =	stream.indirect.gather [hbm4b:s3+s4], $0x2000, s2, s4, $0xb8;
	[tilespmem:$0x10800] =	vst v63  }
0xab: {  	_ = 	snop  }
0xac: {  	[tilespmem:s7], [sflag:$0x2] =	stream.indirect.gather [hbm4b:s3+s4], $0x2000, s31, s4, $0xb8;
	[tilespmem:$0x10800] =	vst v63  }
0xad: {  	_ =	swait.ge [sflag:s11], $0x8000  }
0xae: {  	[sflag:s11] =	ssyncset.done $0x0  }
0xaf: {  	s0 =	rddreg [dreg:$0x3];
	[sflag:s11] =	ssyncadd.s32 $0xFFFF8000  }
0xb0: {  	[hbm4b:s0+s2] =	stream.linear.scatter [tilespmem:s9], [sflag:$0x3], $0x8000, $0x38;
	[tilespmem:$0x10800] =	vst v63  }
0xb1: {  	_ =	swait.ge [sflag:s10], $0x8000  }
0xb2: {  	[sflag:s10] =	ssyncset.done $0x0  }
0xb3: {  	s0 =	rddreg [dreg:$0x4];
	[sflag:s10] =	ssyncadd.s32 $0xFFFF8000  }
0xb4: {  	[hbm4b:s0+s2] =	stream.linear.scatter [tilespmem:s7], [sflag:$0x4], $0x8000, $0x38;
	[tilespmem:$0x10800] =	vst v63  }
0xb5: {  	_ =	swait.ge [sflag:s8], $0x8000  }
0xb6: {  	[sflag:s8] =	ssyncset.done $0x0  }
0xb7: {  	[sflag:s8] =	ssyncadd.s32 $0xFFFF8000  }
0xb8: {  	_ =	swait.ge [sflag:s4], $0x8000  }
0xb9: {  	[sflag:s4] =	ssyncset.done $0x0  }
0xba: {  	[sflag:s4] =	ssyncadd.s32 $0xFFFF8000  }
0xbb: {  	[tilespmem:s9], [sflag:$0x1] =	stream.indirect.gather [hbm4b:s3+s4], $0x2000, s28, s4, $0xb8;
	[tilespmem:$0x10800] =	vst v63  }
0xbc: {  	_ = 	snop  }
0xbd: {  	[tilespmem:s7], [sflag:$0x2] =	stream.indirect.gather [hbm4b:s3+s4], $0x2000, s29, s4, $0xb8;
	[tilespmem:$0x10800] =	vst v63  }
0xbe: {  	_ =	swait.ge [sflag:s11], $0x8000  }
0xbf: {  	[sflag:s11] =	ssyncset.done $0x0  }
0xc0: {  	s0 =	rddreg [dreg:$0x5];
	[sflag:s11] =	ssyncadd.s32 $0xFFFF8000  }
0xc1: {  	[hbm4b:s0+s2] =	stream.linear.scatter [tilespmem:s9], [sflag:$0x3], $0x8000, $0x38;
	[tilespmem:$0x10800] =	vst v63  }
0xc2: {  	_ =	swait.ge [sflag:s10], $0x8000  }
0xc3: {  	[sflag:s10] =	ssyncset.done $0x0  }
0xc4: {  	s0 =	rddreg [dreg:$0x6];
	[sflag:s10] =	ssyncadd.s32 $0xFFFF8000  }
0xc5: {  	[hbm4b:s0+s2] =	stream.linear.scatter [tilespmem:s7], [sflag:$0x4], $0x8000, $0x38;
	[tilespmem:$0x10800] =	vst v63  }
0xc6: {  	_ =	swait.ge [sflag:s8], $0x8000  }
0xc7: {  	[sflag:s8] =	ssyncset.done $0x0  }
0xc8: {  	[sflag:s8] =	ssyncadd.s32 $0xFFFF8000  }
0xc9: {  	_ =	swait.ge [sflag:s4], $0x8000  }
0xca: {  	[sflag:s4] =	ssyncset.done $0x0  }
0xcb: {  	[sflag:s4] =	ssyncadd.s32 $0xFFFF8000  }
0xcc: {  	[tilespmem:s9], [sflag:$0x1] =	stream.indirect.gather [hbm4b:s3+s4], $0x2000, s25, s4, $0xb8;
	[tilespmem:$0x10800] =	vst v63  }
0xcd: {  	_ = 	snop  }
0xce: {  	[tilespmem:s7], [sflag:$0x2] =	stream.indirect.gather [hbm4b:s3+s4], $0x2000, s26, s4, $0xb8;
	[tilespmem:$0x10800] =	vst v63  }
0xcf: {  	_ =	swait.ge [sflag:s11], $0x8000  }
0xd0: {  	[sflag:s11] =	ssyncset.done $0x0  }
0xd1: {  	s0 =	rddreg [dreg:$0x7];
	[sflag:s11] =	ssyncadd.s32 $0xFFFF8000  }
0xd2: {  	[hbm4b:s0+s2] =	stream.linear.scatter [tilespmem:s9], [sflag:$0x3], $0x8000, $0x38;
	[tilespmem:$0x10800] =	vst v63  }
0xd3: {  	_ =	swait.ge [sflag:s10], $0x8000  }
0xd4: {  	[sflag:s10] =	ssyncset.done $0x0  }
0xd5: {  	s0 =	rddreg [dreg:$0x8];
	[sflag:s10] =	ssyncadd.s32 $0xFFFF8000  }
0xd6: {  	[hbm4b:s0+s2] =	stream.linear.scatter [tilespmem:s7], [sflag:$0x4], $0x8000, $0x38;
	[tilespmem:$0x10800] =	vst v63  }
0xd7: {  	_ =	swait.ge [sflag:s8], $0x8000  }
0xd8: {  	[sflag:s8] =	ssyncset.done $0x0  }
0xd9: {  	[sflag:s8] =	ssyncadd.s32 $0xFFFF8000  }
0xda: {  	_ =	swait.ge [sflag:s4], $0x8000  }
0xdb: {  	[sflag:s4] =	ssyncset.done $0x0  }
0xdc: {  	[sflag:s4] =	ssyncadd.s32 $0xFFFF8000  }
0xdd: {  	[tilespmem:s9], [sflag:$0x1] =	stream.indirect.gather [hbm4b:s3+s4], $0x2000, s23, s4, $0xb8;
	[tilespmem:$0x10800] =	vst v63  }
0xde: {  	_ = 	snop  }
0xdf: {  	[tilespmem:s7], [sflag:$0x2] =	stream.indirect.gather [hbm4b:s3+s4], $0x2000, s24, s4, $0xb8;
	[tilespmem:$0x10800] =	vst v63  }
0xe0: {  	_ =	swait.ge [sflag:s11], $0x8000  }
0xe1: {  	[sflag:s11] =	ssyncset.done $0x0  }
0xe2: {  	s0 =	rddreg [dreg:$0x9];
	[sflag:s11] =	ssyncadd.s32 $0xFFFF8000  }
0xe3: {  	[hbm4b:s0+s2] =	stream.linear.scatter [tilespmem:s9], [sflag:$0x3], $0x8000, $0x38;
	[tilespmem:$0x10800] =	vst v63  }
0xe4: {  	_ =	swait.ge [sflag:s10], $0x8000  }
0xe5: {  	[sflag:s10] =	ssyncset.done $0x0  }
0xe6: {  	s0 =	rddreg [dreg:$0xa];
	[sflag:s10] =	ssyncadd.s32 $0xFFFF8000  }
0xe7: {  	[hbm4b:s0+s2] =	stream.linear.scatter [tilespmem:s7], [sflag:$0x4], $0x8000, $0x38;
	[tilespmem:$0x10800] =	vst v63  }
0xe8: {  	_ =	swait.ge [sflag:s8], $0x8000  }
0xe9: {  	[sflag:s8] =	ssyncset.done $0x0  }
0xea: {  	[sflag:s8] =	ssyncadd.s32 $0xFFFF8000  }
0xeb: {  	_ =	swait.ge [sflag:s4], $0x8000  }
0xec: {  	[sflag:s4] =	ssyncset.done $0x0  }
0xed: {  	[sflag:s4] =	ssyncadd.s32 $0xFFFF8000  }
0xee: {  	[tilespmem:s9], [sflag:$0x1] =	stream.indirect.gather [hbm4b:s3+s4], $0x2000, s21, s4, $0xb8;
	[tilespmem:$0x10800] =	vst v63  }
0xef: {  	_ = 	snop  }
0xf0: {  	[tilespmem:s7], [sflag:$0x2] =	stream.indirect.gather [hbm4b:s3+s4], $0x2000, s22, s4, $0xb8;
	[tilespmem:$0x10800] =	vst v63  }
0xf1: {  	_ =	swait.ge [sflag:s11], $0x8000  }
0xf2: {  	[sflag:s11] =	ssyncset.done $0x0  }
0xf3: {  	s0 =	rddreg [dreg:$0xb];
	[sflag:s11] =	ssyncadd.s32 $0xFFFF8000  }
0xf4: {  	[hbm4b:s0+s2] =	stream.linear.scatter [tilespmem:s9], [sflag:$0x3], $0x8000, $0x38;
	[tilespmem:$0x10800] =	vst v63  }
0xf5: {  	_ =	swait.ge [sflag:s10], $0x8000  }
0xf6: {  	[sflag:s10] =	ssyncset.done $0x0  }
0xf7: {  	s0 =	rddreg [dreg:$0xc];
	[sflag:s10] =	ssyncadd.s32 $0xFFFF8000  }
0xf8: {  	[hbm4b:s0+s2] =	stream.linear.scatter [tilespmem:s7], [sflag:$0x4], $0x8000, $0x38;
	[tilespmem:$0x10800] =	vst v63  }
0xf9: {  	_ =	swait.ge [sflag:s8], $0x8000  }
0xfa: {  	[sflag:s8] =	ssyncset.done $0x0  }
0xfb: {  	[sflag:s8] =	ssyncadd.s32 $0xFFFF8000  }
0xfc: {  	_ =	swait.ge [sflag:s4], $0x8000  }
0xfd: {  	[sflag:s4] =	ssyncset.done $0x0  }
0xfe: {  	[sflag:s4] =	ssyncadd.s32 $0xFFFF8000  }
0xff: {  	[tilespmem:s9], [sflag:$0x1] =	stream.indirect.gather [hbm4b:s3+s4], $0x2000, s19, s4, $0xb8;
	[tilespmem:$0x10800] =	vst v63  }
0x100: {  	_ = 	snop  }
0x101: {  	[tilespmem:s7], [sflag:$0x2] =	stream.indirect.gather [hbm4b:s3+s4], $0x2000, s20, s4, $0xb8;
	[tilespmem:$0x10800] =	vst v63  }
0x102: {  	_ =	swait.ge [sflag:s11], $0x8000  }
0x103: {  	[sflag:s11] =	ssyncset.done $0x0  }
0x104: {  	s0 =	rddreg [dreg:$0xd];
	[sflag:s11] =	ssyncadd.s32 $0xFFFF8000  }
0x105: {  	[hbm4b:s0+s2] =	stream.linear.scatter [tilespmem:s9], [sflag:$0x3], $0x8000, $0x38;
	[tilespmem:$0x10800] =	vst v63  }
0x106: {  	_ =	swait.ge [sflag:s10], $0x8000  }
0x107: {  	[sflag:s10] =	ssyncset.done $0x0  }
0x108: {  	[sflag:s10] =	ssyncadd.s32 $0xFFFF8000  }
0x109: {  	[hbm4b:s14+s2] =	stream.linear.scatter [tilespmem:s7], [sflag:$0x4], $0x8000, $0x38;
	[tilespmem:$0x10800] =	vst v63  }
0x10a: {  	_ =	swait.ge [sflag:s8], $0x8000  }
0x10b: {  	[sflag:s8] =	ssyncset.done $0x0  }
0x10c: {  	[sflag:s8] =	ssyncadd.s32 $0xFFFF8000  }
0x10d: {  	_ =	swait.ge [sflag:s4], $0x8000  }
0x10e: {  	[sflag:s4] =	ssyncset.done $0x0  }
0x10f: {  	[sflag:s4] =	ssyncadd.s32 $0xFFFF8000  }
0x110: {  	[tilespmem:s9], [sflag:$0x1] =	stream.indirect.gather [hbm4b:s3+s4], $0x2000, s17, s4, $0xb8;
	[tilespmem:$0x10800] =	vst v63  }
0x111: {  	_ = 	snop  }
0x112: {  	[tilespmem:s7], [sflag:$0x2] =	stream.indirect.gather [hbm4b:s3+s4], $0x2000, s18, s4, $0xb8;
	[tilespmem:$0x10800] =	vst v63  }
0x113: {  	_ =	swait.ge [sflag:s11], $0x8000  }
0x114: {  	[sflag:s11] =	ssyncset.done $0x0  }
0x115: {  	[sflag:s11] =	ssyncadd.s32 $0xFFFF8000  }
0x116: {  	[hbm4b:s13+s2] =	stream.linear.scatter [tilespmem:s9], [sflag:$0x3], $0x8000, $0x38;
	[tilespmem:$0x10800] =	vst v63  }
0x117: {  	_ =	swait.ge [sflag:s10], $0x8000  }
0x118: {  	[sflag:s10] =	ssyncset.done $0x0  }
0x119: {  	[sflag:s10] =	ssyncadd.s32 $0xFFFF8000  }
0x11a: {  	[hbm4b:s12+s2] =	stream.linear.scatter [tilespmem:s7], [sflag:$0x4], $0x8000, $0x38;
	[tilespmem:$0x10800] =	vst v63  }
0x11b: {  	_ =	swait.ge [sflag:s8], $0x8000  }
0x11c: {  	[sflag:s8] =	ssyncset.done $0x0  }
0x11d: {  	[sflag:s8] =	ssyncadd.s32 $0xFFFF8000  }
0x11e: {  	_ =	swait.ge [sflag:s4], $0x8000  }
0x11f: {  	[sflag:s4] =	ssyncset.done $0x0  }
0x120: {  	[sflag:s4] =	ssyncadd.s32 $0xFFFF8000  }
0x121: {  	[tilespmem:s9], [sflag:$0x1] =	stream.indirect.gather [hbm4b:s3+s4], $0x2000, s15, s4, $0xb8;
	[tilespmem:$0x10800] =	vst v63  }
0x122: {  	_ = 	snop  }
0x123: {  	[tilespmem:s7], [sflag:$0x2] =	stream.indirect.gather [hbm4b:s3+s4], $0x2000, s16, s4, $0xb8;
	[tilespmem:$0x10800] =	vst v63  }
0x124: {  	_ =	swait.ge [sflag:s11], $0x8000  }
0x125: {  	[sflag:s11] =	ssyncset.done $0x0  }
0x126: {  	[sflag:s11] =	ssyncadd.s32 $0xFFFF8000  }
0x127: {  	[hbm4b:s6+s2] =	stream.linear.scatter [tilespmem:s9], [sflag:$0x3], $0x8000, $0x38;
	[tilespmem:$0x10800] =	vst v63  }
0x128: {  	_ =	swait.ge [sflag:s10], $0x8000  }
0x129: {  	[sflag:s10] =	ssyncset.done $0x0  }
0x12a: {  	p1 =	sne.s32 s1, $0x1;
	[sflag:s10] =	ssyncadd.s32 $0xFFFF8000  }
0x12b: {  	[hbm4b:s5+s2] =	stream.linear.scatter [tilespmem:s7], [sflag:$0x4], $0x8000, $0x38;
	[tilespmem:$0x10800] =	vst v63  }
.Ltmp2:
0x12c: {  	_ =	swait.ge [sflag:s8], $0x8000;
	(pc) =	sbr.rel @p1 .LBB2_2-.Ltmp2, $4  }
0x12d: {  	[sflag:s8] =	ssyncset.done $0x0  }
0x12e: {  	[sflag:s8] =	ssyncadd.s32 $0xFFFF8000  }
0x12f: {  	_ =	swait.ge [sflag:s4], $0x8000  }
0x130: {  	s1 =	sadd.s32 $0xFFFFFFFF, s1;
	s0 =	rddreg [dreg:$0x2];
	[sflag:s4] =	ssyncset.done $0x0  }
.LBB2_3:
0x131: {  	[sflag:s4] =	ssyncadd.s32 @p0 $0xFFFF8000  }
0x132: {  	[tilespmem:s2], [sflag:$0x5] =	stream.linear.gather [hbm4b:s0+s2], $0x800, $0x38;
	[tilespmem:$0x10800] =	vst v63  }
0x133: {  	_ =	swait.ge [sflag:s30], $0x800  }
0x134: {  	[sflag:s30] =	ssyncset.done $0x0  }
0x135: {  	[sflag:s30] =	ssyncadd.s32 $0xFFFFF800  }
0x136: {  	[tilespmem:s9], [sflag:$0x1] =	stream.indirect.gather [hbm4b:s3+s4], $0x2000, s2, s4, $0xb8;
	[tilespmem:$0x10800] =	vst v63  }
0x137: {  	_ = 	snop  }
0x138: {  	[tilespmem:s7], [sflag:$0x2] =	stream.indirect.gather [hbm4b:s3+s4], $0x2000, s31, s4, $0xb8;
	[tilespmem:$0x10800] =	vst v63  }
0x139: {  	_ =	swait.ge [sflag:s11], $0x8000  }
0x13a: {  	[sflag:s11] =	ssyncset.done $0x0  }
0x13b: {  	s31 =	rddreg [dreg:$0x3];
	[sflag:s11] =	ssyncadd.s32 $0xFFFF8000  }
0x13c: {  	[hbm4b:s31+s2] =	stream.linear.scatter [tilespmem:s9], [sflag:$0x3], $0x8000, $0x38;
	[tilespmem:$0x10800] =	vst v63  }
0x13d: {  	_ =	swait.ge [sflag:s10], $0x8000  }
0x13e: {  	[sflag:s10] =	ssyncset.done $0x0  }
0x13f: {  	s1 =	rddreg [dreg:$0x4];
	[sflag:s10] =	ssyncadd.s32 $0xFFFF8000  }
0x140: {  	[hbm4b:s1+s2] =	stream.linear.scatter [tilespmem:s7], [sflag:$0x4], $0x8000, $0x38;
	[tilespmem:$0x10800] =	vst v63  }
0x141: {  	_ =	swait.ge [sflag:s8], $0x8000  }
0x142: {  	[sflag:s8] =	ssyncset.done $0x0  }
0x143: {  	[sflag:s8] =	ssyncadd.s32 $0xFFFF8000  }
0x144: {  	_ =	swait.ge [sflag:s4], $0x8000  }
0x145: {  	[sflag:s4] =	ssyncset.done $0x0  }
0x146: {  	[sflag:s4] =	ssyncadd.s32 $0xFFFF8000  }
0x147: {  	[tilespmem:s9], [sflag:$0x1] =	stream.indirect.gather [hbm4b:s3+s4], $0x2000, s28, s4, $0xb8;
	[tilespmem:$0x10800] =	vst v63  }
0x148: {  	_ = 	snop  }
0x149: {  	[tilespmem:s7], [sflag:$0x2] =	stream.indirect.gather [hbm4b:s3+s4], $0x2000, s29, s4, $0xb8;
	[tilespmem:$0x10800] =	vst v63  }
0x14a: {  	_ =	swait.ge [sflag:s11], $0x8000  }
0x14b: {  	[sflag:s11] =	ssyncset.done $0x0  }
0x14c: {  	s29 =	rddreg [dreg:$0x5];
	[sflag:s11] =	ssyncadd.s32 $0xFFFF8000  }
0x14d: {  	[hbm4b:s29+s2] =	stream.linear.scatter [tilespmem:s9], [sflag:$0x3], $0x8000, $0x38;
	[tilespmem:$0x10800] =	vst v63  }
0x14e: {  	_ =	swait.ge [sflag:s10], $0x8000  }
0x14f: {  	[sflag:s10] =	ssyncset.done $0x0  }
0x150: {  	s30 =	rddreg [dreg:$0x6];
	[sflag:s10] =	ssyncadd.s32 $0xFFFF8000  }
0x151: {  	[hbm4b:s30+s2] =	stream.linear.scatter [tilespmem:s7], [sflag:$0x4], $0x8000, $0x38;
	[tilespmem:$0x10800] =	vst v63  }
0x152: {  	_ =	swait.ge [sflag:s8], $0x8000  }
0x153: {  	[sflag:s8] =	ssyncset.done $0x0  }
0x154: {  	[sflag:s8] =	ssyncadd.s32 $0xFFFF8000  }
0x155: {  	_ =	swait.ge [sflag:s4], $0x8000  }
0x156: {  	[sflag:s4] =	ssyncset.done $0x0  }
0x157: {  	[sflag:s4] =	ssyncadd.s32 $0xFFFF8000  }
0x158: {  	[tilespmem:s9], [sflag:$0x1] =	stream.indirect.gather [hbm4b:s3+s4], $0x2000, s25, s4, $0xb8;
	[tilespmem:$0x10800] =	vst v63  }
0x159: {  	_ = 	snop  }
0x15a: {  	[tilespmem:s7], [sflag:$0x2] =	stream.indirect.gather [hbm4b:s3+s4], $0x2000, s26, s4, $0xb8;
	[tilespmem:$0x10800] =	vst v63  }
0x15b: {  	_ =	swait.ge [sflag:s11], $0x8000  }
0x15c: {  	[sflag:s11] =	ssyncset.done $0x0  }
0x15d: {  	s31 =	rddreg [dreg:$0x7];
	[sflag:s11] =	ssyncadd.s32 $0xFFFF8000  }
0x15e: {  	[hbm4b:s31+s2] =	stream.linear.scatter [tilespmem:s9], [sflag:$0x3], $0x8000, $0x38;
	[tilespmem:$0x10800] =	vst v63  }
0x15f: {  	_ =	swait.ge [sflag:s10], $0x8000  }
0x160: {  	[sflag:s10] =	ssyncset.done $0x0  }
0x161: {  	s1 =	rddreg [dreg:$0x8];
	[sflag:s10] =	ssyncadd.s32 $0xFFFF8000  }
0x162: {  	[hbm4b:s1+s2] =	stream.linear.scatter [tilespmem:s7], [sflag:$0x4], $0x8000, $0x38;
	[tilespmem:$0x10800] =	vst v63  }
0x163: {  	_ =	swait.ge [sflag:s8], $0x8000  }
0x164: {  	[sflag:s8] =	ssyncset.done $0x0  }
0x165: {  	[sflag:s8] =	ssyncadd.s32 $0xFFFF8000  }
0x166: {  	_ =	swait.ge [sflag:s4], $0x8000  }
0x167: {  	[sflag:s4] =	ssyncset.done $0x0  }
0x168: {  	[sflag:s4] =	ssyncadd.s32 $0xFFFF8000  }
0x169: {  	[tilespmem:s9], [sflag:$0x1] =	stream.indirect.gather [hbm4b:s3+s4], $0x2000, s23, s4, $0xb8;
	[tilespmem:$0x10800] =	vst v63  }
0x16a: {  	_ = 	snop  }
0x16b: {  	[tilespmem:s7], [sflag:$0x2] =	stream.indirect.gather [hbm4b:s3+s4], $0x2000, s24, s4, $0xb8;
	[tilespmem:$0x10800] =	vst v63  }
0x16c: {  	_ =	swait.ge [sflag:s11], $0x8000  }
0x16d: {  	[sflag:s11] =	ssyncset.done $0x0  }
0x16e: {  	s25 =	rddreg [dreg:$0x9];
	[sflag:s11] =	ssyncadd.s32 $0xFFFF8000  }
0x16f: {  	[hbm4b:s25+s2] =	stream.linear.scatter [tilespmem:s9], [sflag:$0x3], $0x8000, $0x38;
	[tilespmem:$0x10800] =	vst v63  }
0x170: {  	_ =	swait.ge [sflag:s10], $0x8000  }
0x171: {  	[sflag:s10] =	ssyncset.done $0x0  }
0x172: {  	s26 =	rddreg [dreg:$0xa];
	[sflag:s10] =	ssyncadd.s32 $0xFFFF8000  }
0x173: {  	[hbm4b:s26+s2] =	stream.linear.scatter [tilespmem:s7], [sflag:$0x4], $0x8000, $0x38;
	[tilespmem:$0x10800] =	vst v63  }
0x174: {  	_ =	swait.ge [sflag:s8], $0x8000  }
0x175: {  	[sflag:s8] =	ssyncset.done $0x0  }
0x176: {  	[sflag:s8] =	ssyncadd.s32 $0xFFFF8000  }
0x177: {  	_ =	swait.ge [sflag:s4], $0x8000  }
0x178: {  	[sflag:s4] =	ssyncset.done $0x0  }
0x179: {  	[sflag:s4] =	ssyncadd.s32 $0xFFFF8000  }
0x17a: {  	[tilespmem:s9], [sflag:$0x1] =	stream.indirect.gather [hbm4b:s3+s4], $0x2000, s21, s4, $0xb8;
	[tilespmem:$0x10800] =	vst v63  }
0x17b: {  	_ = 	snop  }
0x17c: {  	[tilespmem:s7], [sflag:$0x2] =	stream.indirect.gather [hbm4b:s3+s4], $0x2000, s22, s4, $0xb8;
	[tilespmem:$0x10800] =	vst v63  }
0x17d: {  	_ =	swait.ge [sflag:s11], $0x8000  }
0x17e: {  	[sflag:s11] =	ssyncset.done $0x0  }
0x17f: {  	s28 =	rddreg [dreg:$0xb];
	[sflag:s11] =	ssyncadd.s32 $0xFFFF8000  }
0x180: {  	[hbm4b:s28+s2] =	stream.linear.scatter [tilespmem:s9], [sflag:$0x3], $0x8000, $0x38;
	[tilespmem:$0x10800] =	vst v63  }
0x181: {  	_ =	swait.ge [sflag:s10], $0x8000  }
0x182: {  	[sflag:s10] =	ssyncset.done $0x0  }
0x183: {  	s29 =	rddreg [dreg:$0xc];
	[sflag:s10] =	ssyncadd.s32 $0xFFFF8000  }
0x184: {  	[hbm4b:s29+s2] =	stream.linear.scatter [tilespmem:s7], [sflag:$0x4], $0x8000, $0x38;
	[tilespmem:$0x10800] =	vst v63  }
0x185: {  	_ =	swait.ge [sflag:s8], $0x8000  }
0x186: {  	[sflag:s8] =	ssyncset.done $0x0  }
0x187: {  	[sflag:s8] =	ssyncadd.s32 $0xFFFF8000  }
0x188: {  	_ =	swait.ge [sflag:s4], $0x8000  }
0x189: {  	[sflag:s4] =	ssyncset.done $0x0  }
0x18a: {  	[sflag:s4] =	ssyncadd.s32 $0xFFFF8000  }
0x18b: {  	[tilespmem:s9], [sflag:$0x1] =	stream.indirect.gather [hbm4b:s3+s4], $0x2000, s19, s4, $0xb8;
	[tilespmem:$0x10800] =	vst v63  }
0x18c: {  	_ = 	snop  }
0x18d: {  	[tilespmem:s7], [sflag:$0x2] =	stream.indirect.gather [hbm4b:s3+s4], $0x2000, s20, s4, $0xb8;
	[tilespmem:$0x10800] =	vst v63  }
0x18e: {  	_ =	swait.ge [sflag:s11], $0x8000  }
0x18f: {  	[sflag:s11] =	ssyncset.done $0x0  }
0x190: {  	s30 =	rddreg [dreg:$0xd];
	[sflag:s11] =	ssyncadd.s32 $0xFFFF8000  }
0x191: {  	[hbm4b:s30+s2] =	stream.linear.scatter [tilespmem:s9], [sflag:$0x3], $0x8000, $0x38;
	[tilespmem:$0x10800] =	vst v63  }
0x192: {  	_ =	swait.ge [sflag:s10], $0x8000  }
0x193: {  	[sflag:s10] =	ssyncset.done $0x0  }
0x194: {  	[sflag:s10] =	ssyncadd.s32 $0xFFFF8000  }
0x195: {  	[hbm4b:s14+s2] =	stream.linear.scatter [tilespmem:s7], [sflag:$0x4], $0x8000, $0x38;
	[tilespmem:$0x10800] =	vst v63  }
0x196: {  	_ =	swait.ge [sflag:s8], $0x8000  }
0x197: {  	[sflag:s8] =	ssyncset.done $0x0  }
0x198: {  	[sflag:s8] =	ssyncadd.s32 $0xFFFF8000  }
0x199: {  	_ =	swait.ge [sflag:s4], $0x8000  }
0x19a: {  	[sflag:s4] =	ssyncset.done $0x0  }
0x19b: {  	[sflag:s4] =	ssyncadd.s32 $0xFFFF8000  }
0x19c: {  	[tilespmem:s9], [sflag:$0x1] =	stream.indirect.gather [hbm4b:s3+s4], $0x2000, s17, s4, $0xb8;
	[tilespmem:$0x10800] =	vst v63  }
0x19d: {  	_ = 	snop  }
0x19e: {  	[tilespmem:s7], [sflag:$0x2] =	stream.indirect.gather [hbm4b:s3+s4], $0x2000, s18, s4, $0xb8;
	[tilespmem:$0x10800] =	vst v63  }
0x19f: {  	_ =	swait.ge [sflag:s11], $0x8000  }
0x1a0: {  	[sflag:s11] =	ssyncset.done $0x0  }
0x1a1: {  	[sflag:s11] =	ssyncadd.s32 $0xFFFF8000  }
0x1a2: {  	[hbm4b:s13+s2] =	stream.linear.scatter [tilespmem:s9], [sflag:$0x3], $0x8000, $0x38;
	[tilespmem:$0x10800] =	vst v63  }
0x1a3: {  	_ =	swait.ge [sflag:s10], $0x8000  }
0x1a4: {  	[sflag:s10] =	ssyncset.done $0x0  }
0x1a5: {  	[sflag:s10] =	ssyncadd.s32 $0xFFFF8000  }
0x1a6: {  	[hbm4b:s12+s2] =	stream.linear.scatter [tilespmem:s7], [sflag:$0x4], $0x8000, $0x38;
	[tilespmem:$0x10800] =	vst v63  }
0x1a7: {  	_ =	swait.ge [sflag:s8], $0x8000  }
0x1a8: {  	[sflag:s8] =	ssyncset.done $0x0  }
0x1a9: {  	[sflag:s8] =	ssyncadd.s32 $0xFFFF8000  }
0x1aa: {  	_ =	swait.ge [sflag:s4], $0x8000  }
0x1ab: {  	[sflag:s4] =	ssyncset.done $0x0  }
0x1ac: {  	[sflag:s4] =	ssyncadd.s32 $0xFFFF8000  }
0x1ad: {  	[tilespmem:s9], [sflag:$0x1] =	stream.indirect.gather [hbm4b:s3+s4], $0x2000, s15, s4, $0xb8;
	[tilespmem:$0x10800] =	vst v63  }
0x1ae: {  	_ = 	snop  }
0x1af: {  	[tilespmem:s7], [sflag:$0x2] =	stream.indirect.gather [hbm4b:s3+s4], $0x2000, s16, s4, $0xb8;
	[tilespmem:$0x10800] =	vst v63  }
0x1b0: {  	_ =	swait.ge [sflag:s11], $0x8000  }
0x1b1: {  	[sflag:s11] =	ssyncset.done $0x0  }
0x1b2: {  	[sflag:s11] =	ssyncadd.s32 $0xFFFF8000  }
0x1b3: {  	[hbm4b:s6+s2] =	stream.linear.scatter [tilespmem:s9], [sflag:$0x3], $0x8000, $0x38;
	[tilespmem:$0x10800] =	vst v63  }
0x1b4: {  	_ =	swait.ge [sflag:s10], $0x8000  }
0x1b5: {  	[sflag:s10] =	ssyncset.done $0x0  }
0x1b6: {  	[sflag:s10] =	ssyncadd.s32 $0xFFFF8000  }
0x1b7: {  	[hbm4b:s5+s2] =	stream.linear.scatter [tilespmem:s7], [sflag:$0x4], $0x8000, $0x38;
	[tilespmem:$0x10800] =	vst v63  }
0x1b8: {  	_ =	swait.ge [sflag:s8], $0x8000  }
0x1b9: {  	[sflag:s8] =	ssyncset.done $0x0  }
0x1ba: {  	[sflag:s8] =	ssyncadd.s32 $0xFFFF8000  }
0x1bb: {  	_ =	swait.ge [sflag:s4], $0x8000  }
0x1bc: {  	[sflag:s4] =	ssyncset.done $0x0  }
0x1bd: {  	[sflag:s4] =	ssyncadd.s32 $0xFFFF8000  }
0x1be: {  	_ =	sfence.sel $0x180000  }
0x1bf: {  	[bflag:$0x0] =	sbarrier.arrive $0xFFFF  }
0x1c0: {  	_ =	strace $0x90000050  }
0x1c1: {  	s31 =	stileid.u32;
	[bflag:$0x2] =	sbarrier.arrive $0xFFFF  }
0x1c2: {  	p0 =	sne.s32 s31, $0x0;
	s0 =	rddreg [dreg:$0x1]  }
0x1c3: {  	s0 =	sadd.s32 @!p0 $0x100000, s0  }
0x1c4: {  	[sflag:s0] =	ssyncadd.tile.s32 @!p0 $0x1;
	_ =	shalt  }
.Lfunc_end2:
_tile_overlayer_lowered:
.L_overlay_start_2:
0x1c5: {  	(tag) =	ssettag $0x2  }
0x1c6: {  	s0 =	rddreg [dreg:$0x0];
	s2 =	stileid.u32  }
0x1c7: {  	s1 =	rddreg [dreg:$0x1];
	p0 =	sne.s32 s2, $0x0  }
0x1c8: {  	s3 =	rddreg [dreg:$0x2];
	[bflag:$0x3] =	sbarrier.arrive $0xFFFF;
	s2 =	simm.s32 @!p0 $0x1C05  }
0x1c9: {  	[timem:s3], [sflag:s2] =	dma.local @!p0 [hbm:s0], s1  }
0x1ca: {  	s0 =	simm.s32 @!p0 $0x5  }
0x1cb: {  	_ =	swait.ge @!p0 [sflag:s0], s1  }
0x1cc: {  	s1 =	ssub.s32 @!p0 $0x0, s1;
	[sflag:s0] =	ssyncset.done @!p0 $0x0  }
0x1cd: {  	[sflag:s0] =	ssyncadd.s32 @!p0 s1  }
0x1ce: {  	[bflag:$0x3] =	sbarrier.arrive $0xFFFF  }
0x1cf: {  	_ =	shalt  }

</sc_bundles>
